<compile_context>
chip_gen: v7x
topology: tpu7x:2x2x1
jax: 0.10.2.dev20260603
libtpu: 0.0.44.dev20260713+nightly
codegen_flags: <defaults>
</compile_context>

<pallas_src>
import functools

import jax
import jax.numpy as jnp
from jax import lax
from jax.experimental import pallas as pl
from jax.experimental.pallas import tpu as pltpu
from jax.experimental.pallas import tpu_sc as plsc

N = 10000
D = 512
K2 = 8
NC, NS = 2, 16
NW = NC * NS
BP = 10240
NPW = BP // NW
NG = NPW // 16


def _lrelu(x):
    return jnp.where(x >= 0, x, x * 0.2)



def _proj_scal_body(x_ref, w_ref, o_ref):
    o_ref[...] = jnp.dot(x_ref[...], w_ref[...],
                         preferred_element_type=jnp.float32)


def _proj_scalars(comb, wc128):
    grid = 10
    blk = (2 * N) // grid
    return pl.pallas_call(
        _proj_scal_body,
        grid=(grid,),
        in_specs=[
            pl.BlockSpec((blk, D), lambda i: (i, 0)),
            pl.BlockSpec((D, 128), lambda i: (0, 0)),
        ],
        out_specs=pl.BlockSpec((blk, 128), lambda i: (i, 0)),
        out_shape=jax.ShapeDtypeStruct((2 * N, 128), jnp.float32),
    )(comb, wc128)



def _out_proj_body(x_ref, w_ref, b_ref, o_ref):
    acc = lax.dot_general(x_ref[...], w_ref[...],
                          (((1,), (1,)), ((), ())),
                          preferred_element_type=jnp.float32)
    o_ref[...] = acc + b_ref[...]


def _out_proj(x, w, b):
    grid = BP // 512
    return pl.pallas_call(
        _out_proj_body,
        grid=(grid,),
        in_specs=[
            pl.BlockSpec((512, D), lambda i: (i, 0)),
            pl.BlockSpec((D, D), lambda i: (0, 0)),
            pl.BlockSpec((1, D), lambda i: (0, 0)),
        ],
        out_specs=pl.BlockSpec((512, D), lambda i: (i, 0)),
        out_shape=jax.ShapeDtypeStruct((BP, D), jnp.float32),
    )(x, w, b)



def _sc_body(comb_hbm, na_hbm, nb_hbm, tgt_hbm,
             sa_h, qa_h, sb_h, qb_h, wt_h, qt_h,
             out_hbm,
             tsa, tqa, tsb, tqb, twt, tqt,
             nav, nbv, tgtv, betv,
             rowsb, tgtb, outb, rsem, osem, tsem):
    wid = lax.axis_index("s") * NC + lax.axis_index("c")
    base = wid * NPW

    pltpu.sync_copy(sa_h, tsa)
    pltpu.sync_copy(qa_h, tqa)
    pltpu.sync_copy(sb_h, tsb)
    pltpu.sync_copy(qb_h, tqb)
    pltpu.sync_copy(wt_h, twt)
    pltpu.sync_copy(qt_h, tqt)
    pltpu.sync_copy(na_hbm.at[pl.ds(base * K2, NPW * K2)], nav)
    pltpu.sync_copy(nb_hbm.at[pl.ds(base * K2, NPW * K2)], nbv)
    pltpu.sync_copy(tgt_hbm.at[pl.ds(base, NPW)], tgtv)

    iota = lax.broadcasted_iota(jnp.int32, (16,), 0)

    def group_a(g, carry):
        gb = g * 16
        tgt = tgtv[pl.ds(gb, 16)]
        t_w = plsc.load_gather(twt, [tgt])
        t_q = plsc.load_gather(tqt, [tgt])
        qacc_a = jnp.zeros((16,), jnp.float32)
        qacc_b = jnp.zeros((16,), jnp.float32)
        ek = []
        for k in range(K2):
            ids = plsc.load_gather(nav, [iota * K2 + (gb * K2 + k)])
            qacc_a = qacc_a + plsc.load_gather(tqa, [ids])
            s = plsc.load_gather(tsa, [ids])
            ek.append(jnp.exp(_lrelu(t_w + s)))
        for k in range(K2):
            ids = plsc.load_gather(nbv, [iota * K2 + (gb * K2 + k)])
            qacc_b = qacc_b + plsc.load_gather(tqb, [ids])
            s = plsc.load_gather(tsb, [ids])
            ek.append(jnp.exp(_lrelu(t_w + s)))
        log_a = _lrelu(t_q + qacc_a * (1.0 / K2))
        log_b = _lrelu(t_q + qacc_b * (1.0 / K2))
        m = jnp.maximum(log_a, log_b)
        ea = jnp.exp(log_a - m)
        eb = jnp.exp(log_b - m)
        inv = 1.0 / (ea + eb)
        al_a = ea * inv
        al_b = eb * inv
        u = [ek[k] * al_a for k in range(K2)] + \
            [ek[K2 + k] * al_b for k in range(K2)]
        mu = u[0]
        for k in range(1, 16):
            mu = jnp.maximum(mu, u[k])
        w = [jnp.exp(u[k] - mu) for k in range(16)]
        ssum = w[0]
        for k in range(1, 16):
            ssum = ssum + w[k]
        inv_s = 1.0 / ssum
        for k in range(16):
            plsc.store_scatter(betv, [iota * 16 + (gb * 16 + k)],
                               w[k] * inv_s)
        return carry

    lax.fori_loop(0, NG, group_a, 0)

    def _node_idx(n):
        ia = plsc.load_gather(nav, [n * K2 + (iota & (K2 - 1))])
        ib = plsc.load_gather(nbv, [n * K2 + (iota & (K2 - 1))]) + N
        return jnp.where(iota < K2, ia, ib)

    def _fire_node(n, sem):
        slot = n & 3
        return pltpu.async_copy(comb_hbm.at[_node_idx(n)],
                                rowsb.at[pl.ds(slot * 16, 16)], sem)

    def _fire_tgt(g, sem):
        tvec = tgtv[pl.ds(g * 16, 16)]
        return pltpu.async_copy(comb_hbm.at[tvec],
                                tgtb.at[pl.ds((g & 1) * 16, 16)], sem)

    _dn = lax.GatherDimensionNumbers(offset_dims=(),
                                     collapsed_slice_dims=(0,),
                                     start_index_map=(0,))

    def _compute_node(n, rowbase, tgtrow, orow):
        bvec = betv[pl.ds(n * 16, 16)]
        init = tuple(tgtb[tgtrow, pl.ds(c * 16, 16)]
                     for c in range(D // 16))

        def kbody(k, accs):
            bk = lax.gather(bvec, jnp.full((16, 1), k, jnp.int32), _dn,
                            slice_sizes=(1,),
                            mode=lax.GatherScatterMode.PROMISE_IN_BOUNDS)
            row = rowbase + k
            return tuple(accs[c] + bk * rowsb[row, pl.ds(c * 16, 16)]
                         for c in range(D // 16))

        accs = lax.fori_loop(0, 16, kbody, init)
        for c in range(D // 16):
            outb[orow, pl.ds(c * 16, 16)] = accs[c]

    _fire_tgt(0, tsem).wait()
    _fire_node(0, rsem).wait()
    _fire_node(1, tsem).wait()

    def node2_b(q, carry):
        n0 = 2 * q
        d_e = _fire_node(jnp.minimum(n0 + 2, NPW - 1), rsem)
        d_o = _fire_node(jnp.minimum(n0 + 3, NPW - 1), osem)
        g = q // 8

        @pl.when((q & 7) == 0)
        def _():
            _fire_tgt(jnp.minimum(g + 1, NG - 1), tsem).wait()

        i0 = n0 - g * 16
        tb = (g & 1) * 16
        _compute_node(n0, (n0 & 3) * 16, tb + i0, n0 & 7)
        _compute_node(n0 + 1, ((n0 + 1) & 3) * 16, tb + i0 + 1,
                      (n0 + 1) & 7)

        @pl.when((q & 3) == 3)
        def _():
            pltpu.sync_copy(outb,
                            out_hbm.at[pl.ds(base + (q // 4) * 8, 8)])

        d_e.wait()
        d_o.wait()
        return carry

    lax.fori_loop(0, NPW // 2, node2_b, 0)


def _sc_attention(comb, na_p, nb_p, tgt_p, sa, qa, sb, qb, wt, qt):
    mesh = plsc.VectorSubcoreMesh(core_axis_name="c", subcore_axis_name="s",
                                  num_cores=NC, num_subcores=NS)
    f32, i32 = jnp.float32, jnp.int32
    kern = functools.partial(
        pl.kernel,
        out_type=jax.ShapeDtypeStruct((BP, D), f32),
        mesh=mesh,
        compiler_params=pltpu.CompilerParams(needs_layout_passes=False,
                                             disable_bounds_checks=True),
        scratch_types=[
            pltpu.VMEM((N,), f32), pltpu.VMEM((N,), f32),
            pltpu.VMEM((N,), f32), pltpu.VMEM((N,), f32),
            pltpu.VMEM((N,), f32), pltpu.VMEM((N,), f32),
            pltpu.VMEM((NPW * K2,), i32), pltpu.VMEM((NPW * K2,), i32),
            pltpu.VMEM((NPW,), i32),
            pltpu.VMEM((NPW * 16,), f32),
            pltpu.VMEM((64, D), f32),
            pltpu.VMEM((32, D), f32),
            pltpu.VMEM((8, D), f32),
            pltpu.SemaphoreType.DMA,
            pltpu.SemaphoreType.DMA,
            pltpu.SemaphoreType.DMA,
        ],
    )(_sc_body)
    return kern(comb, na_p, nb_p, tgt_p, sa, qa, sb, qb, wt, qt)



def kernel(target_ids, feats_A, feats_B, neigh_ids_A, neigh_ids_B,
           type_attn_query, node_attn_w, proj_w, proj_b):
    i32 = jnp.int32
    comb = jnp.concatenate([feats_A, feats_B], axis=0)

    q = type_attn_query[0]
    w = node_attn_w[0]
    wc = jnp.stack([w[D:], q[D:], w[:D], q[:D]], axis=1)
    wc128 = jnp.pad(wc, ((0, 0), (0, 124)))

    scal = _proj_scalars(comb, wc128)
    sa, qa = scal[:N, 0], scal[:N, 1]
    wt, qt = scal[:N, 2], scal[:N, 3]
    sb, qb = scal[N:, 0], scal[N:, 1]

    pad = BP - N
    tgt_p = jnp.pad(target_ids.astype(i32), (0, pad))
    na_p = jnp.pad(neigh_ids_A.astype(i32), ((0, pad), (0, 0))).reshape(-1)
    nb_p = jnp.pad(neigh_ids_B.astype(i32), ((0, pad), (0, 0))).reshape(-1)

    out_pre = _sc_attention(comb, na_p, nb_p, tgt_p,
                            sa, qa, sb, qb, wt, qt)

    y = _out_proj(out_pre, proj_w, proj_b.reshape(1, D))
    return y[:N]

# --- scband reference (transcript-rebuilt; emitter-appended) ---
"""Pipeline reference for scband-global-attention-layer-15556371546273 (READ-ONLY COPY).

The authoritative reference and input builder live on the scoring server;
editing this copy changes nothing except your own understanding.
"""

import jax, jax.numpy as jnp
import numpy as np


def setup_inputs(seed: int = 0) -> dict:
    key = jax.random.key(seed)
    ks = jax.random.split(key, 10)
    target_ids = jax.random.randint(ks[0], (10000,), 0, 10000)
    feats_A = jax.random.normal(ks[1], (10000, 512), dtype=jnp.float32)
    feats_B = jax.random.normal(ks[2], (10000, 512), dtype=jnp.float32)
    neigh_ids_A = jax.random.randint(ks[3], (10000, 8), 0, 10000)
    neigh_ids_B = jax.random.randint(ks[4], (10000, 8), 0, 10000)
    type_attn_query = jax.random.normal(ks[5], (1, 1024), dtype=jnp.float32) * 0.05
    node_attn_w = jax.random.normal(ks[6], (1, 1024), dtype=jnp.float32) * 0.05
    proj_w = jax.random.normal(ks[7], (512, 512), dtype=jnp.float32) * 0.04
    proj_b = jnp.zeros((512,), dtype=jnp.float32)
    return {
        "target_ids": target_ids,
        "feats_A": feats_A,
        "feats_B": feats_B,
        "neigh_ids_A": neigh_ids_A,
        "neigh_ids_B": neigh_ids_B,
        "type_attn_query": type_attn_query,
        "node_attn_w": node_attn_w,
        "proj_w": proj_w,
        "proj_b": proj_b,
    }


def _segment_softmax(x, seg, num):
    m = jax.ops.segment_max(x, seg, num_segments=num)
    m = jnp.where(jnp.isfinite(m), m, 0.0)
    e = jnp.exp(x - m[seg])
    s = jax.ops.segment_sum(e, seg, num_segments=num)
    return e / jnp.maximum(s[seg], 1e-16)


def reference(target_ids, feats_A, feats_B, neigh_ids_A, neigh_ids_B,
              type_attn_query, node_attn_w, proj_w, proj_b):
    B = target_ids.shape[0]
    d = feats_A.shape[1]
    K2 = neigh_ids_A.shape[1]
    K = 2 * K2

    # Gather neighbor features per target node: ordering per node is [A-neighbors, B-neighbors]
    fA = feats_A[neigh_ids_A]              # [B, K2, d]
    fB = feats_B[neigh_ids_B]              # [B, K2, d]
    flat_neighbor_feats = jnp.concatenate([fA, fB], axis=1).reshape(B * K, d)

    batch_node_indices = jnp.repeat(jnp.arange(B), K)
    t_pat = jnp.concatenate([jnp.zeros((K2,), jnp.int32), jnp.ones((K2,), jnp.int32)])
    neighbor_ntypes = jnp.tile(t_pat, B)
    group_indices = batch_node_indices * 2 + neighbor_ntypes   # unique (node, ntype) groups
    num_groups = 2 * B

    # scatter_mean over (node, ntype) groups
    g_sum = jax.ops.segment_sum(flat_neighbor_feats, group_indices, num_segments=num_groups)
    g_cnt = jax.ops.segment_sum(jnp.ones((B * K,), jnp.float32), group_indices, num_segments=num_groups)
    type_agg_feats = g_sum / jnp.maximum(g_cnt, 1.0)[:, None]

    target_node_feats = feats_A[target_ids]                    # [B, d]
    group_target_node_indices = jnp.arange(num_groups) // 2
    expanded_target_feats = target_node_feats[group_target_node_indices]

    # type-level attention
    type_inputs = jnp.concatenate([expanded_target_feats, type_agg_feats], axis=1)  # [2B, 2d]
    type_logits = jax.nn.leaky_relu((type_inputs @ type_attn_query.T)[:, 0], 0.2)
    type_alphas = _segment_softmax(type_logits, group_target_node_indices, B)
    alphas_per_neighbor = type_alphas[group_indices]

    # node-level attention
    expanded_target_for_nodes = target_node_feats[batch_node_indices]
    node_inputs = jnp.concatenate([expanded_target_for_nodes, flat_neighbor_feats], axis=1)  # [B*K, 2d]
    beta_logits = jax.nn.leaky_relu(node_inputs @ node_attn_w.T, 0.2)[:, 0]
    beta_unnorm = jnp.exp(beta_logits) * alphas_per_neighbor
    betas = _segment_softmax(beta_unnorm, batch_node_indices, B)

    aggregated_feats = jax.ops.segment_sum(betas[:, None] * flat_neighbor_feats,
                                           batch_node_indices, num_segments=B)
    final_global = aggregated_feats + target_node_feats
    out = final_global @ proj_w.T + proj_b
    return out

if __name__ == "__main__":
    import jax
    _d = setup_inputs()
    print(jax.jit(kernel)(*tuple(_d.values())))

</pallas_src>

<mosaic_0001>
#map = affine_map<(d0, d1) -> (0, 0)>
#map1 = affine_map<(d0, d1) -> (0)>
module attributes {stable_mosaic.version = 14 : i64} {
  func.func @_sc_body(%arg0: i32, %arg1: i32, %arg2: memref<20000x512xf32, #tpu.memory_space<hbm>>, %arg3: memref<81920xi32, #tpu.memory_space<hbm>>, %arg4: memref<81920xi32, #tpu.memory_space<hbm>>, %arg5: memref<10240xi32, #tpu.memory_space<hbm>>, %arg6: memref<10000xf32, #tpu.memory_space<hbm>>, %arg7: memref<10000xf32, #tpu.memory_space<hbm>>, %arg8: memref<10000xf32, #tpu.memory_space<hbm>>, %arg9: memref<10000xf32, #tpu.memory_space<hbm>>, %arg10: memref<10000xf32, #tpu.memory_space<hbm>>, %arg11: memref<10000xf32, #tpu.memory_space<hbm>>, %arg12: memref<10240x512xf32, #tpu.memory_space<hbm>>, %arg13: memref<10000xf32, #tpu.memory_space<vmem>>, %arg14: memref<10000xf32, #tpu.memory_space<vmem>>, %arg15: memref<10000xf32, #tpu.memory_space<vmem>>, %arg16: memref<10000xf32, #tpu.memory_space<vmem>>, %arg17: memref<10000xf32, #tpu.memory_space<vmem>>, %arg18: memref<10000xf32, #tpu.memory_space<vmem>>, %arg19: memref<2560xi32, #tpu.memory_space<vmem>>, %arg20: memref<2560xi32, #tpu.memory_space<vmem>>, %arg21: memref<320xi32, #tpu.memory_space<vmem>>, %arg22: memref<5120xf32, #tpu.memory_space<vmem>>, %arg23: memref<64x512xf32, #tpu.memory_space<vmem>>, %arg24: memref<32x512xf32, #tpu.memory_space<vmem>>, %arg25: memref<8x512xf32, #tpu.memory_space<vmem>>, %arg26: memref<!tpu.dma_semaphore, #tpu.memory_space<semaphore_mem>>, %arg27: memref<!tpu.dma_semaphore, #tpu.memory_space<semaphore_mem>>, %arg28: memref<!tpu.dma_semaphore, #tpu.memory_space<semaphore_mem>>) attributes {dimension_semantics = [#tpu.dimension_semantics<core_parallel>, #tpu.dimension_semantics<subcore_parallel>], iteration_bounds = array<i64: 2, 16>, scalar_prefetch = 0 : i64, scratch_operands = 16 : i64, tpu.core_type = #tpu.core_type<sc_vector_subcore>, window_params = [{transform_indices = #map}, {transform_indices = #map1}, {transform_indices = #map1}, {transform_indices = #map1}, {transform_indices = #map1}, {transform_indices = #map1}, {transform_indices = #map1}, {transform_indices = #map1}, {transform_indices = #map1}, {transform_indices = #map1}, {transform_indices = #map}]} {
    %mul3A = arith.constant 2 : i32
    %mul3A_0 = arith.muli %arg1, %mul3A : i32
    %add3A = arith.addi %mul3A_0, %arg0 : i32
    %mul3A_1 = arith.constant 320 : i32
    %mul3A_2 = arith.muli %add3A, %mul3A_1 : i32
    "tpu.region"() ({
      %run_scoped3A = tpu.sem_alloc : memref<!tpu.dma_semaphore, #tpu.memory_space<semaphore_mem>>
      tpu.enqueue_dma source(%arg6 : memref<10000xf32, #tpu.memory_space<hbm>>) target(%arg13 : memref<10000xf32, #tpu.memory_space<vmem>>) target_semaphore(%run_scoped3A : memref<!tpu.dma_semaphore, #tpu.memory_space<semaphore_mem>>)
      tpu.wait_dma2 semaphore(%run_scoped3A : memref<!tpu.dma_semaphore, #tpu.memory_space<semaphore_mem>>) src(%arg6 : memref<10000xf32, #tpu.memory_space<hbm>>) dst(%arg13 : memref<10000xf32, #tpu.memory_space<vmem>>)
      tpu.yield
    }) : () -> ()
    "tpu.region"() ({
      %run_scoped3A = tpu.sem_alloc : memref<!tpu.dma_semaphore, #tpu.memory_space<semaphore_mem>>
      tpu.enqueue_dma source(%arg7 : memref<10000xf32, #tpu.memory_space<hbm>>) target(%arg14 : memref<10000xf32, #tpu.memory_space<vmem>>) target_semaphore(%run_scoped3A : memref<!tpu.dma_semaphore, #tpu.memory_space<semaphore_mem>>)
      tpu.wait_dma2 semaphore(%run_scoped3A : memref<!tpu.dma_semaphore, #tpu.memory_space<semaphore_mem>>) src(%arg7 : memref<10000xf32, #tpu.memory_space<hbm>>) dst(%arg14 : memref<10000xf32, #tpu.memory_space<vmem>>)
      tpu.yield
    }) : () -> ()
    "tpu.region"() ({
      %run_scoped3A = tpu.sem_alloc : memref<!tpu.dma_semaphore, #tpu.memory_space<semaphore_mem>>
      tpu.enqueue_dma source(%arg8 : memref<10000xf32, #tpu.memory_space<hbm>>) target(%arg15 : memref<10000xf32, #tpu.memory_space<vmem>>) target_semaphore(%run_scoped3A : memref<!tpu.dma_semaphore, #tpu.memory_space<semaphore_mem>>)
      tpu.wait_dma2 semaphore(%run_scoped3A : memref<!tpu.dma_semaphore, #tpu.memory_space<semaphore_mem>>) src(%arg8 : memref<10000xf32, #tpu.memory_space<hbm>>) dst(%arg15 : memref<10000xf32, #tpu.memory_space<vmem>>)
      tpu.yield
    }) : () -> ()
    "tpu.region"() ({
      %run_scoped3A = tpu.sem_alloc : memref<!tpu.dma_semaphore, #tpu.memory_space<semaphore_mem>>
      tpu.enqueue_dma source(%arg9 : memref<10000xf32, #tpu.memory_space<hbm>>) target(%arg16 : memref<10000xf32, #tpu.memory_space<vmem>>) target_semaphore(%run_scoped3A : memref<!tpu.dma_semaphore, #tpu.memory_space<semaphore_mem>>)
      tpu.wait_dma2 semaphore(%run_scoped3A : memref<!tpu.dma_semaphore, #tpu.memory_space<semaphore_mem>>) src(%arg9 : memref<10000xf32, #tpu.memory_space<hbm>>) dst(%arg16 : memref<10000xf32, #tpu.memory_space<vmem>>)
      tpu.yield
    }) : () -> ()
    "tpu.region"() ({
      %run_scoped3A = tpu.sem_alloc : memref<!tpu.dma_semaphore, #tpu.memory_space<semaphore_mem>>
      tpu.enqueue_dma source(%arg10 : memref<10000xf32, #tpu.memory_space<hbm>>) target(%arg17 : memref<10000xf32, #tpu.memory_space<vmem>>) target_semaphore(%run_scoped3A : memref<!tpu.dma_semaphore, #tpu.memory_space<semaphore_mem>>)
      tpu.wait_dma2 semaphore(%run_scoped3A : memref<!tpu.dma_semaphore, #tpu.memory_space<semaphore_mem>>) src(%arg10 : memref<10000xf32, #tpu.memory_space<hbm>>) dst(%arg17 : memref<10000xf32, #tpu.memory_space<vmem>>)
      tpu.yield
    }) : () -> ()
    "tpu.region"() ({
      %run_scoped3A = tpu.sem_alloc : memref<!tpu.dma_semaphore, #tpu.memory_space<semaphore_mem>>
      tpu.enqueue_dma source(%arg11 : memref<10000xf32, #tpu.memory_space<hbm>>) target(%arg18 : memref<10000xf32, #tpu.memory_space<vmem>>) target_semaphore(%run_scoped3A : memref<!tpu.dma_semaphore, #tpu.memory_space<semaphore_mem>>)
      tpu.wait_dma2 semaphore(%run_scoped3A : memref<!tpu.dma_semaphore, #tpu.memory_space<semaphore_mem>>) src(%arg11 : memref<10000xf32, #tpu.memory_space<hbm>>) dst(%arg18 : memref<10000xf32, #tpu.memory_space<vmem>>)
      tpu.yield
    }) : () -> ()
    %mul3A_3 = arith.constant 8 : i32
    %mul3A_4 = arith.muli %mul3A_2, %mul3A_3 : i32
    "tpu.region"() ({
      %run_scoped3A = tpu.sem_alloc : memref<!tpu.dma_semaphore, #tpu.memory_space<semaphore_mem>>
      %dma_start3A_91 = tpu.memref_slice %arg3[%mul3A_4] : memref<81920xi32, #tpu.memory_space<hbm>> -> memref<2560xi32, #tpu.memory_space<hbm>>
      %dma_start3A_92 = tpu.memref_slice %arg3[%mul3A_4] : memref<81920xi32, #tpu.memory_space<hbm>> -> memref<2560xi32, #tpu.memory_space<hbm>>
      tpu.enqueue_dma source(%dma_start3A_92 : memref<2560xi32, #tpu.memory_space<hbm>>) target(%arg19 : memref<2560xi32, #tpu.memory_space<vmem>>) target_semaphore(%run_scoped3A : memref<!tpu.dma_semaphore, #tpu.memory_space<semaphore_mem>>)
      %dma_wait3A_93 = tpu.memref_slice %arg3[%mul3A_4] : memref<81920xi32, #tpu.memory_space<hbm>> -> memref<2560xi32, #tpu.memory_space<hbm>>
      %dma_wait3A_94 = tpu.memref_slice %arg3[%mul3A_4] : memref<81920xi32, #tpu.memory_space<hbm>> -> memref<2560xi32, #tpu.memory_space<hbm>>
      tpu.wait_dma2 semaphore(%run_scoped3A : memref<!tpu.dma_semaphore, #tpu.memory_space<semaphore_mem>>) src(%dma_wait3A_94 : memref<2560xi32, #tpu.memory_space<hbm>>) dst(%arg19 : memref<2560xi32, #tpu.memory_space<vmem>>)
      tpu.yield
    }) : () -> ()
    %mul3A_5 = arith.constant 8 : i32
    %mul3A_6 = arith.muli %mul3A_2, %mul3A_5 : i32
    "tpu.region"() ({
      %run_scoped3A = tpu.sem_alloc : memref<!tpu.dma_semaphore, #tpu.memory_space<semaphore_mem>>
      %dma_start3A_91 = tpu.memref_slice %arg4[%mul3A_6] : memref<81920xi32, #tpu.memory_space<hbm>> -> memref<2560xi32, #tpu.memory_space<hbm>>
      %dma_start3A_92 = tpu.memref_slice %arg4[%mul3A_6] : memref<81920xi32, #tpu.memory_space<hbm>> -> memref<2560xi32, #tpu.memory_space<hbm>>
      tpu.enqueue_dma source(%dma_start3A_92 : memref<2560xi32, #tpu.memory_space<hbm>>) target(%arg20 : memref<2560xi32, #tpu.memory_space<vmem>>) target_semaphore(%run_scoped3A : memref<!tpu.dma_semaphore, #tpu.memory_space<semaphore_mem>>)
      %dma_wait3A_93 = tpu.memref_slice %arg4[%mul3A_6] : memref<81920xi32, #tpu.memory_space<hbm>> -> memref<2560xi32, #tpu.memory_space<hbm>>
      %dma_wait3A_94 = tpu.memref_slice %arg4[%mul3A_6] : memref<81920xi32, #tpu.memory_space<hbm>> -> memref<2560xi32, #tpu.memory_space<hbm>>
      tpu.wait_dma2 semaphore(%run_scoped3A : memref<!tpu.dma_semaphore, #tpu.memory_space<semaphore_mem>>) src(%dma_wait3A_94 : memref<2560xi32, #tpu.memory_space<hbm>>) dst(%arg20 : memref<2560xi32, #tpu.memory_space<vmem>>)
      tpu.yield
    }) : () -> ()
    "tpu.region"() ({
      %run_scoped3A = tpu.sem_alloc : memref<!tpu.dma_semaphore, #tpu.memory_space<semaphore_mem>>
      %dma_start3A_91 = tpu.memref_slice %arg5[%mul3A_2] : memref<10240xi32, #tpu.memory_space<hbm>> -> memref<320xi32, #tpu.memory_space<hbm>>
      %dma_start3A_92 = tpu.memref_slice %arg5[%mul3A_2] : memref<10240xi32, #tpu.memory_space<hbm>> -> memref<320xi32, #tpu.memory_space<hbm>>
      tpu.enqueue_dma source(%dma_start3A_92 : memref<320xi32, #tpu.memory_space<hbm>>) target(%arg21 : memref<320xi32, #tpu.memory_space<vmem>>) target_semaphore(%run_scoped3A : memref<!tpu.dma_semaphore, #tpu.memory_space<semaphore_mem>>)
      %dma_wait3A_93 = tpu.memref_slice %arg5[%mul3A_2] : memref<10240xi32, #tpu.memory_space<hbm>> -> memref<320xi32, #tpu.memory_space<hbm>>
      %dma_wait3A_94 = tpu.memref_slice %arg5[%mul3A_2] : memref<10240xi32, #tpu.memory_space<hbm>> -> memref<320xi32, #tpu.memory_space<hbm>>
      tpu.wait_dma2 semaphore(%run_scoped3A : memref<!tpu.dma_semaphore, #tpu.memory_space<semaphore_mem>>) src(%dma_wait3A_94 : memref<320xi32, #tpu.memory_space<hbm>>) dst(%arg21 : memref<320xi32, #tpu.memory_space<vmem>>)
      tpu.yield
    }) : () -> ()
    %iota3A = tpu.iota {dimensions = array<i32: 0>} : vector<16xi32>
    %scan3A = arith.constant 0 : i32
    %scan3A_7 = arith.constant 0 : i32
    %scan3A_8 = arith.constant 20 : i32
    %scan3A_9 = arith.addi %scan3A_7, %scan3A_8 : i32
    %scan3A_10 = arith.constant 1 : i32
    scf.for %scan3A_91 = %scan3A_7 to %scan3A_9 step %scan3A_10  : i32 {
      %mul3A_92 = arith.constant 16 : i32
      %mul3A_93 = arith.muli %scan3A_91, %mul3A_92 : i32
      %get3A_94 = arith.index_cast %mul3A_93 : i32 to index
      %get3A_95 = tpu.vector_load %arg21[%get3A_94] {strides = array<i32>} : memref<320xi32, #tpu.memory_space<vmem>>, vector<16xi32>,
      %gather3A_96 = tpu.vector_load_idx %arg17[%get3A_95] : memref<10000xf32, #tpu.memory_space<vmem>>[vector<16xi32>], vector<16xf32>,
      %gather3A_97 = tpu.vector_load_idx %arg18[%get3A_95] : memref<10000xf32, #tpu.memory_space<vmem>>[vector<16xi32>], vector<16xf32>,
      %broadcast_in_dim3A = arith.constant 0.000000e+00 : f32
      %broadcast_in_dim3A_98 = vector.broadcast %broadcast_in_dim3A : f32 to vector<16xf32>
      %broadcast_in_dim3A_99 = arith.constant 0.000000e+00 : f32
      %broadcast_in_dim3A_100 = vector.broadcast %broadcast_in_dim3A_99 : f32 to vector<16xf32>
      %mul3A_101 = arith.constant 8 : i32
      %mul3A_102 = vector.broadcast %mul3A_101 : i32 to vector<16xi32>
      %mul3A_103 = arith.muli %iota3A, %mul3A_102 : vector<16xi32>
      %mul3A_104 = arith.constant 8 : i32
      %mul3A_105 = arith.muli %mul3A_93, %mul3A_104 : i32
      %add3A_106 = arith.constant 0 : i32
      %add3A_107 = arith.addi %mul3A_105, %add3A_106 : i32
      %add3A_108 = vector.broadcast %add3A_107 : i32 to vector<16xi32>
      %add3A_109 = arith.addi %mul3A_103, %add3A_108 : vector<16xi32>
      %gather3A_110 = tpu.vector_load_idx %arg19[%add3A_109] : memref<2560xi32, #tpu.memory_space<vmem>>[vector<16xi32>], vector<16xi32>,
      %gather3A_111 = tpu.vector_load_idx %arg14[%gather3A_110] : memref<10000xf32, #tpu.memory_space<vmem>>[vector<16xi32>], vector<16xf32>,
      %add3A_112 = arith.addf %broadcast_in_dim3A_98, %gather3A_111 : vector<16xf32>
      %gather3A_113 = tpu.vector_load_idx %arg13[%gather3A_110] : memref<10000xf32, #tpu.memory_space<vmem>>[vector<16xi32>], vector<16xf32>,
      %add3A_114 = arith.addf %gather3A_96, %gather3A_113 : vector<16xf32>
      %ge3A = arith.constant 0.000000e+00 : f32
      %ge3A_115 = vector.broadcast %ge3A : f32 to vector<16xf32>
      %ge3A_116 = arith.cmpf oge, %add3A_114, %ge3A_115 : vector<16xf32>
      %mul3A_117 = arith.constant 2.000000e-01 : f32
      %mul3A_118 = vector.broadcast %mul3A_117 : f32 to vector<16xf32>
      %mul3A_119 = arith.mulf %add3A_114, %mul3A_118 : vector<16xf32>
      %select_n3A_120 = arith.select %ge3A_116, %add3A_114, %mul3A_119 : vector<16xi1>, vector<16xf32>
      %exp3A = math.exp %select_n3A_120 : vector<16xf32>
      %mul3A_121 = arith.constant 8 : i32
      %mul3A_122 = vector.broadcast %mul3A_121 : i32 to vector<16xi32>
      %mul3A_123 = arith.muli %iota3A, %mul3A_122 : vector<16xi32>
      %mul3A_124 = arith.constant 8 : i32
      %mul3A_125 = arith.muli %mul3A_93, %mul3A_124 : i32
      %add3A_126 = arith.constant 1 : i32
      %add3A_127 = arith.addi %mul3A_125, %add3A_126 : i32
      %add3A_128 = vector.broadcast %add3A_127 : i32 to vector<16xi32>
      %add3A_129 = arith.addi %mul3A_123, %add3A_128 : vector<16xi32>
      %gather3A_130 = tpu.vector_load_idx %arg19[%add3A_129] : memref<2560xi32, #tpu.memory_space<vmem>>[vector<16xi32>], vector<16xi32>,
      %gather3A_131 = tpu.vector_load_idx %arg14[%gather3A_130] : memref<10000xf32, #tpu.memory_space<vmem>>[vector<16xi32>], vector<16xf32>,
      %add3A_132 = arith.addf %add3A_112, %gather3A_131 : vector<16xf32>
      %gather3A_133 = tpu.vector_load_idx %arg13[%gather3A_130] : memref<10000xf32, #tpu.memory_space<vmem>>[vector<16xi32>], vector<16xf32>,
      %add3A_134 = arith.addf %gather3A_96, %gather3A_133 : vector<16xf32>
      %ge3A_135 = arith.constant 0.000000e+00 : f32
      %ge3A_136 = vector.broadcast %ge3A_135 : f32 to vector<16xf32>
      %ge3A_137 = arith.cmpf oge, %add3A_134, %ge3A_136 : vector<16xf32>
      %mul3A_138 = arith.constant 2.000000e-01 : f32
      %mul3A_139 = vector.broadcast %mul3A_138 : f32 to vector<16xf32>
      %mul3A_140 = arith.mulf %add3A_134, %mul3A_139 : vector<16xf32>
      %select_n3A_141 = arith.select %ge3A_137, %add3A_134, %mul3A_140 : vector<16xi1>, vector<16xf32>
      %exp3A_142 = math.exp %select_n3A_141 : vector<16xf32>
      %mul3A_143 = arith.constant 8 : i32
      %mul3A_144 = vector.broadcast %mul3A_143 : i32 to vector<16xi32>
      %mul3A_145 = arith.muli %iota3A, %mul3A_144 : vector<16xi32>
      %mul3A_146 = arith.constant 8 : i32
      %mul3A_147 = arith.muli %mul3A_93, %mul3A_146 : i32
      %add3A_148 = arith.constant 2 : i32
      %add3A_149 = arith.addi %mul3A_147, %add3A_148 : i32
      %add3A_150 = vector.broadcast %add3A_149 : i32 to vector<16xi32>
      %add3A_151 = arith.addi %mul3A_145, %add3A_150 : vector<16xi32>
      %gather3A_152 = tpu.vector_load_idx %arg19[%add3A_151] : memref<2560xi32, #tpu.memory_space<vmem>>[vector<16xi32>], vector<16xi32>,
      %gather3A_153 = tpu.vector_load_idx %arg14[%gather3A_152] : memref<10000xf32, #tpu.memory_space<vmem>>[vector<16xi32>], vector<16xf32>,
      %add3A_154 = arith.addf %add3A_132, %gather3A_153 : vector<16xf32>
      %gather3A_155 = tpu.vector_load_idx %arg13[%gather3A_152] : memref<10000xf32, #tpu.memory_space<vmem>>[vector<16xi32>], vector<16xf32>,
      %add3A_156 = arith.addf %gather3A_96, %gather3A_155 : vector<16xf32>
      %ge3A_157 = arith.constant 0.000000e+00 : f32
      %ge3A_158 = vector.broadcast %ge3A_157 : f32 to vector<16xf32>
      %ge3A_159 = arith.cmpf oge, %add3A_156, %ge3A_158 : vector<16xf32>
      %mul3A_160 = arith.constant 2.000000e-01 : f32
      %mul3A_161 = vector.broadcast %mul3A_160 : f32 to vector<16xf32>
      %mul3A_162 = arith.mulf %add3A_156, %mul3A_161 : vector<16xf32>
      %select_n3A_163 = arith.select %ge3A_159, %add3A_156, %mul3A_162 : vector<16xi1>, vector<16xf32>
      %exp3A_164 = math.exp %select_n3A_163 : vector<16xf32>
      %mul3A_165 = arith.constant 8 : i32
      %mul3A_166 = vector.broadcast %mul3A_165 : i32 to vector<16xi32>
      %mul3A_167 = arith.muli %iota3A, %mul3A_166 : vector<16xi32>
      %mul3A_168 = arith.constant 8 : i32
      %mul3A_169 = arith.muli %mul3A_93, %mul3A_168 : i32
      %add3A_170 = arith.constant 3 : i32
      %add3A_171 = arith.addi %mul3A_169, %add3A_170 : i32
      %add3A_172 = vector.broadcast %add3A_171 : i32 to vector<16xi32>
      %add3A_173 = arith.addi %mul3A_167, %add3A_172 : vector<16xi32>
      %gather3A_174 = tpu.vector_load_idx %arg19[%add3A_173] : memref<2560xi32, #tpu.memory_space<vmem>>[vector<16xi32>], vector<16xi32>,
      %gather3A_175 = tpu.vector_load_idx %arg14[%gather3A_174] : memref<10000xf32, #tpu.memory_space<vmem>>[vector<16xi32>], vector<16xf32>,
      %add3A_176 = arith.addf %add3A_154, %gather3A_175 : vector<16xf32>
      %gather3A_177 = tpu.vector_load_idx %arg13[%gather3A_174] : memref<10000xf32, #tpu.memory_space<vmem>>[vector<16xi32>], vector<16xf32>,
      %add3A_178 = arith.addf %gather3A_96, %gather3A_177 : vector<16xf32>
      %ge3A_179 = arith.constant 0.000000e+00 : f32
      %ge3A_180 = vector.broadcast %ge3A_179 : f32 to vector<16xf32>
      %ge3A_181 = arith.cmpf oge, %add3A_178, %ge3A_180 : vector<16xf32>
      %mul3A_182 = arith.constant 2.000000e-01 : f32
      %mul3A_183 = vector.broadcast %mul3A_182 : f32 to vector<16xf32>
      %mul3A_184 = arith.mulf %add3A_178, %mul3A_183 : vector<16xf32>
      %select_n3A_185 = arith.select %ge3A_181, %add3A_178, %mul3A_184 : vector<16xi1>, vector<16xf32>
      %exp3A_186 = math.exp %select_n3A_185 : vector<16xf32>
      %mul3A_187 = arith.constant 8 : i32
      %mul3A_188 = vector.broadcast %mul3A_187 : i32 to vector<16xi32>
      %mul3A_189 = arith.muli %iota3A, %mul3A_188 : vector<16xi32>
      %mul3A_190 = arith.constant 8 : i32
      %mul3A_191 = arith.muli %mul3A_93, %mul3A_190 : i32
      %add3A_192 = arith.constant 4 : i32
      %add3A_193 = arith.addi %mul3A_191, %add3A_192 : i32
      %add3A_194 = vector.broadcast %add3A_193 : i32 to vector<16xi32>
      %add3A_195 = arith.addi %mul3A_189, %add3A_194 : vector<16xi32>
      %gather3A_196 = tpu.vector_load_idx %arg19[%add3A_195] : memref<2560xi32, #tpu.memory_space<vmem>>[vector<16xi32>], vector<16xi32>,
      %gather3A_197 = tpu.vector_load_idx %arg14[%gather3A_196] : memref<10000xf32, #tpu.memory_space<vmem>>[vector<16xi32>], vector<16xf32>,
      %add3A_198 = arith.addf %add3A_176, %gather3A_197 : vector<16xf32>
      %gather3A_199 = tpu.vector_load_idx %arg13[%gather3A_196] : memref<10000xf32, #tpu.memory_space<vmem>>[vector<16xi32>], vector<16xf32>,
      %add3A_200 = arith.addf %gather3A_96, %gather3A_199 : vector<16xf32>
      %ge3A_201 = arith.constant 0.000000e+00 : f32
      %ge3A_202 = vector.broadcast %ge3A_201 : f32 to vector<16xf32>
      %ge3A_203 = arith.cmpf oge, %add3A_200, %ge3A_202 : vector<16xf32>
      %mul3A_204 = arith.constant 2.000000e-01 : f32
      %mul3A_205 = vector.broadcast %mul3A_204 : f32 to vector<16xf32>
      %mul3A_206 = arith.mulf %add3A_200, %mul3A_205 : vector<16xf32>
      %select_n3A_207 = arith.select %ge3A_203, %add3A_200, %mul3A_206 : vector<16xi1>, vector<16xf32>
      %exp3A_208 = math.exp %select_n3A_207 : vector<16xf32>
      %mul3A_209 = arith.constant 8 : i32
      %mul3A_210 = vector.broadcast %mul3A_209 : i32 to vector<16xi32>
      %mul3A_211 = arith.muli %iota3A, %mul3A_210 : vector<16xi32>
      %mul3A_212 = arith.constant 8 : i32
      %mul3A_213 = arith.muli %mul3A_93, %mul3A_212 : i32
      %add3A_214 = arith.constant 5 : i32
      %add3A_215 = arith.addi %mul3A_213, %add3A_214 : i32
      %add3A_216 = vector.broadcast %add3A_215 : i32 to vector<16xi32>
      %add3A_217 = arith.addi %mul3A_211, %add3A_216 : vector<16xi32>
      %gather3A_218 = tpu.vector_load_idx %arg19[%add3A_217] : memref<2560xi32, #tpu.memory_space<vmem>>[vector<16xi32>], vector<16xi32>,
      %gather3A_219 = tpu.vector_load_idx %arg14[%gather3A_218] : memref<10000xf32, #tpu.memory_space<vmem>>[vector<16xi32>], vector<16xf32>,
      %add3A_220 = arith.addf %add3A_198, %gather3A_219 : vector<16xf32>
      %gather3A_221 = tpu.vector_load_idx %arg13[%gather3A_218] : memref<10000xf32, #tpu.memory_space<vmem>>[vector<16xi32>], vector<16xf32>,
      %add3A_222 = arith.addf %gather3A_96, %gather3A_221 : vector<16xf32>
      %ge3A_223 = arith.constant 0.000000e+00 : f32
      %ge3A_224 = vector.broadcast %ge3A_223 : f32 to vector<16xf32>
      %ge3A_225 = arith.cmpf oge, %add3A_222, %ge3A_224 : vector<16xf32>
      %mul3A_226 = arith.constant 2.000000e-01 : f32
      %mul3A_227 = vector.broadcast %mul3A_226 : f32 to vector<16xf32>
      %mul3A_228 = arith.mulf %add3A_222, %mul3A_227 : vector<16xf32>
      %select_n3A_229 = arith.select %ge3A_225, %add3A_222, %mul3A_228 : vector<16xi1>, vector<16xf32>
      %exp3A_230 = math.exp %select_n3A_229 : vector<16xf32>
      %mul3A_231 = arith.constant 8 : i32
      %mul3A_232 = vector.broadcast %mul3A_231 : i32 to vector<16xi32>
      %mul3A_233 = arith.muli %iota3A, %mul3A_232 : vector<16xi32>
      %mul3A_234 = arith.constant 8 : i32
      %mul3A_235 = arith.muli %mul3A_93, %mul3A_234 : i32
      %add3A_236 = arith.constant 6 : i32
      %add3A_237 = arith.addi %mul3A_235, %add3A_236 : i32
      %add3A_238 = vector.broadcast %add3A_237 : i32 to vector<16xi32>
      %add3A_239 = arith.addi %mul3A_233, %add3A_238 : vector<16xi32>
      %gather3A_240 = tpu.vector_load_idx %arg19[%add3A_239] : memref<2560xi32, #tpu.memory_space<vmem>>[vector<16xi32>], vector<16xi32>,
      %gather3A_241 = tpu.vector_load_idx %arg14[%gather3A_240] : memref<10000xf32, #tpu.memory_space<vmem>>[vector<16xi32>], vector<16xf32>,
      %add3A_242 = arith.addf %add3A_220, %gather3A_241 : vector<16xf32>
      %gather3A_243 = tpu.vector_load_idx %arg13[%gather3A_240] : memref<10000xf32, #tpu.memory_space<vmem>>[vector<16xi32>], vector<16xf32>,
      %add3A_244 = arith.addf %gather3A_96, %gather3A_243 : vector<16xf32>
      %ge3A_245 = arith.constant 0.000000e+00 : f32
      %ge3A_246 = vector.broadcast %ge3A_245 : f32 to vector<16xf32>
      %ge3A_247 = arith.cmpf oge, %add3A_244, %ge3A_246 : vector<16xf32>
      %mul3A_248 = arith.constant 2.000000e-01 : f32
      %mul3A_249 = vector.broadcast %mul3A_248 : f32 to vector<16xf32>
      %mul3A_250 = arith.mulf %add3A_244, %mul3A_249 : vector<16xf32>
      %select_n3A_251 = arith.select %ge3A_247, %add3A_244, %mul3A_250 : vector<16xi1>, vector<16xf32>
      %exp3A_252 = math.exp %select_n3A_251 : vector<16xf32>
      %mul3A_253 = arith.constant 8 : i32
      %mul3A_254 = vector.broadcast %mul3A_253 : i32 to vector<16xi32>
      %mul3A_255 = arith.muli %iota3A, %mul3A_254 : vector<16xi32>
      %mul3A_256 = arith.constant 8 : i32
      %mul3A_257 = arith.muli %mul3A_93, %mul3A_256 : i32
      %add3A_258 = arith.constant 7 : i32
      %add3A_259 = arith.addi %mul3A_257, %add3A_258 : i32
      %add3A_260 = vector.broadcast %add3A_259 : i32 to vector<16xi32>
      %add3A_261 = arith.addi %mul3A_255, %add3A_260 : vector<16xi32>
      %gather3A_262 = tpu.vector_load_idx %arg19[%add3A_261] : memref<2560xi32, #tpu.memory_space<vmem>>[vector<16xi32>], vector<16xi32>,
      %gather3A_263 = tpu.vector_load_idx %arg14[%gather3A_262] : memref<10000xf32, #tpu.memory_space<vmem>>[vector<16xi32>], vector<16xf32>,
      %add3A_264 = arith.addf %add3A_242, %gather3A_263 : vector<16xf32>
      %gather3A_265 = tpu.vector_load_idx %arg13[%gather3A_262] : memref<10000xf32, #tpu.memory_space<vmem>>[vector<16xi32>], vector<16xf32>,
      %add3A_266 = arith.addf %gather3A_96, %gather3A_265 : vector<16xf32>
      %ge3A_267 = arith.constant 0.000000e+00 : f32
      %ge3A_268 = vector.broadcast %ge3A_267 : f32 to vector<16xf32>
      %ge3A_269 = arith.cmpf oge, %add3A_266, %ge3A_268 : vector<16xf32>
      %mul3A_270 = arith.constant 2.000000e-01 : f32
      %mul3A_271 = vector.broadcast %mul3A_270 : f32 to vector<16xf32>
      %mul3A_272 = arith.mulf %add3A_266, %mul3A_271 : vector<16xf32>
      %select_n3A_273 = arith.select %ge3A_269, %add3A_266, %mul3A_272 : vector<16xi1>, vector<16xf32>
      %exp3A_274 = math.exp %select_n3A_273 : vector<16xf32>
      %mul3A_275 = arith.constant 8 : i32
      %mul3A_276 = vector.broadcast %mul3A_275 : i32 to vector<16xi32>
      %mul3A_277 = arith.muli %iota3A, %mul3A_276 : vector<16xi32>
      %mul3A_278 = arith.constant 8 : i32
      %mul3A_279 = arith.muli %mul3A_93, %mul3A_278 : i32
      %add3A_280 = arith.constant 0 : i32
      %add3A_281 = arith.addi %mul3A_279, %add3A_280 : i32
      %add3A_282 = vector.broadcast %add3A_281 : i32 to vector<16xi32>
      %add3A_283 = arith.addi %mul3A_277, %add3A_282 : vector<16xi32>
      %gather3A_284 = tpu.vector_load_idx %arg20[%add3A_283] : memref<2560xi32, #tpu.memory_space<vmem>>[vector<16xi32>], vector<16xi32>,
      %gather3A_285 = tpu.vector_load_idx %arg16[%gather3A_284] : memref<10000xf32, #tpu.memory_space<vmem>>[vector<16xi32>], vector<16xf32>,
      %add3A_286 = arith.addf %broadcast_in_dim3A_100, %gather3A_285 : vector<16xf32>
      %gather3A_287 = tpu.vector_load_idx %arg15[%gather3A_284] : memref<10000xf32, #tpu.memory_space<vmem>>[vector<16xi32>], vector<16xf32>,
      %add3A_288 = arith.addf %gather3A_96, %gather3A_287 : vector<16xf32>
      %ge3A_289 = arith.constant 0.000000e+00 : f32
      %ge3A_290 = vector.broadcast %ge3A_289 : f32 to vector<16xf32>
      %ge3A_291 = arith.cmpf oge, %add3A_288, %ge3A_290 : vector<16xf32>
      %mul3A_292 = arith.constant 2.000000e-01 : f32
      %mul3A_293 = vector.broadcast %mul3A_292 : f32 to vector<16xf32>
      %mul3A_294 = arith.mulf %add3A_288, %mul3A_293 : vector<16xf32>
      %select_n3A_295 = arith.select %ge3A_291, %add3A_288, %mul3A_294 : vector<16xi1>, vector<16xf32>
      %exp3A_296 = math.exp %select_n3A_295 : vector<16xf32>
      %mul3A_297 = arith.constant 8 : i32
      %mul3A_298 = vector.broadcast %mul3A_297 : i32 to vector<16xi32>
      %mul3A_299 = arith.muli %iota3A, %mul3A_298 : vector<16xi32>
      %mul3A_300 = arith.constant 8 : i32
      %mul3A_301 = arith.muli %mul3A_93, %mul3A_300 : i32
      %add3A_302 = arith.constant 1 : i32
      %add3A_303 = arith.addi %mul3A_301, %add3A_302 : i32
      %add3A_304 = vector.broadcast %add3A_303 : i32 to vector<16xi32>
      %add3A_305 = arith.addi %mul3A_299, %add3A_304 : vector<16xi32>
      %gather3A_306 = tpu.vector_load_idx %arg20[%add3A_305] : memref<2560xi32, #tpu.memory_space<vmem>>[vector<16xi32>], vector<16xi32>,
      %gather3A_307 = tpu.vector_load_idx %arg16[%gather3A_306] : memref<10000xf32, #tpu.memory_space<vmem>>[vector<16xi32>], vector<16xf32>,
      %add3A_308 = arith.addf %add3A_286, %gather3A_307 : vector<16xf32>
      %gather3A_309 = tpu.vector_load_idx %arg15[%gather3A_306] : memref<10000xf32, #tpu.memory_space<vmem>>[vector<16xi32>], vector<16xf32>,
      %add3A_310 = arith.addf %gather3A_96, %gather3A_309 : vector<16xf32>
      %ge3A_311 = arith.constant 0.000000e+00 : f32
      %ge3A_312 = vector.broadcast %ge3A_311 : f32 to vector<16xf32>
      %ge3A_313 = arith.cmpf oge, %add3A_310, %ge3A_312 : vector<16xf32>
      %mul3A_314 = arith.constant 2.000000e-01 : f32
      %mul3A_315 = vector.broadcast %mul3A_314 : f32 to vector<16xf32>
      %mul3A_316 = arith.mulf %add3A_310, %mul3A_315 : vector<16xf32>
      %select_n3A_317 = arith.select %ge3A_313, %add3A_310, %mul3A_316 : vector<16xi1>, vector<16xf32>
      %exp3A_318 = math.exp %select_n3A_317 : vector<16xf32>
      %mul3A_319 = arith.constant 8 : i32
      %mul3A_320 = vector.broadcast %mul3A_319 : i32 to vector<16xi32>
      %mul3A_321 = arith.muli %iota3A, %mul3A_320 : vector<16xi32>
      %mul3A_322 = arith.constant 8 : i32
      %mul3A_323 = arith.muli %mul3A_93, %mul3A_322 : i32
      %add3A_324 = arith.constant 2 : i32
      %add3A_325 = arith.addi %mul3A_323, %add3A_324 : i32
      %add3A_326 = vector.broadcast %add3A_325 : i32 to vector<16xi32>
      %add3A_327 = arith.addi %mul3A_321, %add3A_326 : vector<16xi32>
      %gather3A_328 = tpu.vector_load_idx %arg20[%add3A_327] : memref<2560xi32, #tpu.memory_space<vmem>>[vector<16xi32>], vector<16xi32>,
      %gather3A_329 = tpu.vector_load_idx %arg16[%gather3A_328] : memref<10000xf32, #tpu.memory_space<vmem>>[vector<16xi32>], vector<16xf32>,
      %add3A_330 = arith.addf %add3A_308, %gather3A_329 : vector<16xf32>
      %gather3A_331 = tpu.vector_load_idx %arg15[%gather3A_328] : memref<10000xf32, #tpu.memory_space<vmem>>[vector<16xi32>], vector<16xf32>,
      %add3A_332 = arith.addf %gather3A_96, %gather3A_331 : vector<16xf32>
      %ge3A_333 = arith.constant 0.000000e+00 : f32
      %ge3A_334 = vector.broadcast %ge3A_333 : f32 to vector<16xf32>
      %ge3A_335 = arith.cmpf oge, %add3A_332, %ge3A_334 : vector<16xf32>
      %mul3A_336 = arith.constant 2.000000e-01 : f32
      %mul3A_337 = vector.broadcast %mul3A_336 : f32 to vector<16xf32>
      %mul3A_338 = arith.mulf %add3A_332, %mul3A_337 : vector<16xf32>
      %select_n3A_339 = arith.select %ge3A_335, %add3A_332, %mul3A_338 : vector<16xi1>, vector<16xf32>
      %exp3A_340 = math.exp %select_n3A_339 : vector<16xf32>
      %mul3A_341 = arith.constant 8 : i32
      %mul3A_342 = vector.broadcast %mul3A_341 : i32 to vector<16xi32>
      %mul3A_343 = arith.muli %iota3A, %mul3A_342 : vector<16xi32>
      %mul3A_344 = arith.constant 8 : i32
      %mul3A_345 = arith.muli %mul3A_93, %mul3A_344 : i32
      %add3A_346 = arith.constant 3 : i32
      %add3A_347 = arith.addi %mul3A_345, %add3A_346 : i32
      %add3A_348 = vector.broadcast %add3A_347 : i32 to vector<16xi32>
      %add3A_349 = arith.addi %mul3A_343, %add3A_348 : vector<16xi32>
      %gather3A_350 = tpu.vector_load_idx %arg20[%add3A_349] : memref<2560xi32, #tpu.memory_space<vmem>>[vector<16xi32>], vector<16xi32>,
      %gather3A_351 = tpu.vector_load_idx %arg16[%gather3A_350] : memref<10000xf32, #tpu.memory_space<vmem>>[vector<16xi32>], vector<16xf32>,
      %add3A_352 = arith.addf %add3A_330, %gather3A_351 : vector<16xf32>
      %gather3A_353 = tpu.vector_load_idx %arg15[%gather3A_350] : memref<10000xf32, #tpu.memory_space<vmem>>[vector<16xi32>], vector<16xf32>,
      %add3A_354 = arith.addf %gather3A_96, %gather3A_353 : vector<16xf32>
      %ge3A_355 = arith.constant 0.000000e+00 : f32
      %ge3A_356 = vector.broadcast %ge3A_355 : f32 to vector<16xf32>
      %ge3A_357 = arith.cmpf oge, %add3A_354, %ge3A_356 : vector<16xf32>
      %mul3A_358 = arith.constant 2.000000e-01 : f32
      %mul3A_359 = vector.broadcast %mul3A_358 : f32 to vector<16xf32>
      %mul3A_360 = arith.mulf %add3A_354, %mul3A_359 : vector<16xf32>
      %select_n3A_361 = arith.select %ge3A_357, %add3A_354, %mul3A_360 : vector<16xi1>, vector<16xf32>
      %exp3A_362 = math.exp %select_n3A_361 : vector<16xf32>
      %mul3A_363 = arith.constant 8 : i32
      %mul3A_364 = vector.broadcast %mul3A_363 : i32 to vector<16xi32>
      %mul3A_365 = arith.muli %iota3A, %mul3A_364 : vector<16xi32>
      %mul3A_366 = arith.constant 8 : i32
      %mul3A_367 = arith.muli %mul3A_93, %mul3A_366 : i32
      %add3A_368 = arith.constant 4 : i32
      %add3A_369 = arith.addi %mul3A_367, %add3A_368 : i32
      %add3A_370 = vector.broadcast %add3A_369 : i32 to vector<16xi32>
      %add3A_371 = arith.addi %mul3A_365, %add3A_370 : vector<16xi32>
      %gather3A_372 = tpu.vector_load_idx %arg20[%add3A_371] : memref<2560xi32, #tpu.memory_space<vmem>>[vector<16xi32>], vector<16xi32>,
      %gather3A_373 = tpu.vector_load_idx %arg16[%gather3A_372] : memref<10000xf32, #tpu.memory_space<vmem>>[vector<16xi32>], vector<16xf32>,
      %add3A_374 = arith.addf %add3A_352, %gather3A_373 : vector<16xf32>
      %gather3A_375 = tpu.vector_load_idx %arg15[%gather3A_372] : memref<10000xf32, #tpu.memory_space<vmem>>[vector<16xi32>], vector<16xf32>,
      %add3A_376 = arith.addf %gather3A_96, %gather3A_375 : vector<16xf32>
      %ge3A_377 = arith.constant 0.000000e+00 : f32
      %ge3A_378 = vector.broadcast %ge3A_377 : f32 to vector<16xf32>
      %ge3A_379 = arith.cmpf oge, %add3A_376, %ge3A_378 : vector<16xf32>
      %mul3A_380 = arith.constant 2.000000e-01 : f32
      %mul3A_381 = vector.broadcast %mul3A_380 : f32 to vector<16xf32>
      %mul3A_382 = arith.mulf %add3A_376, %mul3A_381 : vector<16xf32>
      %select_n3A_383 = arith.select %ge3A_379, %add3A_376, %mul3A_382 : vector<16xi1>, vector<16xf32>
      %exp3A_384 = math.exp %select_n3A_383 : vector<16xf32>
      %mul3A_385 = arith.constant 8 : i32
      %mul3A_386 = vector.broadcast %mul3A_385 : i32 to vector<16xi32>
      %mul3A_387 = arith.muli %iota3A, %mul3A_386 : vector<16xi32>
      %mul3A_388 = arith.constant 8 : i32
      %mul3A_389 = arith.muli %mul3A_93, %mul3A_388 : i32
      %add3A_390 = arith.constant 5 : i32
      %add3A_391 = arith.addi %mul3A_389, %add3A_390 : i32
      %add3A_392 = vector.broadcast %add3A_391 : i32 to vector<16xi32>
      %add3A_393 = arith.addi %mul3A_387, %add3A_392 : vector<16xi32>
      %gather3A_394 = tpu.vector_load_idx %arg20[%add3A_393] : memref<2560xi32, #tpu.memory_space<vmem>>[vector<16xi32>], vector<16xi32>,
      %gather3A_395 = tpu.vector_load_idx %arg16[%gather3A_394] : memref<10000xf32, #tpu.memory_space<vmem>>[vector<16xi32>], vector<16xf32>,
      %add3A_396 = arith.addf %add3A_374, %gather3A_395 : vector<16xf32>
      %gather3A_397 = tpu.vector_load_idx %arg15[%gather3A_394] : memref<10000xf32, #tpu.memory_space<vmem>>[vector<16xi32>], vector<16xf32>,
      %add3A_398 = arith.addf %gather3A_96, %gather3A_397 : vector<16xf32>
      %ge3A_399 = arith.constant 0.000000e+00 : f32
      %ge3A_400 = vector.broadcast %ge3A_399 : f32 to vector<16xf32>
      %ge3A_401 = arith.cmpf oge, %add3A_398, %ge3A_400 : vector<16xf32>
      %mul3A_402 = arith.constant 2.000000e-01 : f32
      %mul3A_403 = vector.broadcast %mul3A_402 : f32 to vector<16xf32>
      %mul3A_404 = arith.mulf %add3A_398, %mul3A_403 : vector<16xf32>
      %select_n3A_405 = arith.select %ge3A_401, %add3A_398, %mul3A_404 : vector<16xi1>, vector<16xf32>
      %exp3A_406 = math.exp %select_n3A_405 : vector<16xf32>
      %mul3A_407 = arith.constant 8 : i32
      %mul3A_408 = vector.broadcast %mul3A_407 : i32 to vector<16xi32>
      %mul3A_409 = arith.muli %iota3A, %mul3A_408 : vector<16xi32>
      %mul3A_410 = arith.constant 8 : i32
      %mul3A_411 = arith.muli %mul3A_93, %mul3A_410 : i32
      %add3A_412 = arith.constant 6 : i32
      %add3A_413 = arith.addi %mul3A_411, %add3A_412 : i32
      %add3A_414 = vector.broadcast %add3A_413 : i32 to vector<16xi32>
      %add3A_415 = arith.addi %mul3A_409, %add3A_414 : vector<16xi32>
      %gather3A_416 = tpu.vector_load_idx %arg20[%add3A_415] : memref<2560xi32, #tpu.memory_space<vmem>>[vector<16xi32>], vector<16xi32>,
      %gather3A_417 = tpu.vector_load_idx %arg16[%gather3A_416] : memref<10000xf32, #tpu.memory_space<vmem>>[vector<16xi32>], vector<16xf32>,
      %add3A_418 = arith.addf %add3A_396, %gather3A_417 : vector<16xf32>
      %gather3A_419 = tpu.vector_load_idx %arg15[%gather3A_416] : memref<10000xf32, #tpu.memory_space<vmem>>[vector<16xi32>], vector<16xf32>,
      %add3A_420 = arith.addf %gather3A_96, %gather3A_419 : vector<16xf32>
      %ge3A_421 = arith.constant 0.000000e+00 : f32
      %ge3A_422 = vector.broadcast %ge3A_421 : f32 to vector<16xf32>
      %ge3A_423 = arith.cmpf oge, %add3A_420, %ge3A_422 : vector<16xf32>
      %mul3A_424 = arith.constant 2.000000e-01 : f32
      %mul3A_425 = vector.broadcast %mul3A_424 : f32 to vector<16xf32>
      %mul3A_426 = arith.mulf %add3A_420, %mul3A_425 : vector<16xf32>
      %select_n3A_427 = arith.select %ge3A_423, %add3A_420, %mul3A_426 : vector<16xi1>, vector<16xf32>
      %exp3A_428 = math.exp %select_n3A_427 : vector<16xf32>
      %mul3A_429 = arith.constant 8 : i32
      %mul3A_430 = vector.broadcast %mul3A_429 : i32 to vector<16xi32>
      %mul3A_431 = arith.muli %iota3A, %mul3A_430 : vector<16xi32>
      %mul3A_432 = arith.constant 8 : i32
      %mul3A_433 = arith.muli %mul3A_93, %mul3A_432 : i32
      %add3A_434 = arith.constant 7 : i32
      %add3A_435 = arith.addi %mul3A_433, %add3A_434 : i32
      %add3A_436 = vector.broadcast %add3A_435 : i32 to vector<16xi32>
      %add3A_437 = arith.addi %mul3A_431, %add3A_436 : vector<16xi32>
      %gather3A_438 = tpu.vector_load_idx %arg20[%add3A_437] : memref<2560xi32, #tpu.memory_space<vmem>>[vector<16xi32>], vector<16xi32>,
      %gather3A_439 = tpu.vector_load_idx %arg16[%gather3A_438] : memref<10000xf32, #tpu.memory_space<vmem>>[vector<16xi32>], vector<16xf32>,
      %add3A_440 = arith.addf %add3A_418, %gather3A_439 : vector<16xf32>
      %gather3A_441 = tpu.vector_load_idx %arg15[%gather3A_438] : memref<10000xf32, #tpu.memory_space<vmem>>[vector<16xi32>], vector<16xf32>,
      %add3A_442 = arith.addf %gather3A_96, %gather3A_441 : vector<16xf32>
      %ge3A_443 = arith.constant 0.000000e+00 : f32
      %ge3A_444 = vector.broadcast %ge3A_443 : f32 to vector<16xf32>
      %ge3A_445 = arith.cmpf oge, %add3A_442, %ge3A_444 : vector<16xf32>
      %mul3A_446 = arith.constant 2.000000e-01 : f32
      %mul3A_447 = vector.broadcast %mul3A_446 : f32 to vector<16xf32>
      %mul3A_448 = arith.mulf %add3A_442, %mul3A_447 : vector<16xf32>
      %select_n3A_449 = arith.select %ge3A_445, %add3A_442, %mul3A_448 : vector<16xi1>, vector<16xf32>
      %exp3A_450 = math.exp %select_n3A_449 : vector<16xf32>
      %mul3A_451 = arith.constant 1.250000e-01 : f32
      %mul3A_452 = vector.broadcast %mul3A_451 : f32 to vector<16xf32>
      %mul3A_453 = arith.mulf %add3A_264, %mul3A_452 : vector<16xf32>
      %add3A_454 = arith.addf %gather3A_97, %mul3A_453 : vector<16xf32>
      %ge3A_455 = arith.constant 0.000000e+00 : f32
      %ge3A_456 = vector.broadcast %ge3A_455 : f32 to vector<16xf32>
      %ge3A_457 = arith.cmpf oge, %add3A_454, %ge3A_456 : vector<16xf32>
      %mul3A_458 = arith.constant 2.000000e-01 : f32
      %mul3A_459 = vector.broadcast %mul3A_458 : f32 to vector<16xf32>
      %mul3A_460 = arith.mulf %add3A_454, %mul3A_459 : vector<16xf32>
      %select_n3A_461 = arith.select %ge3A_457, %add3A_454, %mul3A_460 : vector<16xi1>, vector<16xf32>
      %mul3A_462 = arith.constant 1.250000e-01 : f32
      %mul3A_463 = vector.broadcast %mul3A_462 : f32 to vector<16xf32>
      %mul3A_464 = arith.mulf %add3A_440, %mul3A_463 : vector<16xf32>
      %add3A_465 = arith.addf %gather3A_97, %mul3A_464 : vector<16xf32>
      %ge3A_466 = arith.constant 0.000000e+00 : f32
      %ge3A_467 = vector.broadcast %ge3A_466 : f32 to vector<16xf32>
      %ge3A_468 = arith.cmpf oge, %add3A_465, %ge3A_467 : vector<16xf32>
      %mul3A_469 = arith.constant 2.000000e-01 : f32
      %mul3A_470 = vector.broadcast %mul3A_469 : f32 to vector<16xf32>
      %mul3A_471 = arith.mulf %add3A_465, %mul3A_470 : vector<16xf32>
      %select_n3A_472 = arith.select %ge3A_468, %add3A_465, %mul3A_471 : vector<16xi1>, vector<16xf32>
      %max3A = arith.maximumf %select_n3A_461, %select_n3A_472 : vector<16xf32>
      %sub3A = arith.subf %select_n3A_461, %max3A : vector<16xf32>
      %exp3A_473 = math.exp %sub3A : vector<16xf32>
      %sub3A_474 = arith.subf %select_n3A_472, %max3A : vector<16xf32>
      %exp3A_475 = math.exp %sub3A_474 : vector<16xf32>
      %add3A_476 = arith.addf %exp3A_473, %exp3A_475 : vector<16xf32>
      %div3A = arith.constant 1.000000e+00 : f32
      %div3A_477 = vector.broadcast %div3A : f32 to vector<16xf32>
      %div3A_478 = arith.divf %div3A_477, %add3A_476 : vector<16xf32>
      %mul3A_479 = arith.mulf %exp3A_473, %div3A_478 : vector<16xf32>
      %mul3A_480 = arith.mulf %exp3A_475, %div3A_478 : vector<16xf32>
      %mul3A_481 = arith.mulf %exp3A, %mul3A_479 : vector<16xf32>
      %mul3A_482 = arith.mulf %exp3A_142, %mul3A_479 : vector<16xf32>
      %mul3A_483 = arith.mulf %exp3A_164, %mul3A_479 : vector<16xf32>
      %mul3A_484 = arith.mulf %exp3A_186, %mul3A_479 : vector<16xf32>
      %mul3A_485 = arith.mulf %exp3A_208, %mul3A_479 : vector<16xf32>
      %mul3A_486 = arith.mulf %exp3A_230, %mul3A_479 : vector<16xf32>
      %mul3A_487 = arith.mulf %exp3A_252, %mul3A_479 : vector<16xf32>
      %mul3A_488 = arith.mulf %exp3A_274, %mul3A_479 : vector<16xf32>
      %mul3A_489 = arith.mulf %exp3A_296, %mul3A_480 : vector<16xf32>
      %mul3A_490 = arith.mulf %exp3A_318, %mul3A_480 : vector<16xf32>
      %mul3A_491 = arith.mulf %exp3A_340, %mul3A_480 : vector<16xf32>
      %mul3A_492 = arith.mulf %exp3A_362, %mul3A_480 : vector<16xf32>
      %mul3A_493 = arith.mulf %exp3A_384, %mul3A_480 : vector<16xf32>
      %mul3A_494 = arith.mulf %exp3A_406, %mul3A_480 : vector<16xf32>
      %mul3A_495 = arith.mulf %exp3A_428, %mul3A_480 : vector<16xf32>
      %mul3A_496 = arith.mulf %exp3A_450, %mul3A_480 : vector<16xf32>
      %max3A_497 = arith.maximumf %mul3A_481, %mul3A_482 : vector<16xf32>
      %max3A_498 = arith.maximumf %max3A_497, %mul3A_483 : vector<16xf32>
      %max3A_499 = arith.maximumf %max3A_498, %mul3A_484 : vector<16xf32>
      %max3A_500 = arith.maximumf %max3A_499, %mul3A_485 : vector<16xf32>
      %max3A_501 = arith.maximumf %max3A_500, %mul3A_486 : vector<16xf32>
      %max3A_502 = arith.maximumf %max3A_501, %mul3A_487 : vector<16xf32>
      %max3A_503 = arith.maximumf %max3A_502, %mul3A_488 : vector<16xf32>
      %max3A_504 = arith.maximumf %max3A_503, %mul3A_489 : vector<16xf32>
      %max3A_505 = arith.maximumf %max3A_504, %mul3A_490 : vector<16xf32>
      %max3A_506 = arith.maximumf %max3A_505, %mul3A_491 : vector<16xf32>
      %max3A_507 = arith.maximumf %max3A_506, %mul3A_492 : vector<16xf32>
      %max3A_508 = arith.maximumf %max3A_507, %mul3A_493 : vector<16xf32>
      %max3A_509 = arith.maximumf %max3A_508, %mul3A_494 : vector<16xf32>
      %max3A_510 = arith.maximumf %max3A_509, %mul3A_495 : vector<16xf32>
      %max3A_511 = arith.maximumf %max3A_510, %mul3A_496 : vector<16xf32>
      %sub3A_512 = arith.subf %mul3A_481, %max3A_511 : vector<16xf32>
      %exp3A_513 = math.exp %sub3A_512 : vector<16xf32>
      %sub3A_514 = arith.subf %mul3A_482, %max3A_511 : vector<16xf32>
      %exp3A_515 = math.exp %sub3A_514 : vector<16xf32>
      %sub3A_516 = arith.subf %mul3A_483, %max3A_511 : vector<16xf32>
      %exp3A_517 = math.exp %sub3A_516 : vector<16xf32>
      %sub3A_518 = arith.subf %mul3A_484, %max3A_511 : vector<16xf32>
      %exp3A_519 = math.exp %sub3A_518 : vector<16xf32>
      %sub3A_520 = arith.subf %mul3A_485, %max3A_511 : vector<16xf32>
      %exp3A_521 = math.exp %sub3A_520 : vector<16xf32>
      %sub3A_522 = arith.subf %mul3A_486, %max3A_511 : vector<16xf32>
      %exp3A_523 = math.exp %sub3A_522 : vector<16xf32>
      %sub3A_524 = arith.subf %mul3A_487, %max3A_511 : vector<16xf32>
      %exp3A_525 = math.exp %sub3A_524 : vector<16xf32>
      %sub3A_526 = arith.subf %mul3A_488, %max3A_511 : vector<16xf32>
      %exp3A_527 = math.exp %sub3A_526 : vector<16xf32>
      %sub3A_528 = arith.subf %mul3A_489, %max3A_511 : vector<16xf32>
      %exp3A_529 = math.exp %sub3A_528 : vector<16xf32>
      %sub3A_530 = arith.subf %mul3A_490, %max3A_511 : vector<16xf32>
      %exp3A_531 = math.exp %sub3A_530 : vector<16xf32>
      %sub3A_532 = arith.subf %mul3A_491, %max3A_511 : vector<16xf32>
      %exp3A_533 = math.exp %sub3A_532 : vector<16xf32>
      %sub3A_534 = arith.subf %mul3A_492, %max3A_511 : vector<16xf32>
      %exp3A_535 = math.exp %sub3A_534 : vector<16xf32>
      %sub3A_536 = arith.subf %mul3A_493, %max3A_511 : vector<16xf32>
      %exp3A_537 = math.exp %sub3A_536 : vector<16xf32>
      %sub3A_538 = arith.subf %mul3A_494, %max3A_511 : vector<16xf32>
      %exp3A_539 = math.exp %sub3A_538 : vector<16xf32>
      %sub3A_540 = arith.subf %mul3A_495, %max3A_511 : vector<16xf32>
      %exp3A_541 = math.exp %sub3A_540 : vector<16xf32>
      %sub3A_542 = arith.subf %mul3A_496, %max3A_511 : vector<16xf32>
      %exp3A_543 = math.exp %sub3A_542 : vector<16xf32>
      %add3A_544 = arith.addf %exp3A_513, %exp3A_515 : vector<16xf32>
      %add3A_545 = arith.addf %add3A_544, %exp3A_517 : vector<16xf32>
      %add3A_546 = arith.addf %add3A_545, %exp3A_519 : vector<16xf32>
      %add3A_547 = arith.addf %add3A_546, %exp3A_521 : vector<16xf32>
      %add3A_548 = arith.addf %add3A_547, %exp3A_523 : vector<16xf32>
      %add3A_549 = arith.addf %add3A_548, %exp3A_525 : vector<16xf32>
      %add3A_550 = arith.addf %add3A_549, %exp3A_527 : vector<16xf32>
      %add3A_551 = arith.addf %add3A_550, %exp3A_529 : vector<16xf32>
      %add3A_552 = arith.addf %add3A_551, %exp3A_531 : vector<16xf32>
      %add3A_553 = arith.addf %add3A_552, %exp3A_533 : vector<16xf32>
      %add3A_554 = arith.addf %add3A_553, %exp3A_535 : vector<16xf32>
      %add3A_555 = arith.addf %add3A_554, %exp3A_537 : vector<16xf32>
      %add3A_556 = arith.addf %add3A_555, %exp3A_539 : vector<16xf32>
      %add3A_557 = arith.addf %add3A_556, %exp3A_541 : vector<16xf32>
      %add3A_558 = arith.addf %add3A_557, %exp3A_543 : vector<16xf32>
      %div3A_559 = arith.constant 1.000000e+00 : f32
      %div3A_560 = vector.broadcast %div3A_559 : f32 to vector<16xf32>
      %div3A_561 = arith.divf %div3A_560, %add3A_558 : vector<16xf32>
      %mul3A_562 = arith.constant 16 : i32
      %mul3A_563 = vector.broadcast %mul3A_562 : i32 to vector<16xi32>
      %mul3A_564 = arith.muli %iota3A, %mul3A_563 : vector<16xi32>
      %mul3A_565 = arith.constant 16 : i32
      %mul3A_566 = arith.muli %mul3A_93, %mul3A_565 : i32
      %add3A_567 = arith.constant 0 : i32
      %add3A_568 = arith.addi %mul3A_566, %add3A_567 : i32
      %add3A_569 = vector.broadcast %add3A_568 : i32 to vector<16xi32>
      %add3A_570 = arith.addi %mul3A_564, %add3A_569 : vector<16xi32>
      %mul3A_571 = arith.mulf %exp3A_513, %div3A_561 : vector<16xf32>
      tpu.vector_store_idx %arg22[%add3A_570], %mul3A_571 : memref<5120xf32, #tpu.memory_space<vmem>>[vector<16xi32>], vector<16xf32>,
      %mul3A_572 = arith.constant 16 : i32
      %mul3A_573 = vector.broadcast %mul3A_572 : i32 to vector<16xi32>
      %mul3A_574 = arith.muli %iota3A, %mul3A_573 : vector<16xi32>
      %mul3A_575 = arith.constant 16 : i32
      %mul3A_576 = arith.muli %mul3A_93, %mul3A_575 : i32
      %add3A_577 = arith.constant 1 : i32
      %add3A_578 = arith.addi %mul3A_576, %add3A_577 : i32
      %add3A_579 = vector.broadcast %add3A_578 : i32 to vector<16xi32>
      %add3A_580 = arith.addi %mul3A_574, %add3A_579 : vector<16xi32>
      %mul3A_581 = arith.mulf %exp3A_515, %div3A_561 : vector<16xf32>
      tpu.vector_store_idx %arg22[%add3A_580], %mul3A_581 : memref<5120xf32, #tpu.memory_space<vmem>>[vector<16xi32>], vector<16xf32>,
      %mul3A_582 = arith.constant 16 : i32
      %mul3A_583 = vector.broadcast %mul3A_582 : i32 to vector<16xi32>
      %mul3A_584 = arith.muli %iota3A, %mul3A_583 : vector<16xi32>
      %mul3A_585 = arith.constant 16 : i32
      %mul3A_586 = arith.muli %mul3A_93, %mul3A_585 : i32
      %add3A_587 = arith.constant 2 : i32
      %add3A_588 = arith.addi %mul3A_586, %add3A_587 : i32
      %add3A_589 = vector.broadcast %add3A_588 : i32 to vector<16xi32>
      %add3A_590 = arith.addi %mul3A_584, %add3A_589 : vector<16xi32>
      %mul3A_591 = arith.mulf %exp3A_517, %div3A_561 : vector<16xf32>
      tpu.vector_store_idx %arg22[%add3A_590], %mul3A_591 : memref<5120xf32, #tpu.memory_space<vmem>>[vector<16xi32>], vector<16xf32>,
      %mul3A_592 = arith.constant 16 : i32
      %mul3A_593 = vector.broadcast %mul3A_592 : i32 to vector<16xi32>
      %mul3A_594 = arith.muli %iota3A, %mul3A_593 : vector<16xi32>
      %mul3A_595 = arith.constant 16 : i32
      %mul3A_596 = arith.muli %mul3A_93, %mul3A_595 : i32
      %add3A_597 = arith.constant 3 : i32
      %add3A_598 = arith.addi %mul3A_596, %add3A_597 : i32
      %add3A_599 = vector.broadcast %add3A_598 : i32 to vector<16xi32>
      %add3A_600 = arith.addi %mul3A_594, %add3A_599 : vector<16xi32>
      %mul3A_601 = arith.mulf %exp3A_519, %div3A_561 : vector<16xf32>
      tpu.vector_store_idx %arg22[%add3A_600], %mul3A_601 : memref<5120xf32, #tpu.memory_space<vmem>>[vector<16xi32>], vector<16xf32>,
      %mul3A_602 = arith.constant 16 : i32
      %mul3A_603 = vector.broadcast %mul3A_602 : i32 to vector<16xi32>
      %mul3A_604 = arith.muli %iota3A, %mul3A_603 : vector<16xi32>
      %mul3A_605 = arith.constant 16 : i32
      %mul3A_606 = arith.muli %mul3A_93, %mul3A_605 : i32
      %add3A_607 = arith.constant 4 : i32
      %add3A_608 = arith.addi %mul3A_606, %add3A_607 : i32
      %add3A_609 = vector.broadcast %add3A_608 : i32 to vector<16xi32>
      %add3A_610 = arith.addi %mul3A_604, %add3A_609 : vector<16xi32>
      %mul3A_611 = arith.mulf %exp3A_521, %div3A_561 : vector<16xf32>
      tpu.vector_store_idx %arg22[%add3A_610], %mul3A_611 : memref<5120xf32, #tpu.memory_space<vmem>>[vector<16xi32>], vector<16xf32>,
      %mul3A_612 = arith.constant 16 : i32
      %mul3A_613 = vector.broadcast %mul3A_612 : i32 to vector<16xi32>
      %mul3A_614 = arith.muli %iota3A, %mul3A_613 : vector<16xi32>
      %mul3A_615 = arith.constant 16 : i32
      %mul3A_616 = arith.muli %mul3A_93, %mul3A_615 : i32
      %add3A_617 = arith.constant 5 : i32
      %add3A_618 = arith.addi %mul3A_616, %add3A_617 : i32
      %add3A_619 = vector.broadcast %add3A_618 : i32 to vector<16xi32>
      %add3A_620 = arith.addi %mul3A_614, %add3A_619 : vector<16xi32>
      %mul3A_621 = arith.mulf %exp3A_523, %div3A_561 : vector<16xf32>
      tpu.vector_store_idx %arg22[%add3A_620], %mul3A_621 : memref<5120xf32, #tpu.memory_space<vmem>>[vector<16xi32>], vector<16xf32>,
      %mul3A_622 = arith.constant 16 : i32
      %mul3A_623 = vector.broadcast %mul3A_622 : i32 to vector<16xi32>
      %mul3A_624 = arith.muli %iota3A, %mul3A_623 : vector<16xi32>
      %mul3A_625 = arith.constant 16 : i32
      %mul3A_626 = arith.muli %mul3A_93, %mul3A_625 : i32
      %add3A_627 = arith.constant 6 : i32
      %add3A_628 = arith.addi %mul3A_626, %add3A_627 : i32
      %add3A_629 = vector.broadcast %add3A_628 : i32 to vector<16xi32>
      %add3A_630 = arith.addi %mul3A_624, %add3A_629 : vector<16xi32>
      %mul3A_631 = arith.mulf %exp3A_525, %div3A_561 : vector<16xf32>
      tpu.vector_store_idx %arg22[%add3A_630], %mul3A_631 : memref<5120xf32, #tpu.memory_space<vmem>>[vector<16xi32>], vector<16xf32>,
      %mul3A_632 = arith.constant 16 : i32
      %mul3A_633 = vector.broadcast %mul3A_632 : i32 to vector<16xi32>
      %mul3A_634 = arith.muli %iota3A, %mul3A_633 : vector<16xi32>
      %mul3A_635 = arith.constant 16 : i32
      %mul3A_636 = arith.muli %mul3A_93, %mul3A_635 : i32
      %add3A_637 = arith.constant 7 : i32
      %add3A_638 = arith.addi %mul3A_636, %add3A_637 : i32
      %add3A_639 = vector.broadcast %add3A_638 : i32 to vector<16xi32>
      %add3A_640 = arith.addi %mul3A_634, %add3A_639 : vector<16xi32>
      %mul3A_641 = arith.mulf %exp3A_527, %div3A_561 : vector<16xf32>
      tpu.vector_store_idx %arg22[%add3A_640], %mul3A_641 : memref<5120xf32, #tpu.memory_space<vmem>>[vector<16xi32>], vector<16xf32>,
      %mul3A_642 = arith.constant 16 : i32
      %mul3A_643 = vector.broadcast %mul3A_642 : i32 to vector<16xi32>
      %mul3A_644 = arith.muli %iota3A, %mul3A_643 : vector<16xi32>
      %mul3A_645 = arith.constant 16 : i32
      %mul3A_646 = arith.muli %mul3A_93, %mul3A_645 : i32
      %add3A_647 = arith.constant 8 : i32
      %add3A_648 = arith.addi %mul3A_646, %add3A_647 : i32
      %add3A_649 = vector.broadcast %add3A_648 : i32 to vector<16xi32>
      %add3A_650 = arith.addi %mul3A_644, %add3A_649 : vector<16xi32>
      %mul3A_651 = arith.mulf %exp3A_529, %div3A_561 : vector<16xf32>
      tpu.vector_store_idx %arg22[%add3A_650], %mul3A_651 : memref<5120xf32, #tpu.memory_space<vmem>>[vector<16xi32>], vector<16xf32>,
      %mul3A_652 = arith.constant 16 : i32
      %mul3A_653 = vector.broadcast %mul3A_652 : i32 to vector<16xi32>
      %mul3A_654 = arith.muli %iota3A, %mul3A_653 : vector<16xi32>
      %mul3A_655 = arith.constant 16 : i32
      %mul3A_656 = arith.muli %mul3A_93, %mul3A_655 : i32
      %add3A_657 = arith.constant 9 : i32
      %add3A_658 = arith.addi %mul3A_656, %add3A_657 : i32
      %add3A_659 = vector.broadcast %add3A_658 : i32 to vector<16xi32>
      %add3A_660 = arith.addi %mul3A_654, %add3A_659 : vector<16xi32>
      %mul3A_661 = arith.mulf %exp3A_531, %div3A_561 : vector<16xf32>
      tpu.vector_store_idx %arg22[%add3A_660], %mul3A_661 : memref<5120xf32, #tpu.memory_space<vmem>>[vector<16xi32>], vector<16xf32>,
      %mul3A_662 = arith.constant 16 : i32
      %mul3A_663 = vector.broadcast %mul3A_662 : i32 to vector<16xi32>
      %mul3A_664 = arith.muli %iota3A, %mul3A_663 : vector<16xi32>
      %mul3A_665 = arith.constant 16 : i32
      %mul3A_666 = arith.muli %mul3A_93, %mul3A_665 : i32
      %add3A_667 = arith.constant 10 : i32
      %add3A_668 = arith.addi %mul3A_666, %add3A_667 : i32
      %add3A_669 = vector.broadcast %add3A_668 : i32 to vector<16xi32>
      %add3A_670 = arith.addi %mul3A_664, %add3A_669 : vector<16xi32>
      %mul3A_671 = arith.mulf %exp3A_533, %div3A_561 : vector<16xf32>
      tpu.vector_store_idx %arg22[%add3A_670], %mul3A_671 : memref<5120xf32, #tpu.memory_space<vmem>>[vector<16xi32>], vector<16xf32>,
      %mul3A_672 = arith.constant 16 : i32
      %mul3A_673 = vector.broadcast %mul3A_672 : i32 to vector<16xi32>
      %mul3A_674 = arith.muli %iota3A, %mul3A_673 : vector<16xi32>
      %mul3A_675 = arith.constant 16 : i32
      %mul3A_676 = arith.muli %mul3A_93, %mul3A_675 : i32
      %add3A_677 = arith.constant 11 : i32
      %add3A_678 = arith.addi %mul3A_676, %add3A_677 : i32
      %add3A_679 = vector.broadcast %add3A_678 : i32 to vector<16xi32>
      %add3A_680 = arith.addi %mul3A_674, %add3A_679 : vector<16xi32>
      %mul3A_681 = arith.mulf %exp3A_535, %div3A_561 : vector<16xf32>
      tpu.vector_store_idx %arg22[%add3A_680], %mul3A_681 : memref<5120xf32, #tpu.memory_space<vmem>>[vector<16xi32>], vector<16xf32>,
      %mul3A_682 = arith.constant 16 : i32
      %mul3A_683 = vector.broadcast %mul3A_682 : i32 to vector<16xi32>
      %mul3A_684 = arith.muli %iota3A, %mul3A_683 : vector<16xi32>
      %mul3A_685 = arith.constant 16 : i32
      %mul3A_686 = arith.muli %mul3A_93, %mul3A_685 : i32
      %add3A_687 = arith.constant 12 : i32
      %add3A_688 = arith.addi %mul3A_686, %add3A_687 : i32
      %add3A_689 = vector.broadcast %add3A_688 : i32 to vector<16xi32>
      %add3A_690 = arith.addi %mul3A_684, %add3A_689 : vector<16xi32>
      %mul3A_691 = arith.mulf %exp3A_537, %div3A_561 : vector<16xf32>
      tpu.vector_store_idx %arg22[%add3A_690], %mul3A_691 : memref<5120xf32, #tpu.memory_space<vmem>>[vector<16xi32>], vector<16xf32>,
      %mul3A_692 = arith.constant 16 : i32
      %mul3A_693 = vector.broadcast %mul3A_692 : i32 to vector<16xi32>
      %mul3A_694 = arith.muli %iota3A, %mul3A_693 : vector<16xi32>
      %mul3A_695 = arith.constant 16 : i32
      %mul3A_696 = arith.muli %mul3A_93, %mul3A_695 : i32
      %add3A_697 = arith.constant 13 : i32
      %add3A_698 = arith.addi %mul3A_696, %add3A_697 : i32
      %add3A_699 = vector.broadcast %add3A_698 : i32 to vector<16xi32>
      %add3A_700 = arith.addi %mul3A_694, %add3A_699 : vector<16xi32>
      %mul3A_701 = arith.mulf %exp3A_539, %div3A_561 : vector<16xf32>
      tpu.vector_store_idx %arg22[%add3A_700], %mul3A_701 : memref<5120xf32, #tpu.memory_space<vmem>>[vector<16xi32>], vector<16xf32>,
      %mul3A_702 = arith.constant 16 : i32
      %mul3A_703 = vector.broadcast %mul3A_702 : i32 to vector<16xi32>
      %mul3A_704 = arith.muli %iota3A, %mul3A_703 : vector<16xi32>
      %mul3A_705 = arith.constant 16 : i32
      %mul3A_706 = arith.muli %mul3A_93, %mul3A_705 : i32
      %add3A_707 = arith.constant 14 : i32
      %add3A_708 = arith.addi %mul3A_706, %add3A_707 : i32
      %add3A_709 = vector.broadcast %add3A_708 : i32 to vector<16xi32>
      %add3A_710 = arith.addi %mul3A_704, %add3A_709 : vector<16xi32>
      %mul3A_711 = arith.mulf %exp3A_541, %div3A_561 : vector<16xf32>
      tpu.vector_store_idx %arg22[%add3A_710], %mul3A_711 : memref<5120xf32, #tpu.memory_space<vmem>>[vector<16xi32>], vector<16xf32>,
      %mul3A_712 = arith.constant 16 : i32
      %mul3A_713 = vector.broadcast %mul3A_712 : i32 to vector<16xi32>
      %mul3A_714 = arith.muli %iota3A, %mul3A_713 : vector<16xi32>
      %mul3A_715 = arith.constant 16 : i32
      %mul3A_716 = arith.muli %mul3A_93, %mul3A_715 : i32
      %add3A_717 = arith.constant 15 : i32
      %add3A_718 = arith.addi %mul3A_716, %add3A_717 : i32
      %add3A_719 = vector.broadcast %add3A_718 : i32 to vector<16xi32>
      %add3A_720 = arith.addi %mul3A_714, %add3A_719 : vector<16xi32>
      %mul3A_721 = arith.mulf %exp3A_543, %div3A_561 : vector<16xf32>
      tpu.vector_store_idx %arg22[%add3A_720], %mul3A_721 : memref<5120xf32, #tpu.memory_space<vmem>>[vector<16xi32>], vector<16xf32>,
    }
    %scan3A_11 = arith.constant 20 : i32
    %get3A = arith.constant 0 : index
    %get3A_12 = tpu.vector_load %arg21[%get3A] {strides = array<i32>} : memref<320xi32, #tpu.memory_space<vmem>>, vector<16xi32>,
    %dma_start3A = arith.constant 0 : i32
    %dma_start3A_13 = arith.constant 0 : i32
    %dma_start3A_14 = tpu.memref_slice %arg24[%dma_start3A, %dma_start3A_13] : memref<32x512xf32, #tpu.memory_space<vmem>> -> memref<16x512xf32, #tpu.memory_space<vmem>>
    %dma_start3A_15 = arith.constant 0 : i32
    %dma_start3A_16 = arith.constant 0 : i32
    %dma_start3A_17 = tpu.memref_slice %arg2[%dma_start3A_15, %dma_start3A_16] : memref<20000x512xf32, #tpu.memory_space<hbm>> -> memref<20000x512xf32, #tpu.memory_space<hbm>>
    tpu.enqueue_indirect_dma source(%dma_start3A_17 : memref<20000x512xf32, #tpu.memory_space<hbm>>) target(%dma_start3A_14 : memref<16x512xf32, #tpu.memory_space<vmem>>) offsets(%get3A_12 : vector<16xi32>) semaphore(%arg28 : memref<!tpu.dma_semaphore, #tpu.memory_space<semaphore_mem>>)
    %dma_wait3A = arith.constant 0 : i32
    %dma_wait3A_18 = arith.constant 0 : i32
    %dma_wait3A_19 = tpu.memref_slice %arg24[%dma_wait3A, %dma_wait3A_18] : memref<32x512xf32, #tpu.memory_space<vmem>> -> memref<16x512xf32, #tpu.memory_space<vmem>>
    %dma_wait3A_20 = arith.constant 0 : i32
    %dma_wait3A_21 = arith.constant 0 : i32
    %dma_wait3A_22 = tpu.memref_slice %arg2[%dma_wait3A_20, %dma_wait3A_21] : memref<20000x512xf32, #tpu.memory_space<hbm>> -> memref<20000x512xf32, #tpu.memory_space<hbm>>
    tpu.wait_indirect_dma semaphore(%arg28 : memref<!tpu.dma_semaphore, #tpu.memory_space<semaphore_mem>>) src(%dma_wait3A_22 : memref<20000x512xf32, #tpu.memory_space<hbm>>) dst(%dma_wait3A_19 : memref<16x512xf32, #tpu.memory_space<vmem>>)
    %and3A = arith.constant 7 : i32
    %and3A_23 = vector.broadcast %and3A : i32 to vector<16xi32>
    %and3A_24 = arith.andi %iota3A, %and3A_23 : vector<16xi32>
    %add3A_25 = arith.constant 0 : i32
    %add3A_26 = vector.broadcast %add3A_25 : i32 to vector<16xi32>
    %add3A_27 = arith.addi %add3A_26, %and3A_24 : vector<16xi32>
    %gather3A = tpu.vector_load_idx %arg19[%add3A_27] : memref<2560xi32, #tpu.memory_space<vmem>>[vector<16xi32>], vector<16xi32>,
    %and3A_28 = arith.constant 7 : i32
    %and3A_29 = vector.broadcast %and3A_28 : i32 to vector<16xi32>
    %and3A_30 = arith.andi %iota3A, %and3A_29 : vector<16xi32>
    %add3A_31 = arith.constant 0 : i32
    %add3A_32 = vector.broadcast %add3A_31 : i32 to vector<16xi32>
    %add3A_33 = arith.addi %add3A_32, %and3A_30 : vector<16xi32>
    %gather3A_34 = tpu.vector_load_idx %arg20[%add3A_33] : memref<2560xi32, #tpu.memory_space<vmem>>[vector<16xi32>], vector<16xi32>,
    %add3A_35 = arith.constant 10000 : i32
    %add3A_36 = vector.broadcast %add3A_35 : i32 to vector<16xi32>
    %add3A_37 = arith.addi %gather3A_34, %add3A_36 : vector<16xi32>
    %lt3A = arith.constant 8 : i32
    %lt3A_38 = vector.broadcast %lt3A : i32 to vector<16xi32>
    %lt3A_39 = arith.cmpi slt, %iota3A, %lt3A_38 : vector<16xi32>
    %select_n3A = arith.select %lt3A_39, %gather3A, %add3A_37 : vector<16xi1>, vector<16xi32>
    %dma_start3A_40 = arith.constant 0 : i32
    %dma_start3A_41 = arith.constant 0 : i32
    %dma_start3A_42 = tpu.memref_slice %arg23[%dma_start3A_40, %dma_start3A_41] : memref<64x512xf32, #tpu.memory_space<vmem>> -> memref<16x512xf32, #tpu.memory_space<vmem>>
    %dma_start3A_43 = arith.constant 0 : i32
    %dma_start3A_44 = arith.constant 0 : i32
    %dma_start3A_45 = tpu.memref_slice %arg2[%dma_start3A_43, %dma_start3A_44] : memref<20000x512xf32, #tpu.memory_space<hbm>> -> memref<20000x512xf32, #tpu.memory_space<hbm>>
    tpu.enqueue_indirect_dma source(%dma_start3A_45 : memref<20000x512xf32, #tpu.memory_space<hbm>>) target(%dma_start3A_42 : memref<16x512xf32, #tpu.memory_space<vmem>>) offsets(%select_n3A : vector<16xi32>) semaphore(%arg26 : memref<!tpu.dma_semaphore, #tpu.memory_space<semaphore_mem>>)
    %dma_wait3A_46 = arith.constant 0 : i32
    %dma_wait3A_47 = arith.constant 0 : i32
    %dma_wait3A_48 = tpu.memref_slice %arg23[%dma_wait3A_46, %dma_wait3A_47] : memref<64x512xf32, #tpu.memory_space<vmem>> -> memref<16x512xf32, #tpu.memory_space<vmem>>
    %dma_wait3A_49 = arith.constant 0 : i32
    %dma_wait3A_50 = arith.constant 0 : i32
    %dma_wait3A_51 = tpu.memref_slice %arg2[%dma_wait3A_49, %dma_wait3A_50] : memref<20000x512xf32, #tpu.memory_space<hbm>> -> memref<20000x512xf32, #tpu.memory_space<hbm>>
    tpu.wait_indirect_dma semaphore(%arg26 : memref<!tpu.dma_semaphore, #tpu.memory_space<semaphore_mem>>) src(%dma_wait3A_51 : memref<20000x512xf32, #tpu.memory_space<hbm>>) dst(%dma_wait3A_48 : memref<16x512xf32, #tpu.memory_space<vmem>>)
    %and3A_52 = arith.constant 7 : i32
    %and3A_53 = vector.broadcast %and3A_52 : i32 to vector<16xi32>
    %and3A_54 = arith.andi %iota3A, %and3A_53 : vector<16xi32>
    %add3A_55 = arith.constant 8 : i32
    %add3A_56 = vector.broadcast %add3A_55 : i32 to vector<16xi32>
    %add3A_57 = arith.addi %add3A_56, %and3A_54 : vector<16xi32>
    %gather3A_58 = tpu.vector_load_idx %arg19[%add3A_57] : memref<2560xi32, #tpu.memory_space<vmem>>[vector<16xi32>], vector<16xi32>,
    %and3A_59 = arith.constant 7 : i32
    %and3A_60 = vector.broadcast %and3A_59 : i32 to vector<16xi32>
    %and3A_61 = arith.andi %iota3A, %and3A_60 : vector<16xi32>
    %add3A_62 = arith.constant 8 : i32
    %add3A_63 = vector.broadcast %add3A_62 : i32 to vector<16xi32>
    %add3A_64 = arith.addi %add3A_63, %and3A_61 : vector<16xi32>
    %gather3A_65 = tpu.vector_load_idx %arg20[%add3A_64] : memref<2560xi32, #tpu.memory_space<vmem>>[vector<16xi32>], vector<16xi32>,
    %add3A_66 = arith.constant 10000 : i32
    %add3A_67 = vector.broadcast %add3A_66 : i32 to vector<16xi32>
    %add3A_68 = arith.addi %gather3A_65, %add3A_67 : vector<16xi32>
    %lt3A_69 = arith.constant 8 : i32
    %lt3A_70 = vector.broadcast %lt3A_69 : i32 to vector<16xi32>
    %lt3A_71 = arith.cmpi slt, %iota3A, %lt3A_70 : vector<16xi32>
    %select_n3A_72 = arith.select %lt3A_71, %gather3A_58, %add3A_68 : vector<16xi1>, vector<16xi32>
    %dma_start3A_73 = arith.constant 16 : i32
    %dma_start3A_74 = arith.constant 0 : i32
    %dma_start3A_75 = tpu.memref_slice %arg23[%dma_start3A_73, %dma_start3A_74] : memref<64x512xf32, #tpu.memory_space<vmem>> -> memref<16x512xf32, #tpu.memory_space<vmem>>
    %dma_start3A_76 = arith.constant 0 : i32
    %dma_start3A_77 = arith.constant 0 : i32
    %dma_start3A_78 = tpu.memref_slice %arg2[%dma_start3A_76, %dma_start3A_77] : memref<20000x512xf32, #tpu.memory_space<hbm>> -> memref<20000x512xf32, #tpu.memory_space<hbm>>
    tpu.enqueue_indirect_dma source(%dma_start3A_78 : memref<20000x512xf32, #tpu.memory_space<hbm>>) target(%dma_start3A_75 : memref<16x512xf32, #tpu.memory_space<vmem>>) offsets(%select_n3A_72 : vector<16xi32>) semaphore(%arg28 : memref<!tpu.dma_semaphore, #tpu.memory_space<semaphore_mem>>)
    %dma_wait3A_79 = arith.constant 16 : i32
    %dma_wait3A_80 = arith.constant 0 : i32
    %dma_wait3A_81 = tpu.memref_slice %arg23[%dma_wait3A_79, %dma_wait3A_80] : memref<64x512xf32, #tpu.memory_space<vmem>> -> memref<16x512xf32, #tpu.memory_space<vmem>>
    %dma_wait3A_82 = arith.constant 0 : i32
    %dma_wait3A_83 = arith.constant 0 : i32
    %dma_wait3A_84 = tpu.memref_slice %arg2[%dma_wait3A_82, %dma_wait3A_83] : memref<20000x512xf32, #tpu.memory_space<hbm>> -> memref<20000x512xf32, #tpu.memory_space<hbm>>
    tpu.wait_indirect_dma semaphore(%arg28 : memref<!tpu.dma_semaphore, #tpu.memory_space<semaphore_mem>>) src(%dma_wait3A_84 : memref<20000x512xf32, #tpu.memory_space<hbm>>) dst(%dma_wait3A_81 : memref<16x512xf32, #tpu.memory_space<vmem>>)
    %scan3A_85 = arith.constant 0 : i32
    %scan3A_86 = arith.constant 0 : i32
    %scan3A_87 = arith.constant 160 : i32
    %scan3A_88 = arith.addi %scan3A_86, %scan3A_87 : i32
    %scan3A_89 = arith.constant 1 : i32
    scf.for %scan3A_91 = %scan3A_86 to %scan3A_88 step %scan3A_89  : i32 {
      %mul3A_92 = arith.constant 2 : i32
      %mul3A_93 = arith.muli %mul3A_92, %scan3A_91 : i32
      %add3A_94 = arith.constant 2 : i32
      %add3A_95 = arith.addi %mul3A_93, %add3A_94 : i32
      %min3A = arith.constant 319 : i32
      %min3A_96 = arith.minsi %add3A_95, %min3A : i32
      %and3A_97 = arith.constant 3 : i32
      %and3A_98 = arith.andi %min3A_96, %and3A_97 : i32
      %mul3A_99 = arith.constant 8 : i32
      %mul3A_100 = arith.muli %min3A_96, %mul3A_99 : i32
      %and3A_101 = arith.constant 7 : i32
      %and3A_102 = vector.broadcast %and3A_101 : i32 to vector<16xi32>
      %and3A_103 = arith.andi %iota3A, %and3A_102 : vector<16xi32>
      %add3A_104 = vector.broadcast %mul3A_100 : i32 to vector<16xi32>
      %add3A_105 = arith.addi %add3A_104, %and3A_103 : vector<16xi32>
      %gather3A_106 = tpu.vector_load_idx %arg19[%add3A_105] : memref<2560xi32, #tpu.memory_space<vmem>>[vector<16xi32>], vector<16xi32>,
      %mul3A_107 = arith.constant 8 : i32
      %mul3A_108 = arith.muli %min3A_96, %mul3A_107 : i32
      %and3A_109 = arith.constant 7 : i32
      %and3A_110 = vector.broadcast %and3A_109 : i32 to vector<16xi32>
      %and3A_111 = arith.andi %iota3A, %and3A_110 : vector<16xi32>
      %add3A_112 = vector.broadcast %mul3A_108 : i32 to vector<16xi32>
      %add3A_113 = arith.addi %add3A_112, %and3A_111 : vector<16xi32>
      %gather3A_114 = tpu.vector_load_idx %arg20[%add3A_113] : memref<2560xi32, #tpu.memory_space<vmem>>[vector<16xi32>], vector<16xi32>,
      %add3A_115 = arith.constant 10000 : i32
      %add3A_116 = vector.broadcast %add3A_115 : i32 to vector<16xi32>
      %add3A_117 = arith.addi %gather3A_114, %add3A_116 : vector<16xi32>
      %lt3A_118 = arith.constant 8 : i32
      %lt3A_119 = vector.broadcast %lt3A_118 : i32 to vector<16xi32>
      %lt3A_120 = arith.cmpi slt, %iota3A, %lt3A_119 : vector<16xi32>
      %select_n3A_121 = arith.select %lt3A_120, %gather3A_106, %add3A_117 : vector<16xi1>, vector<16xi32>
      %mul3A_122 = arith.constant 16 : i32
      %mul3A_123 = arith.muli %and3A_98, %mul3A_122 : i32
      %dma_start3A_124 = arith.constant 0 : i32
      %dma_start3A_125 = tpu.memref_slice %arg23[%mul3A_123, %dma_start3A_124] : memref<64x512xf32, #tpu.memory_space<vmem>> -> memref<16x512xf32, #tpu.memory_space<vmem>>
      %dma_start3A_126 = arith.constant 0 : i32
      %dma_start3A_127 = arith.constant 0 : i32
      %dma_start3A_128 = tpu.memref_slice %arg2[%dma_start3A_126, %dma_start3A_127] : memref<20000x512xf32, #tpu.memory_space<hbm>> -> memref<20000x512xf32, #tpu.memory_space<hbm>>
      tpu.enqueue_indirect_dma source(%dma_start3A_128 : memref<20000x512xf32, #tpu.memory_space<hbm>>) target(%dma_start3A_125 : memref<16x512xf32, #tpu.memory_space<vmem>>) offsets(%select_n3A_121 : vector<16xi32>) semaphore(%arg26 : memref<!tpu.dma_semaphore, #tpu.memory_space<semaphore_mem>>)
      %add3A_129 = arith.constant 3 : i32
      %add3A_130 = arith.addi %mul3A_93, %add3A_129 : i32
      %min3A_131 = arith.constant 319 : i32
      %min3A_132 = arith.minsi %add3A_130, %min3A_131 : i32
      %and3A_133 = arith.constant 3 : i32
      %and3A_134 = arith.andi %min3A_132, %and3A_133 : i32
      %mul3A_135 = arith.constant 8 : i32
      %mul3A_136 = arith.muli %min3A_132, %mul3A_135 : i32
      %and3A_137 = arith.constant 7 : i32
      %and3A_138 = vector.broadcast %and3A_137 : i32 to vector<16xi32>
      %and3A_139 = arith.andi %iota3A, %and3A_138 : vector<16xi32>
      %add3A_140 = vector.broadcast %mul3A_136 : i32 to vector<16xi32>
      %add3A_141 = arith.addi %add3A_140, %and3A_139 : vector<16xi32>
      %gather3A_142 = tpu.vector_load_idx %arg19[%add3A_141] : memref<2560xi32, #tpu.memory_space<vmem>>[vector<16xi32>], vector<16xi32>,
      %mul3A_143 = arith.constant 8 : i32
      %mul3A_144 = arith.muli %min3A_132, %mul3A_143 : i32
      %and3A_145 = arith.constant 7 : i32
      %and3A_146 = vector.broadcast %and3A_145 : i32 to vector<16xi32>
      %and3A_147 = arith.andi %iota3A, %and3A_146 : vector<16xi32>
      %add3A_148 = vector.broadcast %mul3A_144 : i32 to vector<16xi32>
      %add3A_149 = arith.addi %add3A_148, %and3A_147 : vector<16xi32>
      %gather3A_150 = tpu.vector_load_idx %arg20[%add3A_149] : memref<2560xi32, #tpu.memory_space<vmem>>[vector<16xi32>], vector<16xi32>,
      %add3A_151 = arith.constant 10000 : i32
      %add3A_152 = vector.broadcast %add3A_151 : i32 to vector<16xi32>
      %add3A_153 = arith.addi %gather3A_150, %add3A_152 : vector<16xi32>
      %lt3A_154 = arith.constant 8 : i32
      %lt3A_155 = vector.broadcast %lt3A_154 : i32 to vector<16xi32>
      %lt3A_156 = arith.cmpi slt, %iota3A, %lt3A_155 : vector<16xi32>
      %select_n3A_157 = arith.select %lt3A_156, %gather3A_142, %add3A_153 : vector<16xi1>, vector<16xi32>
      %mul3A_158 = arith.constant 16 : i32
      %mul3A_159 = arith.muli %and3A_134, %mul3A_158 : i32
      %dma_start3A_160 = arith.constant 0 : i32
      %dma_start3A_161 = tpu.memref_slice %arg23[%mul3A_159, %dma_start3A_160] : memref<64x512xf32, #tpu.memory_space<vmem>> -> memref<16x512xf32, #tpu.memory_space<vmem>>
      %dma_start3A_162 = arith.constant 0 : i32
      %dma_start3A_163 = arith.constant 0 : i32
      %dma_start3A_164 = tpu.memref_slice %arg2[%dma_start3A_162, %dma_start3A_163] : memref<20000x512xf32, #tpu.memory_space<hbm>> -> memref<20000x512xf32, #tpu.memory_space<hbm>>
      tpu.enqueue_indirect_dma source(%dma_start3A_164 : memref<20000x512xf32, #tpu.memory_space<hbm>>) target(%dma_start3A_161 : memref<16x512xf32, #tpu.memory_space<vmem>>) offsets(%select_n3A_157 : vector<16xi32>) semaphore(%arg27 : memref<!tpu.dma_semaphore, #tpu.memory_space<semaphore_mem>>)
      %jit3A = arith.constant 8 : i32
      %div3A = arith.divsi %scan3A_91, %jit3A : i32
      %sign3A = arith.constant 0 : i32
      %sign3A_165 = arith.cmpi sgt, %scan3A_91, %sign3A : i32
      %sign3A_166 = arith.extui %sign3A_165 : i1 to i32
      %sign3A_167 = arith.constant 0 : i32
      %sign3A_168 = arith.cmpi slt, %scan3A_91, %sign3A_167 : i32
      %sign3A_169 = arith.extui %sign3A_168 : i1 to i32
      %sign3A_170 = arith.subi %sign3A_166, %sign3A_169 : i32
      %sign3A_171 = arith.constant 0 : i32
      %sign3A_172 = arith.cmpi sgt, %jit3A, %sign3A_171 : i32
      %sign3A_173 = arith.extui %sign3A_172 : i1 to i32
      %sign3A_174 = arith.constant 0 : i32
      %sign3A_175 = arith.cmpi slt, %jit3A, %sign3A_174 : i32
      %sign3A_176 = arith.extui %sign3A_175 : i1 to i32
      %sign3A_177 = arith.subi %sign3A_173, %sign3A_176 : i32
      %ne3A = arith.cmpi ne, %sign3A_170, %sign3A_177 : i32
      %rem3A = arith.remsi %scan3A_91, %jit3A : i32
      %ne3A_178 = arith.constant 0 : i32
      %ne3A_179 = arith.cmpi ne, %rem3A, %ne3A_178 : i32
      %and3A_180 = arith.andi %ne3A, %ne3A_179 : i1
      %sub3A = arith.constant 1 : i32
      %sub3A_181 = arith.subi %div3A, %sub3A : i32
      %select_n3A_182 = arith.select %and3A_180, %sub3A_181, %div3A : i32
      %and3A_183 = arith.constant 7 : i32
      %and3A_184 = arith.andi %scan3A_91, %and3A_183 : i32
      %eq3A = arith.constant 0 : i32
      %eq3A_185 = arith.cmpi eq, %and3A_184, %eq3A : i32
      %convert_element_type3A = arith.extui %eq3A_185 : i1 to i32
      %cond3A = arith.constant 0 : i32
      %cond3A_186 = arith.cmpi ne, %convert_element_type3A, %cond3A : i32
      scf.if %cond3A_186 {
        %add3A_636 = arith.constant 1 : i32
        %add3A_637 = arith.addi %select_n3A_182, %add3A_636 : i32
        %min3A_638 = arith.constant 19 : i32
        %min3A_639 = arith.minsi %add3A_637, %min3A_638 : i32
        %mul3A_640 = arith.constant 16 : i32
        %mul3A_641 = arith.muli %min3A_639, %mul3A_640 : i32
        %get3A_642 = arith.index_cast %mul3A_641 : i32 to index
        %get3A_643 = tpu.vector_load %arg21[%get3A_642] {strides = array<i32>} : memref<320xi32, #tpu.memory_space<vmem>>, vector<16xi32>,
        %and3A_644 = arith.constant 1 : i32
        %and3A_645 = arith.andi %min3A_639, %and3A_644 : i32
        %mul3A_646 = arith.constant 16 : i32
        %mul3A_647 = arith.muli %and3A_645, %mul3A_646 : i32
        %dma_start3A_648 = arith.constant 0 : i32
        %dma_start3A_649 = tpu.memref_slice %arg24[%mul3A_647, %dma_start3A_648] : memref<32x512xf32, #tpu.memory_space<vmem>> -> memref<16x512xf32, #tpu.memory_space<vmem>>
        %dma_start3A_650 = arith.constant 0 : i32
        %dma_start3A_651 = arith.constant 0 : i32
        %dma_start3A_652 = tpu.memref_slice %arg2[%dma_start3A_650, %dma_start3A_651] : memref<20000x512xf32, #tpu.memory_space<hbm>> -> memref<20000x512xf32, #tpu.memory_space<hbm>>
        tpu.enqueue_indirect_dma source(%dma_start3A_652 : memref<20000x512xf32, #tpu.memory_space<hbm>>) target(%dma_start3A_649 : memref<16x512xf32, #tpu.memory_space<vmem>>) offsets(%get3A_643 : vector<16xi32>) semaphore(%arg28 : memref<!tpu.dma_semaphore, #tpu.memory_space<semaphore_mem>>)
        %dma_wait3A_653 = arith.constant 0 : i32
        %dma_wait3A_654 = tpu.memref_slice %arg24[%mul3A_647, %dma_wait3A_653] : memref<32x512xf32, #tpu.memory_space<vmem>> -> memref<16x512xf32, #tpu.memory_space<vmem>>
        %dma_wait3A_655 = arith.constant 0 : i32
        %dma_wait3A_656 = arith.constant 0 : i32
        %dma_wait3A_657 = tpu.memref_slice %arg2[%dma_wait3A_655, %dma_wait3A_656] : memref<20000x512xf32, #tpu.memory_space<hbm>> -> memref<20000x512xf32, #tpu.memory_space<hbm>>
        tpu.wait_indirect_dma semaphore(%arg28 : memref<!tpu.dma_semaphore, #tpu.memory_space<semaphore_mem>>) src(%dma_wait3A_657 : memref<20000x512xf32, #tpu.memory_space<hbm>>) dst(%dma_wait3A_654 : memref<16x512xf32, #tpu.memory_space<vmem>>)
      } else {
      }
      %mul3A_187 = arith.constant 16 : i32
      %mul3A_188 = arith.muli %select_n3A_182, %mul3A_187 : i32
      %sub3A_189 = arith.subi %mul3A_93, %mul3A_188 : i32
      %and3A_190 = arith.constant 1 : i32
      %and3A_191 = arith.andi %select_n3A_182, %and3A_190 : i32
      %mul3A_192 = arith.constant 16 : i32
      %mul3A_193 = arith.muli %and3A_191, %mul3A_192 : i32
      %and3A_194 = arith.constant 3 : i32
      %and3A_195 = arith.andi %mul3A_93, %and3A_194 : i32
      %mul3A_196 = arith.constant 16 : i32
      %mul3A_197 = arith.muli %and3A_195, %mul3A_196 : i32
      %add3A_198 = arith.addi %mul3A_193, %sub3A_189 : i32
      %and3A_199 = arith.constant 7 : i32
      %and3A_200 = arith.andi %mul3A_93, %and3A_199 : i32
      %mul3A_201 = arith.constant 16 : i32
      %mul3A_202 = arith.muli %mul3A_93, %mul3A_201 : i32
      %get3A_203 = arith.index_cast %mul3A_202 : i32 to index
      %get3A_204 = tpu.vector_load %arg22[%get3A_203] {strides = array<i32>} : memref<5120xf32, #tpu.memory_space<vmem>>, vector<16xf32>,
      %get3A_205 = arith.index_cast %add3A_198 : i32 to index
      %get3A_206 = arith.constant 0 : index
      %get3A_207 = tpu.vector_load %arg24[%get3A_205, %get3A_206] {strides = array<i32>} : memref<32x512xf32, #tpu.memory_space<vmem>>, vector<16xf32>,
      %get3A_208 = arith.index_cast %add3A_198 : i32 to index
      %get3A_209 = arith.constant 16 : index
      %get3A_210 = tpu.vector_load %arg24[%get3A_208, %get3A_209] {strides = array<i32>} : memref<32x512xf32, #tpu.memory_space<vmem>>, vector<16xf32>,
      %get3A_211 = arith.index_cast %add3A_198 : i32 to index
      %get3A_212 = arith.constant 32 : index
      %get3A_213 = tpu.vector_load %arg24[%get3A_211, %get3A_212] {strides = array<i32>} : memref<32x512xf32, #tpu.memory_space<vmem>>, vector<16xf32>,
      %get3A_214 = arith.index_cast %add3A_198 : i32 to index
      %get3A_215 = arith.constant 48 : index
      %get3A_216 = tpu.vector_load %arg24[%get3A_214, %get3A_215] {strides = array<i32>} : memref<32x512xf32, #tpu.memory_space<vmem>>, vector<16xf32>,
      %get3A_217 = arith.index_cast %add3A_198 : i32 to index
      %get3A_218 = arith.constant 64 : index
      %get3A_219 = tpu.vector_load %arg24[%get3A_217, %get3A_218] {strides = array<i32>} : memref<32x512xf32, #tpu.memory_space<vmem>>, vector<16xf32>,
      %get3A_220 = arith.index_cast %add3A_198 : i32 to index
      %get3A_221 = arith.constant 80 : index
      %get3A_222 = tpu.vector_load %arg24[%get3A_220, %get3A_221] {strides = array<i32>} : memref<32x512xf32, #tpu.memory_space<vmem>>, vector<16xf32>,
      %get3A_223 = arith.index_cast %add3A_198 : i32 to index
      %get3A_224 = arith.constant 96 : index
      %get3A_225 = tpu.vector_load %arg24[%get3A_223, %get3A_224] {strides = array<i32>} : memref<32x512xf32, #tpu.memory_space<vmem>>, vector<16xf32>,
      %get3A_226 = arith.index_cast %add3A_198 : i32 to index
      %get3A_227 = arith.constant 112 : index
      %get3A_228 = tpu.vector_load %arg24[%get3A_226, %get3A_227] {strides = array<i32>} : memref<32x512xf32, #tpu.memory_space<vmem>>, vector<16xf32>,
      %get3A_229 = arith.index_cast %add3A_198 : i32 to index
      %get3A_230 = arith.constant 128 : index
      %get3A_231 = tpu.vector_load %arg24[%get3A_229, %get3A_230] {strides = array<i32>} : memref<32x512xf32, #tpu.memory_space<vmem>>, vector<16xf32>,
      %get3A_232 = arith.index_cast %add3A_198 : i32 to index
      %get3A_233 = arith.constant 144 : index
      %get3A_234 = tpu.vector_load %arg24[%get3A_232, %get3A_233] {strides = array<i32>} : memref<32x512xf32, #tpu.memory_space<vmem>>, vector<16xf32>,
      %get3A_235 = arith.index_cast %add3A_198 : i32 to index
      %get3A_236 = arith.constant 160 : index
      %get3A_237 = tpu.vector_load %arg24[%get3A_235, %get3A_236] {strides = array<i32>} : memref<32x512xf32, #tpu.memory_space<vmem>>, vector<16xf32>,
      %get3A_238 = arith.index_cast %add3A_198 : i32 to index
      %get3A_239 = arith.constant 176 : index
      %get3A_240 = tpu.vector_load %arg24[%get3A_238, %get3A_239] {strides = array<i32>} : memref<32x512xf32, #tpu.memory_space<vmem>>, vector<16xf32>,
      %get3A_241 = arith.index_cast %add3A_198 : i32 to index
      %get3A_242 = arith.constant 192 : index
      %get3A_243 = tpu.vector_load %arg24[%get3A_241, %get3A_242] {strides = array<i32>} : memref<32x512xf32, #tpu.memory_space<vmem>>, vector<16xf32>,
      %get3A_244 = arith.index_cast %add3A_198 : i32 to index
      %get3A_245 = arith.constant 208 : index
      %get3A_246 = tpu.vector_load %arg24[%get3A_244, %get3A_245] {strides = array<i32>} : memref<32x512xf32, #tpu.memory_space<vmem>>, vector<16xf32>,
      %get3A_247 = arith.index_cast %add3A_198 : i32 to index
      %get3A_248 = arith.constant 224 : index
      %get3A_249 = tpu.vector_load %arg24[%get3A_247, %get3A_248] {strides = array<i32>} : memref<32x512xf32, #tpu.memory_space<vmem>>, vector<16xf32>,
      %get3A_250 = arith.index_cast %add3A_198 : i32 to index
      %get3A_251 = arith.constant 240 : index
      %get3A_252 = tpu.vector_load %arg24[%get3A_250, %get3A_251] {strides = array<i32>} : memref<32x512xf32, #tpu.memory_space<vmem>>, vector<16xf32>,
      %get3A_253 = arith.index_cast %add3A_198 : i32 to index
      %get3A_254 = arith.constant 256 : index
      %get3A_255 = tpu.vector_load %arg24[%get3A_253, %get3A_254] {strides = array<i32>} : memref<32x512xf32, #tpu.memory_space<vmem>>, vector<16xf32>,
      %get3A_256 = arith.index_cast %add3A_198 : i32 to index
      %get3A_257 = arith.constant 272 : index
      %get3A_258 = tpu.vector_load %arg24[%get3A_256, %get3A_257] {strides = array<i32>} : memref<32x512xf32, #tpu.memory_space<vmem>>, vector<16xf32>,
      %get3A_259 = arith.index_cast %add3A_198 : i32 to index
      %get3A_260 = arith.constant 288 : index
      %get3A_261 = tpu.vector_load %arg24[%get3A_259, %get3A_260] {strides = array<i32>} : memref<32x512xf32, #tpu.memory_space<vmem>>, vector<16xf32>,
      %get3A_262 = arith.index_cast %add3A_198 : i32 to index
      %get3A_263 = arith.constant 304 : index
      %get3A_264 = tpu.vector_load %arg24[%get3A_262, %get3A_263] {strides = array<i32>} : memref<32x512xf32, #tpu.memory_space<vmem>>, vector<16xf32>,
      %get3A_265 = arith.index_cast %add3A_198 : i32 to index
      %get3A_266 = arith.constant 320 : index
      %get3A_267 = tpu.vector_load %arg24[%get3A_265, %get3A_266] {strides = array<i32>} : memref<32x512xf32, #tpu.memory_space<vmem>>, vector<16xf32>,
      %get3A_268 = arith.index_cast %add3A_198 : i32 to index
      %get3A_269 = arith.constant 336 : index
      %get3A_270 = tpu.vector_load %arg24[%get3A_268, %get3A_269] {strides = array<i32>} : memref<32x512xf32, #tpu.memory_space<vmem>>, vector<16xf32>,
      %get3A_271 = arith.index_cast %add3A_198 : i32 to index
      %get3A_272 = arith.constant 352 : index
      %get3A_273 = tpu.vector_load %arg24[%get3A_271, %get3A_272] {strides = array<i32>} : memref<32x512xf32, #tpu.memory_space<vmem>>, vector<16xf32>,
      %get3A_274 = arith.index_cast %add3A_198 : i32 to index
      %get3A_275 = arith.constant 368 : index
      %get3A_276 = tpu.vector_load %arg24[%get3A_274, %get3A_275] {strides = array<i32>} : memref<32x512xf32, #tpu.memory_space<vmem>>, vector<16xf32>,
      %get3A_277 = arith.index_cast %add3A_198 : i32 to index
      %get3A_278 = arith.constant 384 : index
      %get3A_279 = tpu.vector_load %arg24[%get3A_277, %get3A_278] {strides = array<i32>} : memref<32x512xf32, #tpu.memory_space<vmem>>, vector<16xf32>,
      %get3A_280 = arith.index_cast %add3A_198 : i32 to index
      %get3A_281 = arith.constant 400 : index
      %get3A_282 = tpu.vector_load %arg24[%get3A_280, %get3A_281] {strides = array<i32>} : memref<32x512xf32, #tpu.memory_space<vmem>>, vector<16xf32>,
      %get3A_283 = arith.index_cast %add3A_198 : i32 to index
      %get3A_284 = arith.constant 416 : index
      %get3A_285 = tpu.vector_load %arg24[%get3A_283, %get3A_284] {strides = array<i32>} : memref<32x512xf32, #tpu.memory_space<vmem>>, vector<16xf32>,
      %get3A_286 = arith.index_cast %add3A_198 : i32 to index
      %get3A_287 = arith.constant 432 : index
      %get3A_288 = tpu.vector_load %arg24[%get3A_286, %get3A_287] {strides = array<i32>} : memref<32x512xf32, #tpu.memory_space<vmem>>, vector<16xf32>,
      %get3A_289 = arith.index_cast %add3A_198 : i32 to index
      %get3A_290 = arith.constant 448 : index
      %get3A_291 = tpu.vector_load %arg24[%get3A_289, %get3A_290] {strides = array<i32>} : memref<32x512xf32, #tpu.memory_space<vmem>>, vector<16xf32>,
      %get3A_292 = arith.index_cast %add3A_198 : i32 to index
      %get3A_293 = arith.constant 464 : index
      %get3A_294 = tpu.vector_load %arg24[%get3A_292, %get3A_293] {strides = array<i32>} : memref<32x512xf32, #tpu.memory_space<vmem>>, vector<16xf32>,
      %get3A_295 = arith.index_cast %add3A_198 : i32 to index
      %get3A_296 = arith.constant 480 : index
      %get3A_297 = tpu.vector_load %arg24[%get3A_295, %get3A_296] {strides = array<i32>} : memref<32x512xf32, #tpu.memory_space<vmem>>, vector<16xf32>,
      %get3A_298 = arith.index_cast %add3A_198 : i32 to index
      %get3A_299 = arith.constant 496 : index
      %get3A_300 = tpu.vector_load %arg24[%get3A_298, %get3A_299] {strides = array<i32>} : memref<32x512xf32, #tpu.memory_space<vmem>>, vector<16xf32>,
      %scan3A_301 = arith.constant 0 : i32
      %scan3A_302 = arith.constant 16 : i32
      %scan3A_303 = arith.addi %scan3A_301, %scan3A_302 : i32
      %scan3A_304 = arith.constant 1 : i32
      %scan3A_305:32 = scf.for %scan3A_636 = %scan3A_301 to %scan3A_303 step %scan3A_304 iter_args(%scan3A_637 = %get3A_207, %scan3A_638 = %get3A_210, %scan3A_639 = %get3A_213, %scan3A_640 = %get3A_216, %scan3A_641 = %get3A_219, %scan3A_642 = %get3A_222, %scan3A_643 = %get3A_225, %scan3A_644 = %get3A_228, %scan3A_645 = %get3A_231, %scan3A_646 = %get3A_234, %scan3A_647 = %get3A_237, %scan3A_648 = %get3A_240, %scan3A_649 = %get3A_243, %scan3A_650 = %get3A_246, %scan3A_651 = %get3A_249, %scan3A_652 = %get3A_252, %scan3A_653 = %get3A_255, %scan3A_654 = %get3A_258, %scan3A_655 = %get3A_261, %scan3A_656 = %get3A_264, %scan3A_657 = %get3A_267, %scan3A_658 = %get3A_270, %scan3A_659 = %get3A_273, %scan3A_660 = %get3A_276, %scan3A_661 = %get3A_279, %scan3A_662 = %get3A_282, %scan3A_663 = %get3A_285, %scan3A_664 = %get3A_288, %scan3A_665 = %get3A_291, %scan3A_666 = %get3A_294, %scan3A_667 = %get3A_297, %scan3A_668 = %get3A_300) -> (vector<16xf32>, vector<16xf32>, vector<16xf32>, vector<16xf32>, vector<16xf32>, vector<16xf32>, vector<16xf32>, vector<16xf32>, vector<16xf32>, vector<16xf32>, vector<16xf32>, vector<16xf32>, vector<16xf32>, vector<16xf32>, vector<16xf32>, vector<16xf32>, vector<16xf32>, vector<16xf32>, vector<16xf32>, vector<16xf32>, vector<16xf32>, vector<16xf32>, vector<16xf32>, vector<16xf32>, vector<16xf32>, vector<16xf32>, vector<16xf32>, vector<16xf32>, vector<16xf32>, vector<16xf32>, vector<16xf32>, vector<16xf32>)  : i32 {
        %broadcast_in_dim3A = vector.broadcast %scan3A_636 : i32 to vector<16x1xi32>
        %gather3A_669 = vector.shape_cast %broadcast_in_dim3A : vector<16x1xi32> to vector<16xi32>
        %gather3A_670 = tpu.dynamic_gather %get3A_204[%gather3A_669] in [0] : vector<16xf32>, vector<16xi32> -> vector<16xf32>
        %add3A_671 = arith.addi %mul3A_197, %scan3A_636 : i32
        %get3A_672 = arith.index_cast %add3A_671 : i32 to index
        %get3A_673 = arith.constant 0 : index
        %get3A_674 = tpu.vector_load %arg23[%get3A_672, %get3A_673] {strides = array<i32>} : memref<64x512xf32, #tpu.memory_space<vmem>>, vector<16xf32>,
        %mul3A_675 = arith.mulf %gather3A_670, %get3A_674 : vector<16xf32>
        %add3A_676 = arith.addf %scan3A_637, %mul3A_675 : vector<16xf32>
        %get3A_677 = arith.index_cast %add3A_671 : i32 to index
        %get3A_678 = arith.constant 16 : index
        %get3A_679 = tpu.vector_load %arg23[%get3A_677, %get3A_678] {strides = array<i32>} : memref<64x512xf32, #tpu.memory_space<vmem>>, vector<16xf32>,
        %mul3A_680 = arith.mulf %gather3A_670, %get3A_679 : vector<16xf32>
        %add3A_681 = arith.addf %scan3A_638, %mul3A_680 : vector<16xf32>
        %get3A_682 = arith.index_cast %add3A_671 : i32 to index
        %get3A_683 = arith.constant 32 : index
        %get3A_684 = tpu.vector_load %arg23[%get3A_682, %get3A_683] {strides = array<i32>} : memref<64x512xf32, #tpu.memory_space<vmem>>, vector<16xf32>,
        %mul3A_685 = arith.mulf %gather3A_670, %get3A_684 : vector<16xf32>
        %add3A_686 = arith.addf %scan3A_639, %mul3A_685 : vector<16xf32>
        %get3A_687 = arith.index_cast %add3A_671 : i32 to index
        %get3A_688 = arith.constant 48 : index
        %get3A_689 = tpu.vector_load %arg23[%get3A_687, %get3A_688] {strides = array<i32>} : memref<64x512xf32, #tpu.memory_space<vmem>>, vector<16xf32>,
        %mul3A_690 = arith.mulf %gather3A_670, %get3A_689 : vector<16xf32>
        %add3A_691 = arith.addf %scan3A_640, %mul3A_690 : vector<16xf32>
        %get3A_692 = arith.index_cast %add3A_671 : i32 to index
        %get3A_693 = arith.constant 64 : index
        %get3A_694 = tpu.vector_load %arg23[%get3A_692, %get3A_693] {strides = array<i32>} : memref<64x512xf32, #tpu.memory_space<vmem>>, vector<16xf32>,
        %mul3A_695 = arith.mulf %gather3A_670, %get3A_694 : vector<16xf32>
        %add3A_696 = arith.addf %scan3A_641, %mul3A_695 : vector<16xf32>
        %get3A_697 = arith.index_cast %add3A_671 : i32 to index
        %get3A_698 = arith.constant 80 : index
        %get3A_699 = tpu.vector_load %arg23[%get3A_697, %get3A_698] {strides = array<i32>} : memref<64x512xf32, #tpu.memory_space<vmem>>, vector<16xf32>,
        %mul3A_700 = arith.mulf %gather3A_670, %get3A_699 : vector<16xf32>
        %add3A_701 = arith.addf %scan3A_642, %mul3A_700 : vector<16xf32>
        %get3A_702 = arith.index_cast %add3A_671 : i32 to index
        %get3A_703 = arith.constant 96 : index
        %get3A_704 = tpu.vector_load %arg23[%get3A_702, %get3A_703] {strides = array<i32>} : memref<64x512xf32, #tpu.memory_space<vmem>>, vector<16xf32>,
        %mul3A_705 = arith.mulf %gather3A_670, %get3A_704 : vector<16xf32>
        %add3A_706 = arith.addf %scan3A_643, %mul3A_705 : vector<16xf32>
        %get3A_707 = arith.index_cast %add3A_671 : i32 to index
        %get3A_708 = arith.constant 112 : index
        %get3A_709 = tpu.vector_load %arg23[%get3A_707, %get3A_708] {strides = array<i32>} : memref<64x512xf32, #tpu.memory_space<vmem>>, vector<16xf32>,
        %mul3A_710 = arith.mulf %gather3A_670, %get3A_709 : vector<16xf32>
        %add3A_711 = arith.addf %scan3A_644, %mul3A_710 : vector<16xf32>
        %get3A_712 = arith.index_cast %add3A_671 : i32 to index
        %get3A_713 = arith.constant 128 : index
        %get3A_714 = tpu.vector_load %arg23[%get3A_712, %get3A_713] {strides = array<i32>} : memref<64x512xf32, #tpu.memory_space<vmem>>, vector<16xf32>,
        %mul3A_715 = arith.mulf %gather3A_670, %get3A_714 : vector<16xf32>
        %add3A_716 = arith.addf %scan3A_645, %mul3A_715 : vector<16xf32>
        %get3A_717 = arith.index_cast %add3A_671 : i32 to index
        %get3A_718 = arith.constant 144 : index
        %get3A_719 = tpu.vector_load %arg23[%get3A_717, %get3A_718] {strides = array<i32>} : memref<64x512xf32, #tpu.memory_space<vmem>>, vector<16xf32>,
        %mul3A_720 = arith.mulf %gather3A_670, %get3A_719 : vector<16xf32>
        %add3A_721 = arith.addf %scan3A_646, %mul3A_720 : vector<16xf32>
        %get3A_722 = arith.index_cast %add3A_671 : i32 to index
        %get3A_723 = arith.constant 160 : index
        %get3A_724 = tpu.vector_load %arg23[%get3A_722, %get3A_723] {strides = array<i32>} : memref<64x512xf32, #tpu.memory_space<vmem>>, vector<16xf32>,
        %mul3A_725 = arith.mulf %gather3A_670, %get3A_724 : vector<16xf32>
        %add3A_726 = arith.addf %scan3A_647, %mul3A_725 : vector<16xf32>
        %get3A_727 = arith.index_cast %add3A_671 : i32 to index
        %get3A_728 = arith.constant 176 : index
        %get3A_729 = tpu.vector_load %arg23[%get3A_727, %get3A_728] {strides = array<i32>} : memref<64x512xf32, #tpu.memory_space<vmem>>, vector<16xf32>,
        %mul3A_730 = arith.mulf %gather3A_670, %get3A_729 : vector<16xf32>
        %add3A_731 = arith.addf %scan3A_648, %mul3A_730 : vector<16xf32>
        %get3A_732 = arith.index_cast %add3A_671 : i32 to index
        %get3A_733 = arith.constant 192 : index
        %get3A_734 = tpu.vector_load %arg23[%get3A_732, %get3A_733] {strides = array<i32>} : memref<64x512xf32, #tpu.memory_space<vmem>>, vector<16xf32>,
        %mul3A_735 = arith.mulf %gather3A_670, %get3A_734 : vector<16xf32>
        %add3A_736 = arith.addf %scan3A_649, %mul3A_735 : vector<16xf32>
        %get3A_737 = arith.index_cast %add3A_671 : i32 to index
        %get3A_738 = arith.constant 208 : index
        %get3A_739 = tpu.vector_load %arg23[%get3A_737, %get3A_738] {strides = array<i32>} : memref<64x512xf32, #tpu.memory_space<vmem>>, vector<16xf32>,
        %mul3A_740 = arith.mulf %gather3A_670, %get3A_739 : vector<16xf32>
        %add3A_741 = arith.addf %scan3A_650, %mul3A_740 : vector<16xf32>
        %get3A_742 = arith.index_cast %add3A_671 : i32 to index
        %get3A_743 = arith.constant 224 : index
        %get3A_744 = tpu.vector_load %arg23[%get3A_742, %get3A_743] {strides = array<i32>} : memref<64x512xf32, #tpu.memory_space<vmem>>, vector<16xf32>,
        %mul3A_745 = arith.mulf %gather3A_670, %get3A_744 : vector<16xf32>
        %add3A_746 = arith.addf %scan3A_651, %mul3A_745 : vector<16xf32>
        %get3A_747 = arith.index_cast %add3A_671 : i32 to index
        %get3A_748 = arith.constant 240 : index
        %get3A_749 = tpu.vector_load %arg23[%get3A_747, %get3A_748] {strides = array<i32>} : memref<64x512xf32, #tpu.memory_space<vmem>>, vector<16xf32>,
        %mul3A_750 = arith.mulf %gather3A_670, %get3A_749 : vector<16xf32>
        %add3A_751 = arith.addf %scan3A_652, %mul3A_750 : vector<16xf32>
        %get3A_752 = arith.index_cast %add3A_671 : i32 to index
        %get3A_753 = arith.constant 256 : index
        %get3A_754 = tpu.vector_load %arg23[%get3A_752, %get3A_753] {strides = array<i32>} : memref<64x512xf32, #tpu.memory_space<vmem>>, vector<16xf32>,
        %mul3A_755 = arith.mulf %gather3A_670, %get3A_754 : vector<16xf32>
        %add3A_756 = arith.addf %scan3A_653, %mul3A_755 : vector<16xf32>
        %get3A_757 = arith.index_cast %add3A_671 : i32 to index
        %get3A_758 = arith.constant 272 : index
        %get3A_759 = tpu.vector_load %arg23[%get3A_757, %get3A_758] {strides = array<i32>} : memref<64x512xf32, #tpu.memory_space<vmem>>, vector<16xf32>,
        %mul3A_760 = arith.mulf %gather3A_670, %get3A_759 : vector<16xf32>
        %add3A_761 = arith.addf %scan3A_654, %mul3A_760 : vector<16xf32>
        %get3A_762 = arith.index_cast %add3A_671 : i32 to index
        %get3A_763 = arith.constant 288 : index
        %get3A_764 = tpu.vector_load %arg23[%get3A_762, %get3A_763] {strides = array<i32>} : memref<64x512xf32, #tpu.memory_space<vmem>>, vector<16xf32>,
        %mul3A_765 = arith.mulf %gather3A_670, %get3A_764 : vector<16xf32>
        %add3A_766 = arith.addf %scan3A_655, %mul3A_765 : vector<16xf32>
        %get3A_767 = arith.index_cast %add3A_671 : i32 to index
        %get3A_768 = arith.constant 304 : index
        %get3A_769 = tpu.vector_load %arg23[%get3A_767, %get3A_768] {strides = array<i32>} : memref<64x512xf32, #tpu.memory_space<vmem>>, vector<16xf32>,
        %mul3A_770 = arith.mulf %gather3A_670, %get3A_769 : vector<16xf32>
        %add3A_771 = arith.addf %scan3A_656, %mul3A_770 : vector<16xf32>
        %get3A_772 = arith.index_cast %add3A_671 : i32 to index
        %get3A_773 = arith.constant 320 : index
        %get3A_774 = tpu.vector_load %arg23[%get3A_772, %get3A_773] {strides = array<i32>} : memref<64x512xf32, #tpu.memory_space<vmem>>, vector<16xf32>,
        %mul3A_775 = arith.mulf %gather3A_670, %get3A_774 : vector<16xf32>
        %add3A_776 = arith.addf %scan3A_657, %mul3A_775 : vector<16xf32>
        %get3A_777 = arith.index_cast %add3A_671 : i32 to index
        %get3A_778 = arith.constant 336 : index
        %get3A_779 = tpu.vector_load %arg23[%get3A_777, %get3A_778] {strides = array<i32>} : memref<64x512xf32, #tpu.memory_space<vmem>>, vector<16xf32>,
        %mul3A_780 = arith.mulf %gather3A_670, %get3A_779 : vector<16xf32>
        %add3A_781 = arith.addf %scan3A_658, %mul3A_780 : vector<16xf32>
        %get3A_782 = arith.index_cast %add3A_671 : i32 to index
        %get3A_783 = arith.constant 352 : index
        %get3A_784 = tpu.vector_load %arg23[%get3A_782, %get3A_783] {strides = array<i32>} : memref<64x512xf32, #tpu.memory_space<vmem>>, vector<16xf32>,
        %mul3A_785 = arith.mulf %gather3A_670, %get3A_784 : vector<16xf32>
        %add3A_786 = arith.addf %scan3A_659, %mul3A_785 : vector<16xf32>
        %get3A_787 = arith.index_cast %add3A_671 : i32 to index
        %get3A_788 = arith.constant 368 : index
        %get3A_789 = tpu.vector_load %arg23[%get3A_787, %get3A_788] {strides = array<i32>} : memref<64x512xf32, #tpu.memory_space<vmem>>, vector<16xf32>,
        %mul3A_790 = arith.mulf %gather3A_670, %get3A_789 : vector<16xf32>
        %add3A_791 = arith.addf %scan3A_660, %mul3A_790 : vector<16xf32>
        %get3A_792 = arith.index_cast %add3A_671 : i32 to index
        %get3A_793 = arith.constant 384 : index
        %get3A_794 = tpu.vector_load %arg23[%get3A_792, %get3A_793] {strides = array<i32>} : memref<64x512xf32, #tpu.memory_space<vmem>>, vector<16xf32>,
        %mul3A_795 = arith.mulf %gather3A_670, %get3A_794 : vector<16xf32>
        %add3A_796 = arith.addf %scan3A_661, %mul3A_795 : vector<16xf32>
        %get3A_797 = arith.index_cast %add3A_671 : i32 to index
        %get3A_798 = arith.constant 400 : index
        %get3A_799 = tpu.vector_load %arg23[%get3A_797, %get3A_798] {strides = array<i32>} : memref<64x512xf32, #tpu.memory_space<vmem>>, vector<16xf32>,
        %mul3A_800 = arith.mulf %gather3A_670, %get3A_799 : vector<16xf32>
        %add3A_801 = arith.addf %scan3A_662, %mul3A_800 : vector<16xf32>
        %get3A_802 = arith.index_cast %add3A_671 : i32 to index
        %get3A_803 = arith.constant 416 : index
        %get3A_804 = tpu.vector_load %arg23[%get3A_802, %get3A_803] {strides = array<i32>} : memref<64x512xf32, #tpu.memory_space<vmem>>, vector<16xf32>,
        %mul3A_805 = arith.mulf %gather3A_670, %get3A_804 : vector<16xf32>
        %add3A_806 = arith.addf %scan3A_663, %mul3A_805 : vector<16xf32>
        %get3A_807 = arith.index_cast %add3A_671 : i32 to index
        %get3A_808 = arith.constant 432 : index
        %get3A_809 = tpu.vector_load %arg23[%get3A_807, %get3A_808] {strides = array<i32>} : memref<64x512xf32, #tpu.memory_space<vmem>>, vector<16xf32>,
        %mul3A_810 = arith.mulf %gather3A_670, %get3A_809 : vector<16xf32>
        %add3A_811 = arith.addf %scan3A_664, %mul3A_810 : vector<16xf32>
        %get3A_812 = arith.index_cast %add3A_671 : i32 to index
        %get3A_813 = arith.constant 448 : index
        %get3A_814 = tpu.vector_load %arg23[%get3A_812, %get3A_813] {strides = array<i32>} : memref<64x512xf32, #tpu.memory_space<vmem>>, vector<16xf32>,
        %mul3A_815 = arith.mulf %gather3A_670, %get3A_814 : vector<16xf32>
        %add3A_816 = arith.addf %scan3A_665, %mul3A_815 : vector<16xf32>
        %get3A_817 = arith.index_cast %add3A_671 : i32 to index
        %get3A_818 = arith.constant 464 : index
        %get3A_819 = tpu.vector_load %arg23[%get3A_817, %get3A_818] {strides = array<i32>} : memref<64x512xf32, #tpu.memory_space<vmem>>, vector<16xf32>,
        %mul3A_820 = arith.mulf %gather3A_670, %get3A_819 : vector<16xf32>
        %add3A_821 = arith.addf %scan3A_666, %mul3A_820 : vector<16xf32>
        %get3A_822 = arith.index_cast %add3A_671 : i32 to index
        %get3A_823 = arith.constant 480 : index
        %get3A_824 = tpu.vector_load %arg23[%get3A_822, %get3A_823] {strides = array<i32>} : memref<64x512xf32, #tpu.memory_space<vmem>>, vector<16xf32>,
        %mul3A_825 = arith.mulf %gather3A_670, %get3A_824 : vector<16xf32>
        %add3A_826 = arith.addf %scan3A_667, %mul3A_825 : vector<16xf32>
        %get3A_827 = arith.index_cast %add3A_671 : i32 to index
        %get3A_828 = arith.constant 496 : index
        %get3A_829 = tpu.vector_load %arg23[%get3A_827, %get3A_828] {strides = array<i32>} : memref<64x512xf32, #tpu.memory_space<vmem>>, vector<16xf32>,
        %mul3A_830 = arith.mulf %gather3A_670, %get3A_829 : vector<16xf32>
        %add3A_831 = arith.addf %scan3A_668, %mul3A_830 : vector<16xf32>
        scf.yield %add3A_676, %add3A_681, %add3A_686, %add3A_691, %add3A_696, %add3A_701, %add3A_706, %add3A_711, %add3A_716, %add3A_721, %add3A_726, %add3A_731, %add3A_736, %add3A_741, %add3A_746, %add3A_751, %add3A_756, %add3A_761, %add3A_766, %add3A_771, %add3A_776, %add3A_781, %add3A_786, %add3A_791, %add3A_796, %add3A_801, %add3A_806, %add3A_811, %add3A_816, %add3A_821, %add3A_826, %add3A_831 : vector<16xf32>, vector<16xf32>, vector<16xf32>, vector<16xf32>, vector<16xf32>, vector<16xf32>, vector<16xf32>, vector<16xf32>, vector<16xf32>, vector<16xf32>, vector<16xf32>, vector<16xf32>, vector<16xf32>, vector<16xf32>, vector<16xf32>, vector<16xf32>, vector<16xf32>, vector<16xf32>, vector<16xf32>, vector<16xf32>, vector<16xf32>, vector<16xf32>, vector<16xf32>, vector<16xf32>, vector<16xf32>, vector<16xf32>, vector<16xf32>, vector<16xf32>, vector<16xf32>, vector<16xf32>, vector<16xf32>, vector<16xf32>
      }
      %scan3A_306 = arith.constant 16 : i32
      %swap3A = arith.index_cast %and3A_200 : i32 to index
      %swap3A_307 = arith.constant 0 : index
      %swap3A_308 = tpu.vector_load %arg25[%swap3A, %swap3A_307] {strides = array<i32>} : memref<8x512xf32, #tpu.memory_space<vmem>>, vector<16xf32>,
      tpu.vector_store %arg25[%swap3A, %swap3A_307], %scan3A_305#0 {strides = array<i32>} : memref<8x512xf32, #tpu.memory_space<vmem>>, vector<16xf32>,
      %swap3A_309 = arith.index_cast %and3A_200 : i32 to index
      %swap3A_310 = arith.constant 16 : index
      %swap3A_311 = tpu.vector_load %arg25[%swap3A_309, %swap3A_310] {strides = array<i32>} : memref<8x512xf32, #tpu.memory_space<vmem>>, vector<16xf32>,
      tpu.vector_store %arg25[%swap3A_309, %swap3A_310], %scan3A_305#1 {strides = array<i32>} : memref<8x512xf32, #tpu.memory_space<vmem>>, vector<16xf32>,
      %swap3A_312 = arith.index_cast %and3A_200 : i32 to index
      %swap3A_313 = arith.constant 32 : index
      %swap3A_314 = tpu.vector_load %arg25[%swap3A_312, %swap3A_313] {strides = array<i32>} : memref<8x512xf32, #tpu.memory_space<vmem>>, vector<16xf32>,
      tpu.vector_store %arg25[%swap3A_312, %swap3A_313], %scan3A_305#2 {strides = array<i32>} : memref<8x512xf32, #tpu.memory_space<vmem>>, vector<16xf32>,
      %swap3A_315 = arith.index_cast %and3A_200 : i32 to index
      %swap3A_316 = arith.constant 48 : index
      %swap3A_317 = tpu.vector_load %arg25[%swap3A_315, %swap3A_316] {strides = array<i32>} : memref<8x512xf32, #tpu.memory_space<vmem>>, vector<16xf32>,
      tpu.vector_store %arg25[%swap3A_315, %swap3A_316], %scan3A_305#3 {strides = array<i32>} : memref<8x512xf32, #tpu.memory_space<vmem>>, vector<16xf32>,
      %swap3A_318 = arith.index_cast %and3A_200 : i32 to index
      %swap3A_319 = arith.constant 64 : index
      %swap3A_320 = tpu.vector_load %arg25[%swap3A_318, %swap3A_319] {strides = array<i32>} : memref<8x512xf32, #tpu.memory_space<vmem>>, vector<16xf32>,
      tpu.vector_store %arg25[%swap3A_318, %swap3A_319], %scan3A_305#4 {strides = array<i32>} : memref<8x512xf32, #tpu.memory_space<vmem>>, vector<16xf32>,
      %swap3A_321 = arith.index_cast %and3A_200 : i32 to index
      %swap3A_322 = arith.constant 80 : index
      %swap3A_323 = tpu.vector_load %arg25[%swap3A_321, %swap3A_322] {strides = array<i32>} : memref<8x512xf32, #tpu.memory_space<vmem>>, vector<16xf32>,
      tpu.vector_store %arg25[%swap3A_321, %swap3A_322], %scan3A_305#5 {strides = array<i32>} : memref<8x512xf32, #tpu.memory_space<vmem>>, vector<16xf32>,
      %swap3A_324 = arith.index_cast %and3A_200 : i32 to index
      %swap3A_325 = arith.constant 96 : index
      %swap3A_326 = tpu.vector_load %arg25[%swap3A_324, %swap3A_325] {strides = array<i32>} : memref<8x512xf32, #tpu.memory_space<vmem>>, vector<16xf32>,
      tpu.vector_store %arg25[%swap3A_324, %swap3A_325], %scan3A_305#6 {strides = array<i32>} : memref<8x512xf32, #tpu.memory_space<vmem>>, vector<16xf32>,
      %swap3A_327 = arith.index_cast %and3A_200 : i32 to index
      %swap3A_328 = arith.constant 112 : index
      %swap3A_329 = tpu.vector_load %arg25[%swap3A_327, %swap3A_328] {strides = array<i32>} : memref<8x512xf32, #tpu.memory_space<vmem>>, vector<16xf32>,
      tpu.vector_store %arg25[%swap3A_327, %swap3A_328], %scan3A_305#7 {strides = array<i32>} : memref<8x512xf32, #tpu.memory_space<vmem>>, vector<16xf32>,
      %swap3A_330 = arith.index_cast %and3A_200 : i32 to index
      %swap3A_331 = arith.constant 128 : index
      %swap3A_332 = tpu.vector_load %arg25[%swap3A_330, %swap3A_331] {strides = array<i32>} : memref<8x512xf32, #tpu.memory_space<vmem>>, vector<16xf32>,
      tpu.vector_store %arg25[%swap3A_330, %swap3A_331], %scan3A_305#8 {strides = array<i32>} : memref<8x512xf32, #tpu.memory_space<vmem>>, vector<16xf32>,
      %swap3A_333 = arith.index_cast %and3A_200 : i32 to index
      %swap3A_334 = arith.constant 144 : index
      %swap3A_335 = tpu.vector_load %arg25[%swap3A_333, %swap3A_334] {strides = array<i32>} : memref<8x512xf32, #tpu.memory_space<vmem>>, vector<16xf32>,
      tpu.vector_store %arg25[%swap3A_333, %swap3A_334], %scan3A_305#9 {strides = array<i32>} : memref<8x512xf32, #tpu.memory_space<vmem>>, vector<16xf32>,
      %swap3A_336 = arith.index_cast %and3A_200 : i32 to index
      %swap3A_337 = arith.constant 160 : index
      %swap3A_338 = tpu.vector_load %arg25[%swap3A_336, %swap3A_337] {strides = array<i32>} : memref<8x512xf32, #tpu.memory_space<vmem>>, vector<16xf32>,
      tpu.vector_store %arg25[%swap3A_336, %swap3A_337], %scan3A_305#10 {strides = array<i32>} : memref<8x512xf32, #tpu.memory_space<vmem>>, vector<16xf32>,
      %swap3A_339 = arith.index_cast %and3A_200 : i32 to index
      %swap3A_340 = arith.constant 176 : index
      %swap3A_341 = tpu.vector_load %arg25[%swap3A_339, %swap3A_340] {strides = array<i32>} : memref<8x512xf32, #tpu.memory_space<vmem>>, vector<16xf32>,
      tpu.vector_store %arg25[%swap3A_339, %swap3A_340], %scan3A_305#11 {strides = array<i32>} : memref<8x512xf32, #tpu.memory_space<vmem>>, vector<16xf32>,
      %swap3A_342 = arith.index_cast %and3A_200 : i32 to index
      %swap3A_343 = arith.constant 192 : index
      %swap3A_344 = tpu.vector_load %arg25[%swap3A_342, %swap3A_343] {strides = array<i32>} : memref<8x512xf32, #tpu.memory_space<vmem>>, vector<16xf32>,
      tpu.vector_store %arg25[%swap3A_342, %swap3A_343], %scan3A_305#12 {strides = array<i32>} : memref<8x512xf32, #tpu.memory_space<vmem>>, vector<16xf32>,
      %swap3A_345 = arith.index_cast %and3A_200 : i32 to index
      %swap3A_346 = arith.constant 208 : index
      %swap3A_347 = tpu.vector_load %arg25[%swap3A_345, %swap3A_346] {strides = array<i32>} : memref<8x512xf32, #tpu.memory_space<vmem>>, vector<16xf32>,
      tpu.vector_store %arg25[%swap3A_345, %swap3A_346], %scan3A_305#13 {strides = array<i32>} : memref<8x512xf32, #tpu.memory_space<vmem>>, vector<16xf32>,
      %swap3A_348 = arith.index_cast %and3A_200 : i32 to index
      %swap3A_349 = arith.constant 224 : index
      %swap3A_350 = tpu.vector_load %arg25[%swap3A_348, %swap3A_349] {strides = array<i32>} : memref<8x512xf32, #tpu.memory_space<vmem>>, vector<16xf32>,
      tpu.vector_store %arg25[%swap3A_348, %swap3A_349], %scan3A_305#14 {strides = array<i32>} : memref<8x512xf32, #tpu.memory_space<vmem>>, vector<16xf32>,
      %swap3A_351 = arith.index_cast %and3A_200 : i32 to index
      %swap3A_352 = arith.constant 240 : index
      %swap3A_353 = tpu.vector_load %arg25[%swap3A_351, %swap3A_352] {strides = array<i32>} : memref<8x512xf32, #tpu.memory_space<vmem>>, vector<16xf32>,
      tpu.vector_store %arg25[%swap3A_351, %swap3A_352], %scan3A_305#15 {strides = array<i32>} : memref<8x512xf32, #tpu.memory_space<vmem>>, vector<16xf32>,
      %swap3A_354 = arith.index_cast %and3A_200 : i32 to index
      %swap3A_355 = arith.constant 256 : index
      %swap3A_356 = tpu.vector_load %arg25[%swap3A_354, %swap3A_355] {strides = array<i32>} : memref<8x512xf32, #tpu.memory_space<vmem>>, vector<16xf32>,
      tpu.vector_store %arg25[%swap3A_354, %swap3A_355], %scan3A_305#16 {strides = array<i32>} : memref<8x512xf32, #tpu.memory_space<vmem>>, vector<16xf32>,
      %swap3A_357 = arith.index_cast %and3A_200 : i32 to index
      %swap3A_358 = arith.constant 272 : index
      %swap3A_359 = tpu.vector_load %arg25[%swap3A_357, %swap3A_358] {strides = array<i32>} : memref<8x512xf32, #tpu.memory_space<vmem>>, vector<16xf32>,
      tpu.vector_store %arg25[%swap3A_357, %swap3A_358], %scan3A_305#17 {strides = array<i32>} : memref<8x512xf32, #tpu.memory_space<vmem>>, vector<16xf32>,
      %swap3A_360 = arith.index_cast %and3A_200 : i32 to index
      %swap3A_361 = arith.constant 288 : index
      %swap3A_362 = tpu.vector_load %arg25[%swap3A_360, %swap3A_361] {strides = array<i32>} : memref<8x512xf32, #tpu.memory_space<vmem>>, vector<16xf32>,
      tpu.vector_store %arg25[%swap3A_360, %swap3A_361], %scan3A_305#18 {strides = array<i32>} : memref<8x512xf32, #tpu.memory_space<vmem>>, vector<16xf32>,
      %swap3A_363 = arith.index_cast %and3A_200 : i32 to index
      %swap3A_364 = arith.constant 304 : index
      %swap3A_365 = tpu.vector_load %arg25[%swap3A_363, %swap3A_364] {strides = array<i32>} : memref<8x512xf32, #tpu.memory_space<vmem>>, vector<16xf32>,
      tpu.vector_store %arg25[%swap3A_363, %swap3A_364], %scan3A_305#19 {strides = array<i32>} : memref<8x512xf32, #tpu.memory_space<vmem>>, vector<16xf32>,
      %swap3A_366 = arith.index_cast %and3A_200 : i32 to index
      %swap3A_367 = arith.constant 320 : index
      %swap3A_368 = tpu.vector_load %arg25[%swap3A_366, %swap3A_367] {strides = array<i32>} : memref<8x512xf32, #tpu.memory_space<vmem>>, vector<16xf32>,
      tpu.vector_store %arg25[%swap3A_366, %swap3A_367], %scan3A_305#20 {strides = array<i32>} : memref<8x512xf32, #tpu.memory_space<vmem>>, vector<16xf32>,
      %swap3A_369 = arith.index_cast %and3A_200 : i32 to index
      %swap3A_370 = arith.constant 336 : index
      %swap3A_371 = tpu.vector_load %arg25[%swap3A_369, %swap3A_370] {strides = array<i32>} : memref<8x512xf32, #tpu.memory_space<vmem>>, vector<16xf32>,
      tpu.vector_store %arg25[%swap3A_369, %swap3A_370], %scan3A_305#21 {strides = array<i32>} : memref<8x512xf32, #tpu.memory_space<vmem>>, vector<16xf32>,
      %swap3A_372 = arith.index_cast %and3A_200 : i32 to index
      %swap3A_373 = arith.constant 352 : index
      %swap3A_374 = tpu.vector_load %arg25[%swap3A_372, %swap3A_373] {strides = array<i32>} : memref<8x512xf32, #tpu.memory_space<vmem>>, vector<16xf32>,
      tpu.vector_store %arg25[%swap3A_372, %swap3A_373], %scan3A_305#22 {strides = array<i32>} : memref<8x512xf32, #tpu.memory_space<vmem>>, vector<16xf32>,
      %swap3A_375 = arith.index_cast %and3A_200 : i32 to index
      %swap3A_376 = arith.constant 368 : index
      %swap3A_377 = tpu.vector_load %arg25[%swap3A_375, %swap3A_376] {strides = array<i32>} : memref<8x512xf32, #tpu.memory_space<vmem>>, vector<16xf32>,
      tpu.vector_store %arg25[%swap3A_375, %swap3A_376], %scan3A_305#23 {strides = array<i32>} : memref<8x512xf32, #tpu.memory_space<vmem>>, vector<16xf32>,
      %swap3A_378 = arith.index_cast %and3A_200 : i32 to index
      %swap3A_379 = arith.constant 384 : index
      %swap3A_380 = tpu.vector_load %arg25[%swap3A_378, %swap3A_379] {strides = array<i32>} : memref<8x512xf32, #tpu.memory_space<vmem>>, vector<16xf32>,
      tpu.vector_store %arg25[%swap3A_378, %swap3A_379], %scan3A_305#24 {strides = array<i32>} : memref<8x512xf32, #tpu.memory_space<vmem>>, vector<16xf32>,
      %swap3A_381 = arith.index_cast %and3A_200 : i32 to index
      %swap3A_382 = arith.constant 400 : index
      %swap3A_383 = tpu.vector_load %arg25[%swap3A_381, %swap3A_382] {strides = array<i32>} : memref<8x512xf32, #tpu.memory_space<vmem>>, vector<16xf32>,
      tpu.vector_store %arg25[%swap3A_381, %swap3A_382], %scan3A_305#25 {strides = array<i32>} : memref<8x512xf32, #tpu.memory_space<vmem>>, vector<16xf32>,
      %swap3A_384 = arith.index_cast %and3A_200 : i32 to index
      %swap3A_385 = arith.constant 416 : index
      %swap3A_386 = tpu.vector_load %arg25[%swap3A_384, %swap3A_385] {strides = array<i32>} : memref<8x512xf32, #tpu.memory_space<vmem>>, vector<16xf32>,
      tpu.vector_store %arg25[%swap3A_384, %swap3A_385], %scan3A_305#26 {strides = array<i32>} : memref<8x512xf32, #tpu.memory_space<vmem>>, vector<16xf32>,
      %swap3A_387 = arith.index_cast %and3A_200 : i32 to index
      %swap3A_388 = arith.constant 432 : index
      %swap3A_389 = tpu.vector_load %arg25[%swap3A_387, %swap3A_388] {strides = array<i32>} : memref<8x512xf32, #tpu.memory_space<vmem>>, vector<16xf32>,
      tpu.vector_store %arg25[%swap3A_387, %swap3A_388], %scan3A_305#27 {strides = array<i32>} : memref<8x512xf32, #tpu.memory_space<vmem>>, vector<16xf32>,
      %swap3A_390 = arith.index_cast %and3A_200 : i32 to index
      %swap3A_391 = arith.constant 448 : index
      %swap3A_392 = tpu.vector_load %arg25[%swap3A_390, %swap3A_391] {strides = array<i32>} : memref<8x512xf32, #tpu.memory_space<vmem>>, vector<16xf32>,
      tpu.vector_store %arg25[%swap3A_390, %swap3A_391], %scan3A_305#28 {strides = array<i32>} : memref<8x512xf32, #tpu.memory_space<vmem>>, vector<16xf32>,
      %swap3A_393 = arith.index_cast %and3A_200 : i32 to index
      %swap3A_394 = arith.constant 464 : index
      %swap3A_395 = tpu.vector_load %arg25[%swap3A_393, %swap3A_394] {strides = array<i32>} : memref<8x512xf32, #tpu.memory_space<vmem>>, vector<16xf32>,
      tpu.vector_store %arg25[%swap3A_393, %swap3A_394], %scan3A_305#29 {strides = array<i32>} : memref<8x512xf32, #tpu.memory_space<vmem>>, vector<16xf32>,
      %swap3A_396 = arith.index_cast %and3A_200 : i32 to index
      %swap3A_397 = arith.constant 480 : index
      %swap3A_398 = tpu.vector_load %arg25[%swap3A_396, %swap3A_397] {strides = array<i32>} : memref<8x512xf32, #tpu.memory_space<vmem>>, vector<16xf32>,
      tpu.vector_store %arg25[%swap3A_396, %swap3A_397], %scan3A_305#30 {strides = array<i32>} : memref<8x512xf32, #tpu.memory_space<vmem>>, vector<16xf32>,
      %swap3A_399 = arith.index_cast %and3A_200 : i32 to index
      %swap3A_400 = arith.constant 496 : index
      %swap3A_401 = tpu.vector_load %arg25[%swap3A_399, %swap3A_400] {strides = array<i32>} : memref<8x512xf32, #tpu.memory_space<vmem>>, vector<16xf32>,
      tpu.vector_store %arg25[%swap3A_399, %swap3A_400], %scan3A_305#31 {strides = array<i32>} : memref<8x512xf32, #tpu.memory_space<vmem>>, vector<16xf32>,
      %add3A_402 = arith.constant 1 : i32
      %add3A_403 = arith.addi %mul3A_93, %add3A_402 : i32
      %add3A_404 = arith.constant 1 : i32
      %add3A_405 = arith.addi %mul3A_93, %add3A_404 : i32
      %and3A_406 = arith.constant 3 : i32
      %and3A_407 = arith.andi %add3A_405, %and3A_406 : i32
      %mul3A_408 = arith.constant 16 : i32
      %mul3A_409 = arith.muli %and3A_407, %mul3A_408 : i32
      %add3A_410 = arith.addi %mul3A_193, %sub3A_189 : i32
      %add3A_411 = arith.constant 1 : i32
      %add3A_412 = arith.addi %add3A_410, %add3A_411 : i32
      %add3A_413 = arith.constant 1 : i32
      %add3A_414 = arith.addi %mul3A_93, %add3A_413 : i32
      %and3A_415 = arith.constant 7 : i32
      %and3A_416 = arith.andi %add3A_414, %and3A_415 : i32
      %mul3A_417 = arith.constant 16 : i32
      %mul3A_418 = arith.muli %add3A_403, %mul3A_417 : i32
      %get3A_419 = arith.index_cast %mul3A_418 : i32 to index
      %get3A_420 = tpu.vector_load %arg22[%get3A_419] {strides = array<i32>} : memref<5120xf32, #tpu.memory_space<vmem>>, vector<16xf32>,
      %get3A_421 = arith.index_cast %add3A_412 : i32 to index
      %get3A_422 = arith.constant 0 : index
      %get3A_423 = tpu.vector_load %arg24[%get3A_421, %get3A_422] {strides = array<i32>} : memref<32x512xf32, #tpu.memory_space<vmem>>, vector<16xf32>,
      %get3A_424 = arith.index_cast %add3A_412 : i32 to index
      %get3A_425 = arith.constant 16 : index
      %get3A_426 = tpu.vector_load %arg24[%get3A_424, %get3A_425] {strides = array<i32>} : memref<32x512xf32, #tpu.memory_space<vmem>>, vector<16xf32>,
      %get3A_427 = arith.index_cast %add3A_412 : i32 to index
      %get3A_428 = arith.constant 32 : index
      %get3A_429 = tpu.vector_load %arg24[%get3A_427, %get3A_428] {strides = array<i32>} : memref<32x512xf32, #tpu.memory_space<vmem>>, vector<16xf32>,
      %get3A_430 = arith.index_cast %add3A_412 : i32 to index
      %get3A_431 = arith.constant 48 : index
      %get3A_432 = tpu.vector_load %arg24[%get3A_430, %get3A_431] {strides = array<i32>} : memref<32x512xf32, #tpu.memory_space<vmem>>, vector<16xf32>,
      %get3A_433 = arith.index_cast %add3A_412 : i32 to index
      %get3A_434 = arith.constant 64 : index
      %get3A_435 = tpu.vector_load %arg24[%get3A_433, %get3A_434] {strides = array<i32>} : memref<32x512xf32, #tpu.memory_space<vmem>>, vector<16xf32>,
      %get3A_436 = arith.index_cast %add3A_412 : i32 to index
      %get3A_437 = arith.constant 80 : index
      %get3A_438 = tpu.vector_load %arg24[%get3A_436, %get3A_437] {strides = array<i32>} : memref<32x512xf32, #tpu.memory_space<vmem>>, vector<16xf32>,
      %get3A_439 = arith.index_cast %add3A_412 : i32 to index
      %get3A_440 = arith.constant 96 : index
      %get3A_441 = tpu.vector_load %arg24[%get3A_439, %get3A_440] {strides = array<i32>} : memref<32x512xf32, #tpu.memory_space<vmem>>, vector<16xf32>,
      %get3A_442 = arith.index_cast %add3A_412 : i32 to index
      %get3A_443 = arith.constant 112 : index
      %get3A_444 = tpu.vector_load %arg24[%get3A_442, %get3A_443] {strides = array<i32>} : memref<32x512xf32, #tpu.memory_space<vmem>>, vector<16xf32>,
      %get3A_445 = arith.index_cast %add3A_412 : i32 to index
      %get3A_446 = arith.constant 128 : index
      %get3A_447 = tpu.vector_load %arg24[%get3A_445, %get3A_446] {strides = array<i32>} : memref<32x512xf32, #tpu.memory_space<vmem>>, vector<16xf32>,
      %get3A_448 = arith.index_cast %add3A_412 : i32 to index
      %get3A_449 = arith.constant 144 : index
      %get3A_450 = tpu.vector_load %arg24[%get3A_448, %get3A_449] {strides = array<i32>} : memref<32x512xf32, #tpu.memory_space<vmem>>, vector<16xf32>,
      %get3A_451 = arith.index_cast %add3A_412 : i32 to index
      %get3A_452 = arith.constant 160 : index
      %get3A_453 = tpu.vector_load %arg24[%get3A_451, %get3A_452] {strides = array<i32>} : memref<32x512xf32, #tpu.memory_space<vmem>>, vector<16xf32>,
      %get3A_454 = arith.index_cast %add3A_412 : i32 to index
      %get3A_455 = arith.constant 176 : index
      %get3A_456 = tpu.vector_load %arg24[%get3A_454, %get3A_455] {strides = array<i32>} : memref<32x512xf32, #tpu.memory_space<vmem>>, vector<16xf32>,
      %get3A_457 = arith.index_cast %add3A_412 : i32 to index
      %get3A_458 = arith.constant 192 : index
      %get3A_459 = tpu.vector_load %arg24[%get3A_457, %get3A_458] {strides = array<i32>} : memref<32x512xf32, #tpu.memory_space<vmem>>, vector<16xf32>,
      %get3A_460 = arith.index_cast %add3A_412 : i32 to index
      %get3A_461 = arith.constant 208 : index
      %get3A_462 = tpu.vector_load %arg24[%get3A_460, %get3A_461] {strides = array<i32>} : memref<32x512xf32, #tpu.memory_space<vmem>>, vector<16xf32>,
      %get3A_463 = arith.index_cast %add3A_412 : i32 to index
      %get3A_464 = arith.constant 224 : index
      %get3A_465 = tpu.vector_load %arg24[%get3A_463, %get3A_464] {strides = array<i32>} : memref<32x512xf32, #tpu.memory_space<vmem>>, vector<16xf32>,
      %get3A_466 = arith.index_cast %add3A_412 : i32 to index
      %get3A_467 = arith.constant 240 : index
      %get3A_468 = tpu.vector_load %arg24[%get3A_466, %get3A_467] {strides = array<i32>} : memref<32x512xf32, #tpu.memory_space<vmem>>, vector<16xf32>,
      %get3A_469 = arith.index_cast %add3A_412 : i32 to index
      %get3A_470 = arith.constant 256 : index
      %get3A_471 = tpu.vector_load %arg24[%get3A_469, %get3A_470] {strides = array<i32>} : memref<32x512xf32, #tpu.memory_space<vmem>>, vector<16xf32>,
      %get3A_472 = arith.index_cast %add3A_412 : i32 to index
      %get3A_473 = arith.constant 272 : index
      %get3A_474 = tpu.vector_load %arg24[%get3A_472, %get3A_473] {strides = array<i32>} : memref<32x512xf32, #tpu.memory_space<vmem>>, vector<16xf32>,
      %get3A_475 = arith.index_cast %add3A_412 : i32 to index
      %get3A_476 = arith.constant 288 : index
      %get3A_477 = tpu.vector_load %arg24[%get3A_475, %get3A_476] {strides = array<i32>} : memref<32x512xf32, #tpu.memory_space<vmem>>, vector<16xf32>,
      %get3A_478 = arith.index_cast %add3A_412 : i32 to index
      %get3A_479 = arith.constant 304 : index
      %get3A_480 = tpu.vector_load %arg24[%get3A_478, %get3A_479] {strides = array<i32>} : memref<32x512xf32, #tpu.memory_space<vmem>>, vector<16xf32>,
      %get3A_481 = arith.index_cast %add3A_412 : i32 to index
      %get3A_482 = arith.constant 320 : index
      %get3A_483 = tpu.vector_load %arg24[%get3A_481, %get3A_482] {strides = array<i32>} : memref<32x512xf32, #tpu.memory_space<vmem>>, vector<16xf32>,
      %get3A_484 = arith.index_cast %add3A_412 : i32 to index
      %get3A_485 = arith.constant 336 : index
      %get3A_486 = tpu.vector_load %arg24[%get3A_484, %get3A_485] {strides = array<i32>} : memref<32x512xf32, #tpu.memory_space<vmem>>, vector<16xf32>,
      %get3A_487 = arith.index_cast %add3A_412 : i32 to index
      %get3A_488 = arith.constant 352 : index
      %get3A_489 = tpu.vector_load %arg24[%get3A_487, %get3A_488] {strides = array<i32>} : memref<32x512xf32, #tpu.memory_space<vmem>>, vector<16xf32>,
      %get3A_490 = arith.index_cast %add3A_412 : i32 to index
      %get3A_491 = arith.constant 368 : index
      %get3A_492 = tpu.vector_load %arg24[%get3A_490, %get3A_491] {strides = array<i32>} : memref<32x512xf32, #tpu.memory_space<vmem>>, vector<16xf32>,
      %get3A_493 = arith.index_cast %add3A_412 : i32 to index
      %get3A_494 = arith.constant 384 : index
      %get3A_495 = tpu.vector_load %arg24[%get3A_493, %get3A_494] {strides = array<i32>} : memref<32x512xf32, #tpu.memory_space<vmem>>, vector<16xf32>,
      %get3A_496 = arith.index_cast %add3A_412 : i32 to index
      %get3A_497 = arith.constant 400 : index
      %get3A_498 = tpu.vector_load %arg24[%get3A_496, %get3A_497] {strides = array<i32>} : memref<32x512xf32, #tpu.memory_space<vmem>>, vector<16xf32>,
      %get3A_499 = arith.index_cast %add3A_412 : i32 to index
      %get3A_500 = arith.constant 416 : index
      %get3A_501 = tpu.vector_load %arg24[%get3A_499, %get3A_500] {strides = array<i32>} : memref<32x512xf32, #tpu.memory_space<vmem>>, vector<16xf32>,
      %get3A_502 = arith.index_cast %add3A_412 : i32 to index
      %get3A_503 = arith.constant 432 : index
      %get3A_504 = tpu.vector_load %arg24[%get3A_502, %get3A_503] {strides = array<i32>} : memref<32x512xf32, #tpu.memory_space<vmem>>, vector<16xf32>,
      %get3A_505 = arith.index_cast %add3A_412 : i32 to index
      %get3A_506 = arith.constant 448 : index
      %get3A_507 = tpu.vector_load %arg24[%get3A_505, %get3A_506] {strides = array<i32>} : memref<32x512xf32, #tpu.memory_space<vmem>>, vector<16xf32>,
      %get3A_508 = arith.index_cast %add3A_412 : i32 to index
      %get3A_509 = arith.constant 464 : index
      %get3A_510 = tpu.vector_load %arg24[%get3A_508, %get3A_509] {strides = array<i32>} : memref<32x512xf32, #tpu.memory_space<vmem>>, vector<16xf32>,
      %get3A_511 = arith.index_cast %add3A_412 : i32 to index
      %get3A_512 = arith.constant 480 : index
      %get3A_513 = tpu.vector_load %arg24[%get3A_511, %get3A_512] {strides = array<i32>} : memref<32x512xf32, #tpu.memory_space<vmem>>, vector<16xf32>,
      %get3A_514 = arith.index_cast %add3A_412 : i32 to index
      %get3A_515 = arith.constant 496 : index
      %get3A_516 = tpu.vector_load %arg24[%get3A_514, %get3A_515] {strides = array<i32>} : memref<32x512xf32, #tpu.memory_space<vmem>>, vector<16xf32>,
      %scan3A_517 = arith.constant 0 : i32
      %scan3A_518 = arith.constant 16 : i32
      %scan3A_519 = arith.addi %scan3A_517, %scan3A_518 : i32
      %scan3A_520 = arith.constant 1 : i32
      %scan3A_521:32 = scf.for %scan3A_636 = %scan3A_517 to %scan3A_519 step %scan3A_520 iter_args(%scan3A_637 = %get3A_423, %scan3A_638 = %get3A_426, %scan3A_639 = %get3A_429, %scan3A_640 = %get3A_432, %scan3A_641 = %get3A_435, %scan3A_642 = %get3A_438, %scan3A_643 = %get3A_441, %scan3A_644 = %get3A_444, %scan3A_645 = %get3A_447, %scan3A_646 = %get3A_450, %scan3A_647 = %get3A_453, %scan3A_648 = %get3A_456, %scan3A_649 = %get3A_459, %scan3A_650 = %get3A_462, %scan3A_651 = %get3A_465, %scan3A_652 = %get3A_468, %scan3A_653 = %get3A_471, %scan3A_654 = %get3A_474, %scan3A_655 = %get3A_477, %scan3A_656 = %get3A_480, %scan3A_657 = %get3A_483, %scan3A_658 = %get3A_486, %scan3A_659 = %get3A_489, %scan3A_660 = %get3A_492, %scan3A_661 = %get3A_495, %scan3A_662 = %get3A_498, %scan3A_663 = %get3A_501, %scan3A_664 = %get3A_504, %scan3A_665 = %get3A_507, %scan3A_666 = %get3A_510, %scan3A_667 = %get3A_513, %scan3A_668 = %get3A_516) -> (vector<16xf32>, vector<16xf32>, vector<16xf32>, vector<16xf32>, vector<16xf32>, vector<16xf32>, vector<16xf32>, vector<16xf32>, vector<16xf32>, vector<16xf32>, vector<16xf32>, vector<16xf32>, vector<16xf32>, vector<16xf32>, vector<16xf32>, vector<16xf32>, vector<16xf32>, vector<16xf32>, vector<16xf32>, vector<16xf32>, vector<16xf32>, vector<16xf32>, vector<16xf32>, vector<16xf32>, vector<16xf32>, vector<16xf32>, vector<16xf32>, vector<16xf32>, vector<16xf32>, vector<16xf32>, vector<16xf32>, vector<16xf32>)  : i32 {
        %broadcast_in_dim3A = vector.broadcast %scan3A_636 : i32 to vector<16x1xi32>
        %gather3A_669 = vector.shape_cast %broadcast_in_dim3A : vector<16x1xi32> to vector<16xi32>
        %gather3A_670 = tpu.dynamic_gather %get3A_420[%gather3A_669] in [0] : vector<16xf32>, vector<16xi32> -> vector<16xf32>
        %add3A_671 = arith.addi %mul3A_409, %scan3A_636 : i32
        %get3A_672 = arith.index_cast %add3A_671 : i32 to index
        %get3A_673 = arith.constant 0 : index
        %get3A_674 = tpu.vector_load %arg23[%get3A_672, %get3A_673] {strides = array<i32>} : memref<64x512xf32, #tpu.memory_space<vmem>>, vector<16xf32>,
        %mul3A_675 = arith.mulf %gather3A_670, %get3A_674 : vector<16xf32>
        %add3A_676 = arith.addf %scan3A_637, %mul3A_675 : vector<16xf32>
        %get3A_677 = arith.index_cast %add3A_671 : i32 to index
        %get3A_678 = arith.constant 16 : index
        %get3A_679 = tpu.vector_load %arg23[%get3A_677, %get3A_678] {strides = array<i32>} : memref<64x512xf32, #tpu.memory_space<vmem>>, vector<16xf32>,
        %mul3A_680 = arith.mulf %gather3A_670, %get3A_679 : vector<16xf32>
        %add3A_681 = arith.addf %scan3A_638, %mul3A_680 : vector<16xf32>
        %get3A_682 = arith.index_cast %add3A_671 : i32 to index
        %get3A_683 = arith.constant 32 : index
        %get3A_684 = tpu.vector_load %arg23[%get3A_682, %get3A_683] {strides = array<i32>} : memref<64x512xf32, #tpu.memory_space<vmem>>, vector<16xf32>,
        %mul3A_685 = arith.mulf %gather3A_670, %get3A_684 : vector<16xf32>
        %add3A_686 = arith.addf %scan3A_639, %mul3A_685 : vector<16xf32>
        %get3A_687 = arith.index_cast %add3A_671 : i32 to index
        %get3A_688 = arith.constant 48 : index
        %get3A_689 = tpu.vector_load %arg23[%get3A_687, %get3A_688] {strides = array<i32>} : memref<64x512xf32, #tpu.memory_space<vmem>>, vector<16xf32>,
        %mul3A_690 = arith.mulf %gather3A_670, %get3A_689 : vector<16xf32>
        %add3A_691 = arith.addf %scan3A_640, %mul3A_690 : vector<16xf32>
        %get3A_692 = arith.index_cast %add3A_671 : i32 to index
        %get3A_693 = arith.constant 64 : index
        %get3A_694 = tpu.vector_load %arg23[%get3A_692, %get3A_693] {strides = array<i32>} : memref<64x512xf32, #tpu.memory_space<vmem>>, vector<16xf32>,
        %mul3A_695 = arith.mulf %gather3A_670, %get3A_694 : vector<16xf32>
        %add3A_696 = arith.addf %scan3A_641, %mul3A_695 : vector<16xf32>
        %get3A_697 = arith.index_cast %add3A_671 : i32 to index
        %get3A_698 = arith.constant 80 : index
        %get3A_699 = tpu.vector_load %arg23[%get3A_697, %get3A_698] {strides = array<i32>} : memref<64x512xf32, #tpu.memory_space<vmem>>, vector<16xf32>,
        %mul3A_700 = arith.mulf %gather3A_670, %get3A_699 : vector<16xf32>
        %add3A_701 = arith.addf %scan3A_642, %mul3A_700 : vector<16xf32>
        %get3A_702 = arith.index_cast %add3A_671 : i32 to index
        %get3A_703 = arith.constant 96 : index
        %get3A_704 = tpu.vector_load %arg23[%get3A_702, %get3A_703] {strides = array<i32>} : memref<64x512xf32, #tpu.memory_space<vmem>>, vector<16xf32>,
        %mul3A_705 = arith.mulf %gather3A_670, %get3A_704 : vector<16xf32>
        %add3A_706 = arith.addf %scan3A_643, %mul3A_705 : vector<16xf32>
        %get3A_707 = arith.index_cast %add3A_671 : i32 to index
        %get3A_708 = arith.constant 112 : index
        %get3A_709 = tpu.vector_load %arg23[%get3A_707, %get3A_708] {strides = array<i32>} : memref<64x512xf32, #tpu.memory_space<vmem>>, vector<16xf32>,
        %mul3A_710 = arith.mulf %gather3A_670, %get3A_709 : vector<16xf32>
        %add3A_711 = arith.addf %scan3A_644, %mul3A_710 : vector<16xf32>
        %get3A_712 = arith.index_cast %add3A_671 : i32 to index
        %get3A_713 = arith.constant 128 : index
        %get3A_714 = tpu.vector_load %arg23[%get3A_712, %get3A_713] {strides = array<i32>} : memref<64x512xf32, #tpu.memory_space<vmem>>, vector<16xf32>,
        %mul3A_715 = arith.mulf %gather3A_670, %get3A_714 : vector<16xf32>
        %add3A_716 = arith.addf %scan3A_645, %mul3A_715 : vector<16xf32>
        %get3A_717 = arith.index_cast %add3A_671 : i32 to index
        %get3A_718 = arith.constant 144 : index
        %get3A_719 = tpu.vector_load %arg23[%get3A_717, %get3A_718] {strides = array<i32>} : memref<64x512xf32, #tpu.memory_space<vmem>>, vector<16xf32>,
        %mul3A_720 = arith.mulf %gather3A_670, %get3A_719 : vector<16xf32>
        %add3A_721 = arith.addf %scan3A_646, %mul3A_720 : vector<16xf32>
        %get3A_722 = arith.index_cast %add3A_671 : i32 to index
        %get3A_723 = arith.constant 160 : index
        %get3A_724 = tpu.vector_load %arg23[%get3A_722, %get3A_723] {strides = array<i32>} : memref<64x512xf32, #tpu.memory_space<vmem>>, vector<16xf32>,
        %mul3A_725 = arith.mulf %gather3A_670, %get3A_724 : vector<16xf32>
        %add3A_726 = arith.addf %scan3A_647, %mul3A_725 : vector<16xf32>
        %get3A_727 = arith.index_cast %add3A_671 : i32 to index
        %get3A_728 = arith.constant 176 : index
        %get3A_729 = tpu.vector_load %arg23[%get3A_727, %get3A_728] {strides = array<i32>} : memref<64x512xf32, #tpu.memory_space<vmem>>, vector<16xf32>,
        %mul3A_730 = arith.mulf %gather3A_670, %get3A_729 : vector<16xf32>
        %add3A_731 = arith.addf %scan3A_648, %mul3A_730 : vector<16xf32>
        %get3A_732 = arith.index_cast %add3A_671 : i32 to index
        %get3A_733 = arith.constant 192 : index
        %get3A_734 = tpu.vector_load %arg23[%get3A_732, %get3A_733] {strides = array<i32>} : memref<64x512xf32, #tpu.memory_space<vmem>>, vector<16xf32>,
        %mul3A_735 = arith.mulf %gather3A_670, %get3A_734 : vector<16xf32>
        %add3A_736 = arith.addf %scan3A_649, %mul3A_735 : vector<16xf32>
        %get3A_737 = arith.index_cast %add3A_671 : i32 to index
        %get3A_738 = arith.constant 208 : index
        %get3A_739 = tpu.vector_load %arg23[%get3A_737, %get3A_738] {strides = array<i32>} : memref<64x512xf32, #tpu.memory_space<vmem>>, vector<16xf32>,
        %mul3A_740 = arith.mulf %gather3A_670, %get3A_739 : vector<16xf32>
        %add3A_741 = arith.addf %scan3A_650, %mul3A_740 : vector<16xf32>
        %get3A_742 = arith.index_cast %add3A_671 : i32 to index
        %get3A_743 = arith.constant 224 : index
        %get3A_744 = tpu.vector_load %arg23[%get3A_742, %get3A_743] {strides = array<i32>} : memref<64x512xf32, #tpu.memory_space<vmem>>, vector<16xf32>,
        %mul3A_745 = arith.mulf %gather3A_670, %get3A_744 : vector<16xf32>
        %add3A_746 = arith.addf %scan3A_651, %mul3A_745 : vector<16xf32>
        %get3A_747 = arith.index_cast %add3A_671 : i32 to index
        %get3A_748 = arith.constant 240 : index
        %get3A_749 = tpu.vector_load %arg23[%get3A_747, %get3A_748] {strides = array<i32>} : memref<64x512xf32, #tpu.memory_space<vmem>>, vector<16xf32>,
        %mul3A_750 = arith.mulf %gather3A_670, %get3A_749 : vector<16xf32>
        %add3A_751 = arith.addf %scan3A_652, %mul3A_750 : vector<16xf32>
        %get3A_752 = arith.index_cast %add3A_671 : i32 to index
        %get3A_753 = arith.constant 256 : index
        %get3A_754 = tpu.vector_load %arg23[%get3A_752, %get3A_753] {strides = array<i32>} : memref<64x512xf32, #tpu.memory_space<vmem>>, vector<16xf32>,
        %mul3A_755 = arith.mulf %gather3A_670, %get3A_754 : vector<16xf32>
        %add3A_756 = arith.addf %scan3A_653, %mul3A_755 : vector<16xf32>
        %get3A_757 = arith.index_cast %add3A_671 : i32 to index
        %get3A_758 = arith.constant 272 : index
        %get3A_759 = tpu.vector_load %arg23[%get3A_757, %get3A_758] {strides = array<i32>} : memref<64x512xf32, #tpu.memory_space<vmem>>, vector<16xf32>,
        %mul3A_760 = arith.mulf %gather3A_670, %get3A_759 : vector<16xf32>
        %add3A_761 = arith.addf %scan3A_654, %mul3A_760 : vector<16xf32>
        %get3A_762 = arith.index_cast %add3A_671 : i32 to index
        %get3A_763 = arith.constant 288 : index
        %get3A_764 = tpu.vector_load %arg23[%get3A_762, %get3A_763] {strides = array<i32>} : memref<64x512xf32, #tpu.memory_space<vmem>>, vector<16xf32>,
        %mul3A_765 = arith.mulf %gather3A_670, %get3A_764 : vector<16xf32>
        %add3A_766 = arith.addf %scan3A_655, %mul3A_765 : vector<16xf32>
        %get3A_767 = arith.index_cast %add3A_671 : i32 to index
        %get3A_768 = arith.constant 304 : index
        %get3A_769 = tpu.vector_load %arg23[%get3A_767, %get3A_768] {strides = array<i32>} : memref<64x512xf32, #tpu.memory_space<vmem>>, vector<16xf32>,
        %mul3A_770 = arith.mulf %gather3A_670, %get3A_769 : vector<16xf32>
        %add3A_771 = arith.addf %scan3A_656, %mul3A_770 : vector<16xf32>
        %get3A_772 = arith.index_cast %add3A_671 : i32 to index
        %get3A_773 = arith.constant 320 : index
        %get3A_774 = tpu.vector_load %arg23[%get3A_772, %get3A_773] {strides = array<i32>} : memref<64x512xf32, #tpu.memory_space<vmem>>, vector<16xf32>,
        %mul3A_775 = arith.mulf %gather3A_670, %get3A_774 : vector<16xf32>
        %add3A_776 = arith.addf %scan3A_657, %mul3A_775 : vector<16xf32>
        %get3A_777 = arith.index_cast %add3A_671 : i32 to index
        %get3A_778 = arith.constant 336 : index
        %get3A_779 = tpu.vector_load %arg23[%get3A_777, %get3A_778] {strides = array<i32>} : memref<64x512xf32, #tpu.memory_space<vmem>>, vector<16xf32>,
        %mul3A_780 = arith.mulf %gather3A_670, %get3A_779 : vector<16xf32>
        %add3A_781 = arith.addf %scan3A_658, %mul3A_780 : vector<16xf32>
        %get3A_782 = arith.index_cast %add3A_671 : i32 to index
        %get3A_783 = arith.constant 352 : index
        %get3A_784 = tpu.vector_load %arg23[%get3A_782, %get3A_783] {strides = array<i32>} : memref<64x512xf32, #tpu.memory_space<vmem>>, vector<16xf32>,
        %mul3A_785 = arith.mulf %gather3A_670, %get3A_784 : vector<16xf32>
        %add3A_786 = arith.addf %scan3A_659, %mul3A_785 : vector<16xf32>
        %get3A_787 = arith.index_cast %add3A_671 : i32 to index
        %get3A_788 = arith.constant 368 : index
        %get3A_789 = tpu.vector_load %arg23[%get3A_787, %get3A_788] {strides = array<i32>} : memref<64x512xf32, #tpu.memory_space<vmem>>, vector<16xf32>,
        %mul3A_790 = arith.mulf %gather3A_670, %get3A_789 : vector<16xf32>
        %add3A_791 = arith.addf %scan3A_660, %mul3A_790 : vector<16xf32>
        %get3A_792 = arith.index_cast %add3A_671 : i32 to index
        %get3A_793 = arith.constant 384 : index
        %get3A_794 = tpu.vector_load %arg23[%get3A_792, %get3A_793] {strides = array<i32>} : memref<64x512xf32, #tpu.memory_space<vmem>>, vector<16xf32>,
        %mul3A_795 = arith.mulf %gather3A_670, %get3A_794 : vector<16xf32>
        %add3A_796 = arith.addf %scan3A_661, %mul3A_795 : vector<16xf32>
        %get3A_797 = arith.index_cast %add3A_671 : i32 to index
        %get3A_798 = arith.constant 400 : index
        %get3A_799 = tpu.vector_load %arg23[%get3A_797, %get3A_798] {strides = array<i32>} : memref<64x512xf32, #tpu.memory_space<vmem>>, vector<16xf32>,
        %mul3A_800 = arith.mulf %gather3A_670, %get3A_799 : vector<16xf32>
        %add3A_801 = arith.addf %scan3A_662, %mul3A_800 : vector<16xf32>
        %get3A_802 = arith.index_cast %add3A_671 : i32 to index
        %get3A_803 = arith.constant 416 : index
        %get3A_804 = tpu.vector_load %arg23[%get3A_802, %get3A_803] {strides = array<i32>} : memref<64x512xf32, #tpu.memory_space<vmem>>, vector<16xf32>,
        %mul3A_805 = arith.mulf %gather3A_670, %get3A_804 : vector<16xf32>
        %add3A_806 = arith.addf %scan3A_663, %mul3A_805 : vector<16xf32>
        %get3A_807 = arith.index_cast %add3A_671 : i32 to index
        %get3A_808 = arith.constant 432 : index
        %get3A_809 = tpu.vector_load %arg23[%get3A_807, %get3A_808] {strides = array<i32>} : memref<64x512xf32, #tpu.memory_space<vmem>>, vector<16xf32>,
        %mul3A_810 = arith.mulf %gather3A_670, %get3A_809 : vector<16xf32>
        %add3A_811 = arith.addf %scan3A_664, %mul3A_810 : vector<16xf32>
        %get3A_812 = arith.index_cast %add3A_671 : i32 to index
        %get3A_813 = arith.constant 448 : index
        %get3A_814 = tpu.vector_load %arg23[%get3A_812, %get3A_813] {strides = array<i32>} : memref<64x512xf32, #tpu.memory_space<vmem>>, vector<16xf32>,
        %mul3A_815 = arith.mulf %gather3A_670, %get3A_814 : vector<16xf32>
        %add3A_816 = arith.addf %scan3A_665, %mul3A_815 : vector<16xf32>
        %get3A_817 = arith.index_cast %add3A_671 : i32 to index
        %get3A_818 = arith.constant 464 : index
        %get3A_819 = tpu.vector_load %arg23[%get3A_817, %get3A_818] {strides = array<i32>} : memref<64x512xf32, #tpu.memory_space<vmem>>, vector<16xf32>,
        %mul3A_820 = arith.mulf %gather3A_670, %get3A_819 : vector<16xf32>
        %add3A_821 = arith.addf %scan3A_666, %mul3A_820 : vector<16xf32>
        %get3A_822 = arith.index_cast %add3A_671 : i32 to index
        %get3A_823 = arith.constant 480 : index
        %get3A_824 = tpu.vector_load %arg23[%get3A_822, %get3A_823] {strides = array<i32>} : memref<64x512xf32, #tpu.memory_space<vmem>>, vector<16xf32>,
        %mul3A_825 = arith.mulf %gather3A_670, %get3A_824 : vector<16xf32>
        %add3A_826 = arith.addf %scan3A_667, %mul3A_825 : vector<16xf32>
        %get3A_827 = arith.index_cast %add3A_671 : i32 to index
        %get3A_828 = arith.constant 496 : index
        %get3A_829 = tpu.vector_load %arg23[%get3A_827, %get3A_828] {strides = array<i32>} : memref<64x512xf32, #tpu.memory_space<vmem>>, vector<16xf32>,
        %mul3A_830 = arith.mulf %gather3A_670, %get3A_829 : vector<16xf32>
        %add3A_831 = arith.addf %scan3A_668, %mul3A_830 : vector<16xf32>
        scf.yield %add3A_676, %add3A_681, %add3A_686, %add3A_691, %add3A_696, %add3A_701, %add3A_706, %add3A_711, %add3A_716, %add3A_721, %add3A_726, %add3A_731, %add3A_736, %add3A_741, %add3A_746, %add3A_751, %add3A_756, %add3A_761, %add3A_766, %add3A_771, %add3A_776, %add3A_781, %add3A_786, %add3A_791, %add3A_796, %add3A_801, %add3A_806, %add3A_811, %add3A_816, %add3A_821, %add3A_826, %add3A_831 : vector<16xf32>, vector<16xf32>, vector<16xf32>, vector<16xf32>, vector<16xf32>, vector<16xf32>, vector<16xf32>, vector<16xf32>, vector<16xf32>, vector<16xf32>, vector<16xf32>, vector<16xf32>, vector<16xf32>, vector<16xf32>, vector<16xf32>, vector<16xf32>, vector<16xf32>, vector<16xf32>, vector<16xf32>, vector<16xf32>, vector<16xf32>, vector<16xf32>, vector<16xf32>, vector<16xf32>, vector<16xf32>, vector<16xf32>, vector<16xf32>, vector<16xf32>, vector<16xf32>, vector<16xf32>, vector<16xf32>, vector<16xf32>
      }
      %scan3A_522 = arith.constant 16 : i32
      %swap3A_523 = arith.index_cast %and3A_416 : i32 to index
      %swap3A_524 = arith.constant 0 : index
      %swap3A_525 = tpu.vector_load %arg25[%swap3A_523, %swap3A_524] {strides = array<i32>} : memref<8x512xf32, #tpu.memory_space<vmem>>, vector<16xf32>,
      tpu.vector_store %arg25[%swap3A_523, %swap3A_524], %scan3A_521#0 {strides = array<i32>} : memref<8x512xf32, #tpu.memory_space<vmem>>, vector<16xf32>,
      %swap3A_526 = arith.index_cast %and3A_416 : i32 to index
      %swap3A_527 = arith.constant 16 : index
      %swap3A_528 = tpu.vector_load %arg25[%swap3A_526, %swap3A_527] {strides = array<i32>} : memref<8x512xf32, #tpu.memory_space<vmem>>, vector<16xf32>,
      tpu.vector_store %arg25[%swap3A_526, %swap3A_527], %scan3A_521#1 {strides = array<i32>} : memref<8x512xf32, #tpu.memory_space<vmem>>, vector<16xf32>,
      %swap3A_529 = arith.index_cast %and3A_416 : i32 to index
      %swap3A_530 = arith.constant 32 : index
      %swap3A_531 = tpu.vector_load %arg25[%swap3A_529, %swap3A_530] {strides = array<i32>} : memref<8x512xf32, #tpu.memory_space<vmem>>, vector<16xf32>,
      tpu.vector_store %arg25[%swap3A_529, %swap3A_530], %scan3A_521#2 {strides = array<i32>} : memref<8x512xf32, #tpu.memory_space<vmem>>, vector<16xf32>,
      %swap3A_532 = arith.index_cast %and3A_416 : i32 to index
      %swap3A_533 = arith.constant 48 : index
      %swap3A_534 = tpu.vector_load %arg25[%swap3A_532, %swap3A_533] {strides = array<i32>} : memref<8x512xf32, #tpu.memory_space<vmem>>, vector<16xf32>,
      tpu.vector_store %arg25[%swap3A_532, %swap3A_533], %scan3A_521#3 {strides = array<i32>} : memref<8x512xf32, #tpu.memory_space<vmem>>, vector<16xf32>,
      %swap3A_535 = arith.index_cast %and3A_416 : i32 to index
      %swap3A_536 = arith.constant 64 : index
      %swap3A_537 = tpu.vector_load %arg25[%swap3A_535, %swap3A_536] {strides = array<i32>} : memref<8x512xf32, #tpu.memory_space<vmem>>, vector<16xf32>,
      tpu.vector_store %arg25[%swap3A_535, %swap3A_536], %scan3A_521#4 {strides = array<i32>} : memref<8x512xf32, #tpu.memory_space<vmem>>, vector<16xf32>,
      %swap3A_538 = arith.index_cast %and3A_416 : i32 to index
      %swap3A_539 = arith.constant 80 : index
      %swap3A_540 = tpu.vector_load %arg25[%swap3A_538, %swap3A_539] {strides = array<i32>} : memref<8x512xf32, #tpu.memory_space<vmem>>, vector<16xf32>,
      tpu.vector_store %arg25[%swap3A_538, %swap3A_539], %scan3A_521#5 {strides = array<i32>} : memref<8x512xf32, #tpu.memory_space<vmem>>, vector<16xf32>,
      %swap3A_541 = arith.index_cast %and3A_416 : i32 to index
      %swap3A_542 = arith.constant 96 : index
      %swap3A_543 = tpu.vector_load %arg25[%swap3A_541, %swap3A_542] {strides = array<i32>} : memref<8x512xf32, #tpu.memory_space<vmem>>, vector<16xf32>,
      tpu.vector_store %arg25[%swap3A_541, %swap3A_542], %scan3A_521#6 {strides = array<i32>} : memref<8x512xf32, #tpu.memory_space<vmem>>, vector<16xf32>,
      %swap3A_544 = arith.index_cast %and3A_416 : i32 to index
      %swap3A_545 = arith.constant 112 : index
      %swap3A_546 = tpu.vector_load %arg25[%swap3A_544, %swap3A_545] {strides = array<i32>} : memref<8x512xf32, #tpu.memory_space<vmem>>, vector<16xf32>,
      tpu.vector_store %arg25[%swap3A_544, %swap3A_545], %scan3A_521#7 {strides = array<i32>} : memref<8x512xf32, #tpu.memory_space<vmem>>, vector<16xf32>,
      %swap3A_547 = arith.index_cast %and3A_416 : i32 to index
      %swap3A_548 = arith.constant 128 : index
      %swap3A_549 = tpu.vector_load %arg25[%swap3A_547, %swap3A_548] {strides = array<i32>} : memref<8x512xf32, #tpu.memory_space<vmem>>, vector<16xf32>,
      tpu.vector_store %arg25[%swap3A_547, %swap3A_548], %scan3A_521#8 {strides = array<i32>} : memref<8x512xf32, #tpu.memory_space<vmem>>, vector<16xf32>,
      %swap3A_550 = arith.index_cast %and3A_416 : i32 to index
      %swap3A_551 = arith.constant 144 : index
      %swap3A_552 = tpu.vector_load %arg25[%swap3A_550, %swap3A_551] {strides = array<i32>} : memref<8x512xf32, #tpu.memory_space<vmem>>, vector<16xf32>,
      tpu.vector_store %arg25[%swap3A_550, %swap3A_551], %scan3A_521#9 {strides = array<i32>} : memref<8x512xf32, #tpu.memory_space<vmem>>, vector<16xf32>,
      %swap3A_553 = arith.index_cast %and3A_416 : i32 to index
      %swap3A_554 = arith.constant 160 : index
      %swap3A_555 = tpu.vector_load %arg25[%swap3A_553, %swap3A_554] {strides = array<i32>} : memref<8x512xf32, #tpu.memory_space<vmem>>, vector<16xf32>,
      tpu.vector_store %arg25[%swap3A_553, %swap3A_554], %scan3A_521#10 {strides = array<i32>} : memref<8x512xf32, #tpu.memory_space<vmem>>, vector<16xf32>,
      %swap3A_556 = arith.index_cast %and3A_416 : i32 to index
      %swap3A_557 = arith.constant 176 : index
      %swap3A_558 = tpu.vector_load %arg25[%swap3A_556, %swap3A_557] {strides = array<i32>} : memref<8x512xf32, #tpu.memory_space<vmem>>, vector<16xf32>,
      tpu.vector_store %arg25[%swap3A_556, %swap3A_557], %scan3A_521#11 {strides = array<i32>} : memref<8x512xf32, #tpu.memory_space<vmem>>, vector<16xf32>,
      %swap3A_559 = arith.index_cast %and3A_416 : i32 to index
      %swap3A_560 = arith.constant 192 : index
      %swap3A_561 = tpu.vector_load %arg25[%swap3A_559, %swap3A_560] {strides = array<i32>} : memref<8x512xf32, #tpu.memory_space<vmem>>, vector<16xf32>,
      tpu.vector_store %arg25[%swap3A_559, %swap3A_560], %scan3A_521#12 {strides = array<i32>} : memref<8x512xf32, #tpu.memory_space<vmem>>, vector<16xf32>,
      %swap3A_562 = arith.index_cast %and3A_416 : i32 to index
      %swap3A_563 = arith.constant 208 : index
      %swap3A_564 = tpu.vector_load %arg25[%swap3A_562, %swap3A_563] {strides = array<i32>} : memref<8x512xf32, #tpu.memory_space<vmem>>, vector<16xf32>,
      tpu.vector_store %arg25[%swap3A_562, %swap3A_563], %scan3A_521#13 {strides = array<i32>} : memref<8x512xf32, #tpu.memory_space<vmem>>, vector<16xf32>,
      %swap3A_565 = arith.index_cast %and3A_416 : i32 to index
      %swap3A_566 = arith.constant 224 : index
      %swap3A_567 = tpu.vector_load %arg25[%swap3A_565, %swap3A_566] {strides = array<i32>} : memref<8x512xf32, #tpu.memory_space<vmem>>, vector<16xf32>,
      tpu.vector_store %arg25[%swap3A_565, %swap3A_566], %scan3A_521#14 {strides = array<i32>} : memref<8x512xf32, #tpu.memory_space<vmem>>, vector<16xf32>,
      %swap3A_568 = arith.index_cast %and3A_416 : i32 to index
      %swap3A_569 = arith.constant 240 : index
      %swap3A_570 = tpu.vector_load %arg25[%swap3A_568, %swap3A_569] {strides = array<i32>} : memref<8x512xf32, #tpu.memory_space<vmem>>, vector<16xf32>,
      tpu.vector_store %arg25[%swap3A_568, %swap3A_569], %scan3A_521#15 {strides = array<i32>} : memref<8x512xf32, #tpu.memory_space<vmem>>, vector<16xf32>,
      %swap3A_571 = arith.index_cast %and3A_416 : i32 to index
      %swap3A_572 = arith.constant 256 : index
      %swap3A_573 = tpu.vector_load %arg25[%swap3A_571, %swap3A_572] {strides = array<i32>} : memref<8x512xf32, #tpu.memory_space<vmem>>, vector<16xf32>,
      tpu.vector_store %arg25[%swap3A_571, %swap3A_572], %scan3A_521#16 {strides = array<i32>} : memref<8x512xf32, #tpu.memory_space<vmem>>, vector<16xf32>,
      %swap3A_574 = arith.index_cast %and3A_416 : i32 to index
      %swap3A_575 = arith.constant 272 : index
      %swap3A_576 = tpu.vector_load %arg25[%swap3A_574, %swap3A_575] {strides = array<i32>} : memref<8x512xf32, #tpu.memory_space<vmem>>, vector<16xf32>,
      tpu.vector_store %arg25[%swap3A_574, %swap3A_575], %scan3A_521#17 {strides = array<i32>} : memref<8x512xf32, #tpu.memory_space<vmem>>, vector<16xf32>,
      %swap3A_577 = arith.index_cast %and3A_416 : i32 to index
      %swap3A_578 = arith.constant 288 : index
      %swap3A_579 = tpu.vector_load %arg25[%swap3A_577, %swap3A_578] {strides = array<i32>} : memref<8x512xf32, #tpu.memory_space<vmem>>, vector<16xf32>,
      tpu.vector_store %arg25[%swap3A_577, %swap3A_578], %scan3A_521#18 {strides = array<i32>} : memref<8x512xf32, #tpu.memory_space<vmem>>, vector<16xf32>,
      %swap3A_580 = arith.index_cast %and3A_416 : i32 to index
      %swap3A_581 = arith.constant 304 : index
      %swap3A_582 = tpu.vector_load %arg25[%swap3A_580, %swap3A_581] {strides = array<i32>} : memref<8x512xf32, #tpu.memory_space<vmem>>, vector<16xf32>,
      tpu.vector_store %arg25[%swap3A_580, %swap3A_581], %scan3A_521#19 {strides = array<i32>} : memref<8x512xf32, #tpu.memory_space<vmem>>, vector<16xf32>,
      %swap3A_583 = arith.index_cast %and3A_416 : i32 to index
      %swap3A_584 = arith.constant 320 : index
      %swap3A_585 = tpu.vector_load %arg25[%swap3A_583, %swap3A_584] {strides = array<i32>} : memref<8x512xf32, #tpu.memory_space<vmem>>, vector<16xf32>,
      tpu.vector_store %arg25[%swap3A_583, %swap3A_584], %scan3A_521#20 {strides = array<i32>} : memref<8x512xf32, #tpu.memory_space<vmem>>, vector<16xf32>,
      %swap3A_586 = arith.index_cast %and3A_416 : i32 to index
      %swap3A_587 = arith.constant 336 : index
      %swap3A_588 = tpu.vector_load %arg25[%swap3A_586, %swap3A_587] {strides = array<i32>} : memref<8x512xf32, #tpu.memory_space<vmem>>, vector<16xf32>,
      tpu.vector_store %arg25[%swap3A_586, %swap3A_587], %scan3A_521#21 {strides = array<i32>} : memref<8x512xf32, #tpu.memory_space<vmem>>, vector<16xf32>,
      %swap3A_589 = arith.index_cast %and3A_416 : i32 to index
      %swap3A_590 = arith.constant 352 : index
      %swap3A_591 = tpu.vector_load %arg25[%swap3A_589, %swap3A_590] {strides = array<i32>} : memref<8x512xf32, #tpu.memory_space<vmem>>, vector<16xf32>,
      tpu.vector_store %arg25[%swap3A_589, %swap3A_590], %scan3A_521#22 {strides = array<i32>} : memref<8x512xf32, #tpu.memory_space<vmem>>, vector<16xf32>,
      %swap3A_592 = arith.index_cast %and3A_416 : i32 to index
      %swap3A_593 = arith.constant 368 : index
      %swap3A_594 = tpu.vector_load %arg25[%swap3A_592, %swap3A_593] {strides = array<i32>} : memref<8x512xf32, #tpu.memory_space<vmem>>, vector<16xf32>,
      tpu.vector_store %arg25[%swap3A_592, %swap3A_593], %scan3A_521#23 {strides = array<i32>} : memref<8x512xf32, #tpu.memory_space<vmem>>, vector<16xf32>,
      %swap3A_595 = arith.index_cast %and3A_416 : i32 to index
      %swap3A_596 = arith.constant 384 : index
      %swap3A_597 = tpu.vector_load %arg25[%swap3A_595, %swap3A_596] {strides = array<i32>} : memref<8x512xf32, #tpu.memory_space<vmem>>, vector<16xf32>,
      tpu.vector_store %arg25[%swap3A_595, %swap3A_596], %scan3A_521#24 {strides = array<i32>} : memref<8x512xf32, #tpu.memory_space<vmem>>, vector<16xf32>,
      %swap3A_598 = arith.index_cast %and3A_416 : i32 to index
      %swap3A_599 = arith.constant 400 : index
      %swap3A_600 = tpu.vector_load %arg25[%swap3A_598, %swap3A_599] {strides = array<i32>} : memref<8x512xf32, #tpu.memory_space<vmem>>, vector<16xf32>,
      tpu.vector_store %arg25[%swap3A_598, %swap3A_599], %scan3A_521#25 {strides = array<i32>} : memref<8x512xf32, #tpu.memory_space<vmem>>, vector<16xf32>,
      %swap3A_601 = arith.index_cast %and3A_416 : i32 to index
      %swap3A_602 = arith.constant 416 : index
      %swap3A_603 = tpu.vector_load %arg25[%swap3A_601, %swap3A_602] {strides = array<i32>} : memref<8x512xf32, #tpu.memory_space<vmem>>, vector<16xf32>,
      tpu.vector_store %arg25[%swap3A_601, %swap3A_602], %scan3A_521#26 {strides = array<i32>} : memref<8x512xf32, #tpu.memory_space<vmem>>, vector<16xf32>,
      %swap3A_604 = arith.index_cast %and3A_416 : i32 to index
      %swap3A_605 = arith.constant 432 : index
      %swap3A_606 = tpu.vector_load %arg25[%swap3A_604, %swap3A_605] {strides = array<i32>} : memref<8x512xf32, #tpu.memory_space<vmem>>, vector<16xf32>,
      tpu.vector_store %arg25[%swap3A_604, %swap3A_605], %scan3A_521#27 {strides = array<i32>} : memref<8x512xf32, #tpu.memory_space<vmem>>, vector<16xf32>,
      %swap3A_607 = arith.index_cast %and3A_416 : i32 to index
      %swap3A_608 = arith.constant 448 : index
      %swap3A_609 = tpu.vector_load %arg25[%swap3A_607, %swap3A_608] {strides = array<i32>} : memref<8x512xf32, #tpu.memory_space<vmem>>, vector<16xf32>,
      tpu.vector_store %arg25[%swap3A_607, %swap3A_608], %scan3A_521#28 {strides = array<i32>} : memref<8x512xf32, #tpu.memory_space<vmem>>, vector<16xf32>,
      %swap3A_610 = arith.index_cast %and3A_416 : i32 to index
      %swap3A_611 = arith.constant 464 : index
      %swap3A_612 = tpu.vector_load %arg25[%swap3A_610, %swap3A_611] {strides = array<i32>} : memref<8x512xf32, #tpu.memory_space<vmem>>, vector<16xf32>,
      tpu.vector_store %arg25[%swap3A_610, %swap3A_611], %scan3A_521#29 {strides = array<i32>} : memref<8x512xf32, #tpu.memory_space<vmem>>, vector<16xf32>,
      %swap3A_613 = arith.index_cast %and3A_416 : i32 to index
      %swap3A_614 = arith.constant 480 : index
      %swap3A_615 = tpu.vector_load %arg25[%swap3A_613, %swap3A_614] {strides = array<i32>} : memref<8x512xf32, #tpu.memory_space<vmem>>, vector<16xf32>,
      tpu.vector_store %arg25[%swap3A_613, %swap3A_614], %scan3A_521#30 {strides = array<i32>} : memref<8x512xf32, #tpu.memory_space<vmem>>, vector<16xf32>,
      %swap3A_616 = arith.index_cast %and3A_416 : i32 to index
      %swap3A_617 = arith.constant 496 : index
      %swap3A_618 = tpu.vector_load %arg25[%swap3A_616, %swap3A_617] {strides = array<i32>} : memref<8x512xf32, #tpu.memory_space<vmem>>, vector<16xf32>,
      tpu.vector_store %arg25[%swap3A_616, %swap3A_617], %scan3A_521#31 {strides = array<i32>} : memref<8x512xf32, #tpu.memory_space<vmem>>, vector<16xf32>,
      %and3A_619 = arith.constant 3 : i32
      %and3A_620 = arith.andi %scan3A_91, %and3A_619 : i32
      %eq3A_621 = arith.constant 3 : i32
      %eq3A_622 = arith.cmpi eq, %and3A_620, %eq3A_621 : i32
      %convert_element_type3A_623 = arith.extui %eq3A_622 : i1 to i32
      %cond3A_624 = arith.constant 0 : i32
      %cond3A_625 = arith.cmpi ne, %convert_element_type3A_623, %cond3A_624 : i32
      scf.if %cond3A_625 {
        %jit3A_636 = arith.constant 4 : i32
        %div3A_637 = arith.divsi %scan3A_91, %jit3A_636 : i32
        %sign3A_638 = arith.constant 0 : i32
        %sign3A_639 = arith.cmpi sgt, %scan3A_91, %sign3A_638 : i32
        %sign3A_640 = arith.extui %sign3A_639 : i1 to i32
        %sign3A_641 = arith.constant 0 : i32
        %sign3A_642 = arith.cmpi slt, %scan3A_91, %sign3A_641 : i32
        %sign3A_643 = arith.extui %sign3A_642 : i1 to i32
        %sign3A_644 = arith.subi %sign3A_640, %sign3A_643 : i32
        %sign3A_645 = arith.constant 0 : i32
        %sign3A_646 = arith.cmpi sgt, %jit3A_636, %sign3A_645 : i32
        %sign3A_647 = arith.extui %sign3A_646 : i1 to i32
        %sign3A_648 = arith.constant 0 : i32
        %sign3A_649 = arith.cmpi slt, %jit3A_636, %sign3A_648 : i32
        %sign3A_650 = arith.extui %sign3A_649 : i1 to i32
        %sign3A_651 = arith.subi %sign3A_647, %sign3A_650 : i32
        %ne3A_652 = arith.cmpi ne, %sign3A_644, %sign3A_651 : i32
        %rem3A_653 = arith.remsi %scan3A_91, %jit3A_636 : i32
        %ne3A_654 = arith.constant 0 : i32
        %ne3A_655 = arith.cmpi ne, %rem3A_653, %ne3A_654 : i32
        %and3A_656 = arith.andi %ne3A_652, %ne3A_655 : i1
        %sub3A_657 = arith.constant 1 : i32
        %sub3A_658 = arith.subi %div3A_637, %sub3A_657 : i32
        %select_n3A_659 = arith.select %and3A_656, %sub3A_658, %div3A_637 : i32
        %mul3A_660 = arith.constant 8 : i32
        %mul3A_661 = arith.muli %select_n3A_659, %mul3A_660 : i32
        %add3A_662 = arith.addi %mul3A_2, %mul3A_661 : i32
        "tpu.region"() ({
          %run_scoped3A = tpu.sem_alloc : memref<!tpu.dma_semaphore, #tpu.memory_space<semaphore_mem>>
          %dma_start3A_663 = arith.constant 0 : i32
          %dma_start3A_664 = tpu.memref_slice %arg12[%add3A_662, %dma_start3A_663] : memref<10240x512xf32, #tpu.memory_space<hbm>> -> memref<8x512xf32, #tpu.memory_space<hbm>>
          %dma_start3A_665 = arith.constant 0 : i32
          %dma_start3A_666 = tpu.memref_slice %arg12[%add3A_662, %dma_start3A_665] : memref<10240x512xf32, #tpu.memory_space<hbm>> -> memref<8x512xf32, #tpu.memory_space<hbm>>
          tpu.enqueue_dma source(%arg25 : memref<8x512xf32, #tpu.memory_space<vmem>>) target(%dma_start3A_666 : memref<8x512xf32, #tpu.memory_space<hbm>>) target_semaphore(%run_scoped3A : memref<!tpu.dma_semaphore, #tpu.memory_space<semaphore_mem>>)
          %dma_wait3A_667 = arith.constant 0 : i32
          %dma_wait3A_668 = tpu.memref_slice %arg12[%add3A_662, %dma_wait3A_667] : memref<10240x512xf32, #tpu.memory_space<hbm>> -> memref<8x512xf32, #tpu.memory_space<hbm>>
          %dma_wait3A_669 = arith.constant 0 : i32
          %dma_wait3A_670 = tpu.memref_slice %arg12[%add3A_662, %dma_wait3A_669] : memref<10240x512xf32, #tpu.memory_space<hbm>> -> memref<8x512xf32, #tpu.memory_space<hbm>>
          tpu.wait_dma2 semaphore(%run_scoped3A : memref<!tpu.dma_semaphore, #tpu.memory_space<semaphore_mem>>) src(%arg25 : memref<8x512xf32, #tpu.memory_space<vmem>>) dst(%dma_wait3A_670 : memref<8x512xf32, #tpu.memory_space<hbm>>)
          tpu.yield
        }) : () -> ()
      } else {
      }
      %dma_wait3A_626 = arith.constant 0 : i32
      %dma_wait3A_627 = tpu.memref_slice %arg23[%mul3A_123, %dma_wait3A_626] : memref<64x512xf32, #tpu.memory_space<vmem>> -> memref<16x512xf32, #tpu.memory_space<vmem>>
      %dma_wait3A_628 = arith.constant 0 : i32
      %dma_wait3A_629 = arith.constant 0 : i32
      %dma_wait3A_630 = tpu.memref_slice %arg2[%dma_wait3A_628, %dma_wait3A_629] : memref<20000x512xf32, #tpu.memory_space<hbm>> -> memref<20000x512xf32, #tpu.memory_space<hbm>>
      tpu.wait_indirect_dma semaphore(%arg26 : memref<!tpu.dma_semaphore, #tpu.memory_space<semaphore_mem>>) src(%dma_wait3A_630 : memref<20000x512xf32, #tpu.memory_space<hbm>>) dst(%dma_wait3A_627 : memref<16x512xf32, #tpu.memory_space<vmem>>)
      %dma_wait3A_631 = arith.constant 0 : i32
      %dma_wait3A_632 = tpu.memref_slice %arg23[%mul3A_159, %dma_wait3A_631] : memref<64x512xf32, #tpu.memory_space<vmem>> -> memref<16x512xf32, #tpu.memory_space<vmem>>
      %dma_wait3A_633 = arith.constant 0 : i32
      %dma_wait3A_634 = arith.constant 0 : i32
      %dma_wait3A_635 = tpu.memref_slice %arg2[%dma_wait3A_633, %dma_wait3A_634] : memref<20000x512xf32, #tpu.memory_space<hbm>> -> memref<20000x512xf32, #tpu.memory_space<hbm>>
      tpu.wait_indirect_dma semaphore(%arg27 : memref<!tpu.dma_semaphore, #tpu.memory_space<semaphore_mem>>) src(%dma_wait3A_635 : memref<20000x512xf32, #tpu.memory_space<hbm>>) dst(%dma_wait3A_632 : memref<16x512xf32, #tpu.memory_space<vmem>>)
    }
    %scan3A_90 = arith.constant 160 : i32
    return
  }
}

module attributes {stable_mosaic.version = 14 : i64} {
  func.func @_proj_scal_body(%arg0: i32, %arg1: memref<2000x512xf32, #tpu.memory_space<vmem>>, %arg2: memref<512x128xf32, #tpu.memory_space<vmem>>, %arg3: memref<2000x128xf32, #tpu.memory_space<vmem>>) attributes {dimension_semantics = [#tpu.dimension_semantics<arbitrary>], iteration_bounds = array<i64: 10>, scalar_prefetch = 0 : i64, scratch_operands = 0 : i64, tpu.core_type = #tpu.core_type<tc>, window_params = [{transform_indices = @transform_0, window_bounds = array<i64: 2000, 512>}, {pipeline_mode = #tpu.pipeline_mode<synchronous>, transform_indices = @transform_1, window_bounds = array<i64: 512, 128>}, {transform_indices = @transform_2, window_bounds = array<i64: 2000, 128>}]} {
    %get3A = arith.constant 0 : index
    %get3A_0 = arith.constant 0 : index
    %get3A_1 = vector.load %arg1[%get3A, %get3A_0] : memref<2000x512xf32, #tpu.memory_space<vmem>>, vector<2000x512xf32>
    %get3A_2 = arith.constant 0 : index
    %get3A_3 = arith.constant 0 : index
    %get3A_4 = vector.load %arg2[%get3A_2, %get3A_3] : memref<512x128xf32, #tpu.memory_space<vmem>>, vector<512x128xf32>
    %dot_general3A = arith.constant dense<0.000000e+00> : vector<2000x128xf32>
    %dot_general3A_5 = tpu.matmul %get3A_1, %get3A_4, %dot_general3A {dimension_numbers = #tpu.dot_dimension_numbers<[1], [0], [0], [1], [0, 0, 1, 1], [], []>, transpose_lhs_hint = false} : vector<2000x512xf32>, vector<512x128xf32>, vector<2000x128xf32> -> vector<2000x128xf32>
    %swap3A = arith.constant 0 : index
    %swap3A_6 = arith.constant 0 : index
    %swap3A_7 = vector.load %arg3[%swap3A, %swap3A_6] : memref<2000x128xf32, #tpu.memory_space<vmem>>, vector<2000x128xf32>
    tpu.vector_store %arg3[%swap3A, %swap3A_6], %dot_general3A_5 {strides = array<i32>} : memref<2000x128xf32, #tpu.memory_space<vmem>>, vector<2000x128xf32>,
    return
  }
  func.func @transform_0(%arg0: i32) -> (i32, i32) {
    %c0_i32 = arith.constant 0 : i32
    %c0_i32_0 = arith.constant 0 : i32
    return %arg0, %c0_i32 : i32, i32
  }
  func.func @transform_1(%arg0: i32) -> (i32, i32) {
    %c0_i32 = arith.constant 0 : i32
    %c0_i32_0 = arith.constant 0 : i32
    %c0_i32_1 = arith.constant 0 : i32
    return %c0_i32, %c0_i32_0 : i32, i32
  }
  func.func @transform_2(%arg0: i32) -> (i32, i32) {
    %c0_i32 = arith.constant 0 : i32
    %c0_i32_0 = arith.constant 0 : i32
    return %arg0, %c0_i32 : i32, i32
  }
}

module attributes {stable_mosaic.version = 14 : i64} {
  func.func @_out_proj_body(%arg0: i32, %arg1: memref<512x512xf32, #tpu.memory_space<vmem>>, %arg2: memref<512x512xf32, #tpu.memory_space<vmem>>, %arg3: memref<1x512xf32, #tpu.memory_space<vmem>>, %arg4: memref<512x512xf32, #tpu.memory_space<vmem>>) attributes {dimension_semantics = [#tpu.dimension_semantics<arbitrary>], iteration_bounds = array<i64: 20>, scalar_prefetch = 0 : i64, scratch_operands = 0 : i64, tpu.core_type = #tpu.core_type<tc>, window_params = [{transform_indices = @transform_0, window_bounds = array<i64: 512, 512>}, {pipeline_mode = #tpu.pipeline_mode<synchronous>, transform_indices = @transform_1, window_bounds = array<i64: 512, 512>}, {pipeline_mode = #tpu.pipeline_mode<synchronous>, transform_indices = @transform_2, window_bounds = array<i64: 1, 512>}, {transform_indices = @transform_3, window_bounds = array<i64: 512, 512>}]} {
    %get3A = arith.constant 0 : index
    %get3A_0 = arith.constant 0 : index
    %get3A_1 = vector.load %arg1[%get3A, %get3A_0] : memref<512x512xf32, #tpu.memory_space<vmem>>, vector<512x512xf32>
    %get3A_2 = arith.constant 0 : index
    %get3A_3 = arith.constant 0 : index
    %get3A_4 = vector.load %arg2[%get3A_2, %get3A_3] : memref<512x512xf32, #tpu.memory_space<vmem>>, vector<512x512xf32>
    %dot_general3A = arith.constant dense<0.000000e+00> : vector<512x512xf32>
    %dot_general3A_5 = tpu.matmul %get3A_1, %get3A_4, %dot_general3A {dimension_numbers = #tpu.dot_dimension_numbers<[1], [1], [0], [0], [0, 0, 1, 0], [], []>, transpose_lhs_hint = false} : vector<512x512xf32>, vector<512x512xf32>, vector<512x512xf32> -> vector<512x512xf32>
    %get3A_6 = arith.constant 0 : index
    %get3A_7 = arith.constant 0 : index
    %get3A_8 = vector.load %arg3[%get3A_6, %get3A_7] : memref<1x512xf32, #tpu.memory_space<vmem>>, vector<1x512xf32>
    %add3A = vector.broadcast %get3A_8 : vector<1x512xf32> to vector<512x512xf32>
    %add3A_9 = arith.addf %dot_general3A_5, %add3A : vector<512x512xf32>
    %swap3A = arith.constant 0 : index
    %swap3A_10 = arith.constant 0 : index
    %swap3A_11 = vector.load %arg4[%swap3A, %swap3A_10] : memref<512x512xf32, #tpu.memory_space<vmem>>, vector<512x512xf32>
    tpu.vector_store %arg4[%swap3A, %swap3A_10], %add3A_9 {strides = array<i32>} : memref<512x512xf32, #tpu.memory_space<vmem>>, vector<512x512xf32>,
    return
  }
  func.func @transform_0(%arg0: i32) -> (i32, i32) {
    %c0_i32 = arith.constant 0 : i32
    %c0_i32_0 = arith.constant 0 : i32
    return %arg0, %c0_i32 : i32, i32
  }
  func.func @transform_1(%arg0: i32) -> (i32, i32) {
    %c0_i32 = arith.constant 0 : i32
    %c0_i32_0 = arith.constant 0 : i32
    %c0_i32_1 = arith.constant 0 : i32
    return %c0_i32, %c0_i32_0 : i32, i32
  }
  func.func @transform_2(%arg0: i32) -> (i32, i32) {
    %c0_i32 = arith.constant 0 : i32
    %c0_i32_0 = arith.constant 0 : i32
    %c0_i32_1 = arith.constant 0 : i32
    return %c0_i32, %c0_i32_0 : i32, i32
  }
  func.func @transform_3(%arg0: i32) -> (i32, i32) {
    %c0_i32 = arith.constant 0 : i32
    %c0_i32_0 = arith.constant 0 : i32
    return %arg0, %c0_i32 : i32, i32
  }
}

</mosaic_0001>

<sc_bundles>
// kernel: kernel.5.cloned.1.call-start
scs
__scs_entry_jumppad:
0x0: {  	(pc) =	sbr.rel $0x88, $3  }
0x1: {  	(tag) =	ssettag $0x0;
	lr =	simm.s32 $0x1  }
0x2: {  	[smem:$0x3F98] =	sst lr;
	_ =	strace $0xD0000000  }
0x3: {  	_ = 	snop  }
0x4: {  	_ = 	snop  }
0x5: {  	_ = 	snop  }
0x6: {  	_ = 	snop  }
0x7: {  	_ = 	snop  }
__scs_overlays_trampoline_lowered:
0x8: {  	[smem:$0x3FA7] =	sst s0  }
0x9: {  	[smem:$0x3FA8] =	sst s1  }
0xa: {  	[smem:$0x3FA9] =	sst s2  }
0xb: {  	[smem:$0x3FAA] =	sst s3  }
0xc: {  	[smem:$0x3FAB] =	sst s4  }
0xd: {  	[smem:$0x3FAC] =	sst s5  }
0xe: {  	[smem:$0x3FAD] =	sst s6  }
0xf: {  	[smem:$0x3FAE] =	sst s7  }
0x10: {  	[smem:$0x3FAF] =	sst s8  }
0x11: {  	[smem:$0x3FB0] =	sst s9;
	s0 =	simm.s32 @!p0 $0x0  }
0x12: {  	s1 =	sld [smem:$0x3F96];
	s0 =	simm.s32 @p0 $0x1  }
0x13: {  	[smem:$0x3FB1] =	sst s0;
	s0 =	simm.s32 @!p1 $0x0  }
0x14: {  	s2 =	sld [smem:$0x3F95];
	s0 =	simm.s32 @p1 $0x1  }
0x15: {  	[smem:$0x3FB2] =	sst s0;
	s0 =	simm.s32 @!p2 $0x0  }
0x16: {  	s3 =	sld [smem:$0x3FDB];
	s0 =	simm.s32 @p2 $0x1  }
0x17: {  	s4 =	simm.s32 $0x1BF5;
	[smem:$0x3FB4] =	sst s0  }
0x18: {  	s0 =	sld [smem:$0x3F97];
	_ =	swait.ge [sflag:s4], $0x0  }
0x19: {  	s7 =	sld [smem:$0x3F98]  }
0x1a: {  	s8 =	sadd.s32 $0xFFFFE003, lr  }
0x1b: {  	s9 =	sadd.s32 $0xFFFFFEF7, lr;
	s5 =	simm.s32 $0xFFFFFFFF;
	p2 =	slt.u32 s8, $0xFFFFF086  }
0x1c: {  	p1 =	slt.u32 s9, $0xF7A;
	s5 =	simm.s32 @!p2 $0x0  }
0x1d: {  	s5 =	simm.s32 @p1 $0x1;
	p0 =	seq.s32 s7, s2  }
0x1e: {  	s7 =	smul.u32 @!p0 $0xF7A, s2;
	p2 =	seq.s32 @!p0 s5, $0x0  }
0x1f: {  	s9 =	smul.u32 $0xF7A, s1;
	s8 =	simm.s32 @!p0 $0x1BF5;
	p2 =	por !p2, p0  }
0x20: {  	[sflag:s8] =	ssyncset.s32 @!p0 $0xFFFFF086;
	s6 =	sadd.s32 @!p0 s3, s7;
	s7 =	simm.s32 @!p0 $0x108  }
0x21: {  	s3 =	sadd.s32 s3, s9;
	s6 =	sadd.s32 @!p0 $0x88, s6;
	s7 =	simm.s32 @p2 $0x1082  }
0x22: {  	[simem:s7], [sflag:s8] =	dma.local @!p0 [hbm:s6], $0xF7A  }
0x23: {  	s9 =	sor.u32 $0xD0000000, s2;
	s6 =	simm.s32 $0x108;
	_ =	swait.ge @!p0 [sflag:s8], $0x0  }
0x24: {  	s3 =	sadd.s32 $0x88, s3;
	s6 =	simm.s32 @!p1 $0x1082;
	[sflag:s4] =	ssyncset.s32 $0xFFFFF086  }
0x25: {  	[simem:s6], [sflag:s4] =	dma.local [hbm:s3], $0xF7A  }
0x26: {  	[smem:$0x3F98] =	sst s1;
	(tag) =	ssettag s2;
	_ =	strace s9  }
0x27: {  	s1 =	sld [smem:$0x3FA8]  }
0x28: {  	s2 =	sld [smem:$0x3FA9]  }
0x29: {  	s4 =	sld [smem:$0x3FAB]  }
0x2a: {  	p0 =	seq.s32 s5, $0x0;
	s5 =	sld [smem:$0x3FAC]  }
0x2b: {  	s6 =	sld [smem:$0x3FAD]  }
0x2c: {  	s7 =	sld [smem:$0x3FAE]  }
0x2d: {  	s3 =	simm.s32 $0x108;
	s8 =	sld [smem:$0x3FAF]  }
0x2e: {  	s3 =	simm.s32 @!p0 $0x1082;
	s9 =	sld [smem:$0x3FB0]  }
0x2f: {  	lr =	sadd.s32 s0, s3;
	s0 =	sld [smem:$0x3FA7]  }
0x30: {  	s3 =	sld [smem:$0x3FAA]  }
0x31: {  	[smem:$0x3FB3] =	sst s10  }
0x32: {  	s10 =	sld [smem:$0x3FB1];
	_ =	sdelay $0x3  }
0x33: {  	p0 =	seq.s32 s10, $0x1;
	s10 =	sld [smem:$0x3FB3];
	_ =	sdelay $0x3  }
0x34: {  	[smem:$0x3FB3] =	sst s10  }
0x35: {  	s10 =	sld [smem:$0x3FB2];
	_ =	sdelay $0x3  }
0x36: {  	p1 =	seq.s32 s10, $0x1;
	s10 =	sld [smem:$0x3FB3];
	_ =	sdelay $0x3  }
0x37: {  	[smem:$0x3FB3] =	sst s10  }
0x38: {  	s10 =	sld [smem:$0x3FB4]  }
0x39: {  	_ = 	snop;
	(pc) =	sbr.ind lr, $3  }
0x3a: {  	_ = 	snop  }
0x3b: {  	_ = 	snop  }
0x3c: {  	p2 =	seq.s32 s10, $0x1;
	s10 =	sld [smem:$0x3FB3]  }
0x3d: {  	_ =	shalt  }
0x3e: {  	_ =	shalt  }
0x3f: {  	_ =	shalt  }
0x40: {  	_ =	shalt  }
0x41: {  	_ =	shalt  }
0x42: {  	_ =	shalt  }
0x43: {  	_ =	shalt  }
0x44: {  	_ =	shalt  }
0x45: {  	_ =	shalt  }
0x46: {  	_ =	shalt  }
0x47: {  	_ =	shalt  }
0x48: {  	_ =	shalt  }
0x49: {  	_ =	shalt  }
0x4a: {  	_ =	shalt  }
0x4b: {  	_ =	shalt  }
0x4c: {  	_ =	shalt  }
0x4d: {  	_ =	shalt  }
0x4e: {  	_ =	shalt  }
0x4f: {  	_ =	shalt  }
0x50: {  	_ =	shalt  }
0x51: {  	_ =	shalt  }
0x52: {  	_ =	shalt  }
0x53: {  	_ =	shalt  }
0x54: {  	_ =	shalt  }
0x55: {  	_ =	shalt  }
0x56: {  	_ =	shalt  }
0x57: {  	_ =	shalt  }
0x58: {  	_ =	shalt  }
0x59: {  	_ =	shalt  }
0x5a: {  	_ =	shalt  }
0x5b: {  	_ =	shalt  }
0x5c: {  	_ =	shalt  }
0x5d: {  	_ =	shalt  }
0x5e: {  	_ =	shalt  }
0x5f: {  	_ =	shalt  }
0x60: {  	_ =	shalt  }
0x61: {  	_ =	shalt  }
0x62: {  	_ =	shalt  }
0x63: {  	_ =	shalt  }
0x64: {  	_ =	shalt  }
0x65: {  	_ =	shalt  }
0x66: {  	_ =	shalt  }
0x67: {  	_ =	shalt  }
0x68: {  	_ =	shalt  }
0x69: {  	_ =	shalt  }
0x6a: {  	_ =	shalt  }
0x6b: {  	_ =	shalt  }
0x6c: {  	_ =	shalt  }
0x6d: {  	_ =	shalt  }
0x6e: {  	_ =	shalt  }
0x6f: {  	_ =	shalt  }
0x70: {  	_ =	shalt  }
0x71: {  	_ =	shalt  }
0x72: {  	_ =	shalt  }
0x73: {  	_ =	shalt  }
0x74: {  	_ =	shalt  }
0x75: {  	_ =	shalt  }
0x76: {  	_ =	shalt  }
0x77: {  	_ =	shalt  }
0x78: {  	_ =	shalt  }
0x79: {  	_ =	shalt  }
0x7a: {  	_ =	shalt  }
0x7b: {  	_ =	shalt  }
0x7c: {  	_ =	shalt  }
0x7d: {  	_ =	shalt  }
0x7e: {  	_ =	shalt  }
0x7f: {  	_ =	shalt  }
0x80: {  	_ =	shalt  }
0x81: {  	_ =	shalt  }
0x82: {  	_ =	shalt  }
0x83: {  	_ =	shalt  }
0x84: {  	_ =	shalt  }
0x85: {  	_ =	shalt  }
0x86: {  	_ =	shalt  }
0x87: {  	_ =	shalt  }
.Lfunc_end0:
.L_simem_size_0:
called_computation_lowered:
.L_overlay_start_0:
0x88: {  	s2 =	sld [smem:$0x3FD9]  }
0x89: {  	s3 =	sld [smem:$0x3FFE];
	_ =	sdelay $0x1  }
0x8a: {  	s1 =	srdreg.scid  }
0x8b: {  	s0 =	sand.u32 $0x1, s1  }
0x8c: {  	s17 =	sshll.u32 s0, $0xA;
	s2 =	sadd.s32 s3, s2  }
0x8d: {  	s2 =	sadd.s32 s2, s17  }
0x8e: {  	[smem:$0x3FBF] =	sst s2  }
0x8f: {  	_ = 	snop  }
0x90: {  	s2 =	sld [smem:$0x3FD0];
	(tm) =	ssettm $0x1  }
0x91: {  	s18 =	sld [smem:$0x3FFB];
	_ =	sdelay $0x3  }
0x92: {  	_ =	strace s18  }
0x93: {  	s3 =	sld [smem:$0x3FFC];
	_ =	sdelay $0x3  }
0x94: {  	_ =	strace s3  }
0x95: {  	s3 =	sld [smem:$0x3FFD];
	_ =	sdelay $0x3  }
0x96: {  	_ =	strace s3  }
0x97: {  	_ =	strace $0x8FFFFFFF  }
0x98: {  	s19 =	sld [smem:$0x3FDB];
	_ =	sdelay $0x1  }
0x99: {  	s4 =	simm.s32 $_scs_section_size  }
0x9a: {  	s5 =	simm.s32 $_size__tile_overlayer_lowered;
	s6 =	simm.s32 $_tile_overlayer_lowered  }
0x9b: {  	s22 =	simm.s32 $0x1BFF;
	s21 =	sshll.u32 s6, $0x1;
	s3 =	sadd.s32 s4, s19  }
0x9c: {  	s7 =	simm.s32 $0x0;
	s20 =	sshll.u32 s5, $0x1;
	s5 =	sadd.s32 s21, s3  }
0x9d: {  	[timem:s7], [sflag:s22] =	dma.local [hbm:s5], s20  }
0x9e: {  	_ =	swait.ge [sflag:s22], s20  }
0x9f: {  	s4 =	ssub.s32 $0x0, s20;
	[sflag:s22] =	ssyncset.done $0x0  }
0xa0: {  	[sflag:s22] =	ssyncadd.s32 s4;
	_ =	sdelay $0x1  }
0xa1: {  	s23 =	simm.s32 $0x1B8B  }
0xa2: {  	_ =	swait.ge [sflag:s23], $0x1  }
0xa3: {  	[sflag:s23] =	ssyncset.done $0x0  }
0xa4: {  	s25 =	simm.s32 $0x1B8E;
	s24 =	sld [smem:$0x3FFE];
	[sflag:s23] =	ssyncadd.s32 $0xFFFFFFFF  }
0xa5: {  	s26 =	simm.s32 $execute0_lowered;
	[smem:$0x3FD2] =	sst s25  }
0xa6: {  	s5 =	sshll.u32 s26, $0x1;
	_ =	strace $0x80000046;
	[dreg:$0x1] =	wrdreg $0xFFFFFFFF  }
0xa7: {  	s28 =	simm.s32 $_size_execute0_lowered;
	s3 =	sadd.s32 s3, s5;
	[dreg:$0x0] =	wrdreg $0x0  }
0xa8: {  	s5 =	sshll.u32 s28, $0x1;
	[dreg:$0x2] =	wrdreg s3  }
0xa9: {  	[dreg:$0x3] =	wrdreg s5  }
0xaa: {  	[dreg:$0x4] =	wrdreg $0xC0  }
0xab: {  	_ =	task [dreg:s7], $0x5FFFF  }
0xac: {  	[dreg:$0x1] =	wrdreg $0xFFFFFFFF  }
0xad: {  	[dreg:$0x0] =	wrdreg $0x60  }
0xae: {  	[dreg:$0x2] =	wrdreg s24  }
0xaf: {  	[dreg:$0x3] =	wrdreg s2  }
0xb0: {  	[dreg:$0x4] =	wrdreg $0x9  }
0xb1: {  	_ =	task.clear_ibuf [dreg:s7], $0x5FFFF;
	_ =	strace $0x90000046  }
0xb2: {  	s29 =	simm.s32 $0x9;
	_ =	strace $0x80000048  }
0xb3: {  	_ =	swait.ge [sflag:s29], $0x1  }
0xb4: {  	[sflag:s29] =	ssyncadd.s32 $0xFFFFFFFF  }
0xb5: {  	_ =	strace $0x90000048  }
0xb6: {  	_ =	sfence  }
0xb7: {  	s30 =	sld [smem:$0x0];
	_ =	sdelay $0x2  }
0xb8: {  	s31 =	sshll.u32 s1, $0xD;
	s1 =	sshrl.u32 s1, $0x2  }
0xb9: {  	s3 =	sand.u32 $0x4000, s31;
	s1 =	sadd.s32 s1, s30  }
0xba: {  	s0 =	sor.u32 s3, s0;
	s1 =	sshll.u32 s1, $0x11  }
0xbb: {  	s0 =	sor.u32 s1, s0  }
0xbc: {  	s0 =	sadd.s32 $0x8F2B, s0  }
0xbd: {  	[sflag:s0] =	ssyncadd.remote.s32 $0x1  }
0xbe: {  	_ =	sfence.sel $0xFFFF  }
0xbf: {  	[dreg:$0x0] =	wrdreg $0xFFFFFFFF;
	(pc) =	sbr.abs _section_cstart, $3  }
0xc0: {  	[dreg:$0x1] =	wrdreg $0xFFFFFFFF  }
0xc1: {  	_ =	task.clear_ibuf [dreg:s7], $0x2FFFF;
	_ =	strace $0x9FFFFFFF  }
0xc2: {  	(tm) =	ssettm $0x7FFFFFFF  }
0xc3: {  	_ =	shalt  }
tec
execute0_lowered:
.L_overlay_start_1:
0x0: {  	(tag) =	ssettag $0x1  }
0x1: {  	s0 =	srdreg.scid  }
0x2: {  	s2 =	stileid.u32;
	s1 =	rddreg [dreg:$0x0]  }
0x3: {  	s5 =	rddreg [dreg:$0x1];
	s18 =	simm.s32 $0x2780;
	s19 =	simm.s32 $0x4F00  }
0x4: {  	s20 =	simm.s32 $0x7680;
	s21 =	simm.s32 $0x9E00;
	s29 =	simm.s32 $0x1  }
0x5: {  	s28 =	simm.s32 $0x2;
	s0 =	sand.u32 $0x1, s0;
	s2 =	sshll.u32 s2, $0x1  }
0x6: {  	s9 =	sadd.s32 $0x13DC00, s1;
	s3 =	sor.u32 s0, s2;
	s2 =	simm.s32 $0x0  }
0x7: {  	s22 =	sadd.s32 $0x13D600, s1;
	s23 =	sadd.s32 $0x13D000, s1;
	[smem:$0x7FF] =	sst s2  }
0x8: {  	v0 =	vlaneseq.u32;
	s24 =	sadd.s32 $0x13CA00, s1;
	_ =	strace $0x80000047;
	[dreg:$0x3] =	wrdreg s9  }
0x9: {  	s25 =	sadd.s32 $0x13C400, s1;
	s10 =	sadd.s32 $0x13BE00, s1;
	v1 =	vmul.u32 $0x8, v0;
	[dreg:$0x4] =	wrdreg s22  }
0xa: {  	s11 =	sadd.s32 $0x13E200, s1;
	s15 =	sadd.s32 $0x900, s1;
	[dreg:$0x5] =	wrdreg s23  }
0xb: {  	s0 =	ssub.s32 $0x2, s0;
	s6 =	smul.u32 $0x140, s3;
	v2 =	vor.u32 $0x1, v1;
	[dreg:$0x6] =	wrdreg s24;
	[tilespmem:$0x1FF80] =	vst v1  }
0xc: {  	s3 =	sadd.s32 $0x800, s1;
	s26 =	sshrl.u32 s0, $0x1;
	v3 =	vor.u32 $0x2, v1;
	[dreg:$0x7] =	wrdreg s25;
	[tilespmem:$0x1FF90] =	vst v2  }
0xd: {  	v4 =	vor.u32 $0x3, v1;
	[dreg:$0x8] =	wrdreg s10;
	s0 =	ssub.s32 s0, s26;
	s22 =	simm.s32 $0xC580;
	[tilespmem:$0x1FFA0] =	vst v3  }
0xe: {  	v5 =	vor.u32 $0x4, v1;
	s23 =	simm.s32 $0xED00;
	[tilespmem:$0x1FFB0] =	vst v4;
	s4 =	sshrl.u32 s6, $0x3;
	s5 =	sadd.s32 s5, s6  }
0xf: {  	v6 =	vor.u32 $0x5, v1;
	[tilespmem:$0x1FFC0] =	vst v5;
	s7 =	sadd.s32 s6, s1;
	s0 =	smax.u32 s0, $0x1;
	[dreg:$0x9] =	wrdreg s5  }
0x10: {  	v7 =	vor.u32 $0x6, v1;
	[tilespmem:$0x1FFD0] =	vst v6;
	s8 =	sadd.s32 s4, s1;
	s30 =	sadd.s32 $0x139000, s7;
	[dreg:$0xc] =	wrdreg s0  }
0x11: {  	v9 =	vmul.u32 $0x10, v0;
	v8 =	vor.u32 $0x7, v1;
	s24 =	simm.s32 $0xF700;
	[tilespmem:$0x1FFE0] =	vst v7;
	[dreg:$0xa] =	wrdreg s30;
	s31 =	sadd.s32 $0x13B800, s8  }
0x12: {  	vm0 =	vmmov $0xffff;
	vm1 =	vmmov $0xff;
	s25 =	simm.s32 $0x10280;
	[tilespmem:$0x1FFF0] =	vst v8;
	s1 =	simm.s32 $0x0;
	[dreg:$0xb] =	wrdreg s31  }
.LBB2_1:
0x13: {  	[dreg:$0xd] =	wrdreg s1  }
0x14: {  	s0 =	rddreg [dreg:$0x3];
	s5 =	simm.s32 $0x4  }
0x15: {  	[tilespmem:s2], [sflag:$0x4] =	stream.linear.gather [hbm4b:s0+s2], $0x2780, $0x38;
	[tilespmem:$0x1E680] =	vst v63  }
0x16: {  	_ =	swait.ge [sflag:s5], $0x2780  }
0x17: {  	[sflag:s5] =	ssyncset.done $0x0  }
0x18: {  	s9 =	rddreg [dreg:$0x4];
	[sflag:s5] =	ssyncadd.s32 $0xFFFFD880  }
0x19: {  	[tilespmem:s18], [sflag:$0x4] =	stream.linear.gather [hbm4b:s9+s2], $0x2780, $0x38;
	[tilespmem:$0x1E680] =	vst v63  }
0x1a: {  	_ =	swait.ge [sflag:s5], $0x2780  }
0x1b: {  	[sflag:s5] =	ssyncset.done $0x0  }
0x1c: {  	s10 =	rddreg [dreg:$0x5];
	[sflag:s5] =	ssyncadd.s32 $0xFFFFD880  }
0x1d: {  	[tilespmem:s19], [sflag:$0x4] =	stream.linear.gather [hbm4b:s10+s2], $0x2780, $0x38;
	[tilespmem:$0x1E680] =	vst v63  }
0x1e: {  	_ =	swait.ge [sflag:s5], $0x2780  }
0x1f: {  	[sflag:s5] =	ssyncset.done $0x0  }
0x20: {  	s12 =	rddreg [dreg:$0x6];
	[sflag:s5] =	ssyncadd.s32 $0xFFFFD880  }
0x21: {  	[tilespmem:s20], [sflag:$0x4] =	stream.linear.gather [hbm4b:s12+s2], $0x2780, $0x38;
	[tilespmem:$0x1E680] =	vst v63  }
0x22: {  	_ =	swait.ge [sflag:s5], $0x2780  }
0x23: {  	[sflag:s5] =	ssyncset.done $0x0  }
0x24: {  	s13 =	rddreg [dreg:$0x7];
	[sflag:s5] =	ssyncadd.s32 $0xFFFFD880  }
0x25: {  	[tilespmem:s21], [sflag:$0x4] =	stream.linear.gather [hbm4b:s13+s2], $0x2780, $0x38;
	[tilespmem:$0x1E680] =	vst v63  }
0x26: {  	_ =	swait.ge [sflag:s5], $0x2780  }
0x27: {  	[sflag:s5] =	ssyncset.done $0x0  }
0x28: {  	s14 =	rddreg [dreg:$0x8];
	[sflag:s5] =	ssyncadd.s32 $0xFFFFD880  }
0x29: {  	[tilespmem:s22], [sflag:$0x4] =	stream.linear.gather [hbm4b:s14+s2], $0x2780, $0x38;
	[tilespmem:$0x1E680] =	vst v63  }
0x2a: {  	_ =	swait.ge [sflag:s5], $0x2780  }
0x2b: {  	[sflag:s5] =	ssyncset.done $0x0  }
0x2c: {  	s16 =	rddreg [dreg:$0x9];
	[sflag:s5] =	ssyncadd.s32 $0xFFFFD880  }
0x2d: {  	[tilespmem:s23], [sflag:$0x4] =	stream.linear.gather [hbm4b:s16+s2], $0xA00, $0x38;
	[tilespmem:$0x1E680] =	vst v63  }
0x2e: {  	_ =	swait.ge [sflag:s5], $0xA00  }
0x2f: {  	v10 =	vmov s2;
	[sflag:s5] =	ssyncset.done $0x0  }
0x30: {  	v10 =	vshrl.u32 v10, $0x7;
	s17 =	rddreg [dreg:$0xa];
	[sflag:s5] =	ssyncadd.s32 $0xFFFFF600  }
0x31: {  	v10 =	vshll.u32 v10, $0x7;
	[tilespmem:s24], [sflag:$0x4] =	stream.linear.gather [hbm4b:s17+s2], $0xA00, $0x38;
	[tilespmem:$0x1E680] =	vst v63  }
0x32: {  	v12 =	vbroadcast v10, $0x0;
	_ =	swait.ge [sflag:s5], $0xA00  }
0x33: {  	[sflag:s5] =	ssyncset.done $0x0  }
0x34: {  	s0 =	simm.s32 $0x10100;
	v13 =	vor.u32 v2, v12;
	s26 =	rddreg [dreg:$0xb];
	[sflag:s5] =	ssyncadd.s32 $0xFFFFF600  }
0x35: {  	v14 =	vor.u32 v4, v12;
	[tilespmem:s0], [sflag:$0x4] =	stream.linear.gather [hbm4b:s26+s2], $0x140, $0x38;
	[tilespmem:$0x1E680] =	vst v63  }
0x36: {  	v15 =	vor.u32 v8, v12;
	_ =	swait.ge [sflag:s5], $0x140  }
0x37: {  	v16 =	vor.u32 v6, v12;
	[sflag:s5] =	ssyncset.done $0x0  }
0x38: {  	v17 =	vor.u32 v7, v12;
	[sflag:s5] =	ssyncadd.s32 $0xFFFFFEC0  }
0x39: {  	v18 =	vld.idx.msk [tilespmem:v13+s23+$0x0], $0xffff  }
0x3a: {  	v19 =	vld.idx.msk [tilespmem:v14+s24+$0x0], $0xffff  }
0x3b: {  	v20 =	vor.u32 v5, v12;
	v10 =	vld.idx.msk [tilespmem:v15+s24+$0x0], $0xffff  }
0x3c: {  	v11 =	vld.idx.msk [tilespmem:v16+s24+$0x0], $0xffff  }
0x3d: {  	v21 =	vld.idx.msk [tilespmem:v17+s23+$0x0], $0xffff  }
0x3e: {  	v22 =	vor.u32 v3, v12;
	v15 =	vld.idx.msk [tilespmem:v15+s23+$0x0], $0xffff  }
0x3f: {  	v16 =	vld.idx.msk [tilespmem:v16+s23+$0x0], $0xffff  }
0x40: {  	v12 =	vor.u32 v1, v12;
	v23 =	vld.idx.msk [tilespmem:v20+s23+$0x0], $0xffff  }
0x41: {  	v17 =	vld.idx.msk [tilespmem:v17+s24+$0x0], $0xffff  }
0x42: {  	v14 =	vld.idx.msk [tilespmem:v14+s23+$0x0], $0xffff  }
0x43: {  	v25 =	vld.idx.msk [tilespmem:v22+s23+$0x0], $0xffff  }
0x44: {  	v13 =	vld.idx.msk [tilespmem:v13+s24+$0x0], $0xffff  }
0x45: {  	v26 =	vld.idx.msk [tilespmem:v12+s23+$0x0], $0xffff  }
0x46: {  	v12 =	vld.idx.msk [tilespmem:v12+s24+$0x0], $0xffff  }
0x47: {  	v20 =	vld.idx.msk [tilespmem:v20+s24+$0x0], $0xffff  }
0x48: {  	v22 =	vld.idx.msk [tilespmem:v22+s24+$0x0], $0xffff  }
0x49: {  	v38 =	vld [tilespmem:s0+$0x0]  }
0x4a: {  	v24 =	vld.idx.msk [tilespmem:v19+s20+$0x0], $0xffff  }
0x4b: {  	v27 =	vld.idx.msk [tilespmem:v18+s18+$0x0], $0xffff  }
0x4c: {  	v28 =	vld.idx.msk [tilespmem:v14+s18+$0x0], $0xffff  }
0x4d: {  	v31 =	vld.idx.msk [tilespmem:v26+s18+$0x0], $0xffff  }
0x4e: {  	v32 =	vld.idx.msk [tilespmem:v12+s20+$0x0], $0xffff  }
0x4f: {  	v29 =	vld.idx.msk [tilespmem:v25+s18+$0x0], $0xffff  }
0x50: {  	v30 =	vld.idx.msk [tilespmem:v13+s20+$0x0], $0xffff  }
0x51: {  	v33 =	vld.idx.msk [tilespmem:v23+s18+$0x0], $0xffff  }
0x52: {  	v35 =	vld.idx.msk [tilespmem:v22+s20+$0x0], $0xffff  }
0x53: {  	v34 =	vld.idx.msk [tilespmem:v16+s18+$0x0], $0xffff;
	v31 =	vadd.f32 $0.0e+00, v31;
	v32 =	vadd.f32 $0.0e+00, v32  }
0x54: {  	v36 =	vld.idx.msk [tilespmem:v11+s20+$0x0], $0xffff  }
0x55: {  	v37 =	vld.idx.msk [tilespmem:v21+s18+$0x0], $0xffff;
	v27 =	vadd.f32 v27, v31;
	v30 =	vadd.f32 v30, v32  }
0x56: {  	v61 =	vld.idx.msk [tilespmem:v20+s20+$0x0], $0xffff  }
0x57: {  	v18 =	vld.idx.msk [tilespmem:v18+s2+$0x0], $0xffff;
	v27 =	vadd.f32 v29, v27;
	v30 =	vadd.f32 v35, v30  }
0x58: {  	v26 =	vld.idx.msk [tilespmem:v26+s2+$0x0], $0xffff  }
0x59: {  	v31 =	vld.idx.msk [tilespmem:v17+s20+$0x0], $0xffff;
	v27 =	vadd.f32 v28, v27;
	v24 =	vadd.f32 v24, v30  }
0x5a: {  	v29 =	vld.idx.msk [tilespmem:v15+s18+$0x0], $0xffff  }
0x5b: {  	v30 =	vld.idx.msk [tilespmem:v38+s21+$0x0], $0xffff;
	v27 =	vadd.f32 v33, v27;
	v24 =	vadd.f32 v61, v24  }
0x5c: {  	v28 =	vld.idx.msk [tilespmem:v10+s20+$0x0], $0xffff  }
0x5d: {  	v25 =	vld.idx.msk [tilespmem:v25+s2+$0x0], $0xffff;
	v27 =	vadd.f32 v34, v27;
	v24 =	vadd.f32 v36, v24  }
0x5e: {  	v14 =	vld.idx.msk [tilespmem:v14+s2+$0x0], $0xffff  }
0x5f: {  	v23 =	vld.idx.msk [tilespmem:v23+s2+$0x0], $0xffff;
	v27 =	vadd.f32 v37, v27;
	v24 =	vadd.f32 v31, v24  }
0x60: {  	v62 =	vld.idx.msk [tilespmem:v38+s22+$0x0], $0xffff;
	v18 =	vadd.f32 v18, v30  }
0x61: {  	v16 =	vld.idx.msk [tilespmem:v16+s2+$0x0], $0xffff;
	v27 =	vadd.f32 v29, v27;
	v24 =	vadd.f32 v28, v24  }
0x62: {  	v21 =	vld.idx.msk [tilespmem:v21+s2+$0x0], $0xffff;
	v26 =	vadd.f32 v26, v30;
	v25 =	vadd.f32 v25, v30  }
0x63: {  	v12 =	vld.idx.msk [tilespmem:v12+s19+$0x0], $0xffff;
	v14 =	vadd.f32 v14, v30;
	v27 =	vmul.f32 $1.250000000e-01, v27;
	v24 =	vmul.f32 $1.250000000e-01, v24  }
0x64: {  	v13 =	vld.idx.msk [tilespmem:v13+s19+$0x0], $0xffff;
	v23 =	vadd.f32 v23, v30;
	vm2 =	vge.f32 v26, $0.0e+00;
	v28 =	vmul.f32 $2.000000030e-01, v26  }
0x65: {  	v15 =	vld.idx.msk [tilespmem:v15+s2+$0x0], $0xffff;
	v29 =	vmul.f32 $2.000000030e-01, v25;
	v27 =	vadd.f32 v27, v62;
	v24 =	vadd.f32 v24, v62  }
0x66: {  	v19 =	vld.idx.msk [tilespmem:v19+s19+$0x0], $0xffff;
	v16 =	vadd.f32 v16, v30;
	vm3 =	vge.f32 v25, $0.0e+00;
	v26 =	vsel vm2, v26, v28  }
0x67: {  	v25 =	vsel vm3, v25, v29;
	v28 =	vmul.f32 $2.000000030e-01, v27;
	v29 =	vmul.f32 $2.000000030e-01, v24  }
0x68: {  	v21 =	vadd.f32 v21, v30;
	vm3 =	vge.f32 v27, $0.0e+00;
	vm4 =	vge.f32 v24, $0.0e+00  }
0x69: {  	v12 =	vadd.f32 v12, v30;
	v27 =	vsel vm3, v27, v28;
	v24 =	vsel vm4, v24, v29  }
0x6a: {  	v15 =	vadd.f32 v15, v30;
	v13 =	vadd.f32 v13, v30;
	v28 =	vmax.f32 v27, v24  }
0x6b: {  	v19 =	vadd.f32 v19, v30;
	v27 =	vsub.f32 v27, v28  }
0x6c: {  	v31 =	vmul.f32 $2.000000030e-01, v14;
	v63 =	vmul.f32 $2.000000030e-01, v18;
	v24 =	vsub.f32 v24, v28  }
0x6d: {  	vm2 =	vge.f32 v14, $0.0e+00;
	v25 =	vmul.f32 $1.442695020e+00, v25;
	v27 =	vmul.f32 $1.442695020e+00, v27  }
0x6e: {  	v14 =	vsel vm2, v14, v31;
	v26 =	vmul.f32 $1.442695020e+00, v26;
	v24 =	vmul.f32 $1.442695020e+00, v24  }
0x6f: {  	vm2 =	vge.f32 v23, $0.0e+00;
	v28 =	vmul.f32 $2.000000030e-01, v23;
	(erf) = vpow2.f32 v27  }
0x70: {  	v22 =	vld.idx.msk [tilespmem:v22+s19+$0x0], $0xffff;
	v14 =	vmul.f32 $1.442695020e+00, v14;
	vm3 =	vge.f32 v18, $0.0e+00;
	(erf) = vpow2.f32 v24  }
0x71: {  	v18 =	vsel vm3, v18, v63;
	v23 =	vsel vm2, v23, v28;
	v28 =	vmul.f32 $2.000000030e-01, v19  }
0x72: {  	vm15 =	vge.f32 v19, $0.0e+00;
	v18 =	vmul.f32 $1.442695020e+00, v18;
	v27 =	vmul.f32 $2.000000030e-01, v16  }
0x73: {  	vm2 =	vge.f32 v16, $0.0e+00;
	v23 =	vmul.f32 $1.442695020e+00, v23;
	v19 =	vsel vm15, v19, v28  }
0x74: {  	v24 =	vmul.f32 $2.000000030e-01, v21;
	v16 =	vsel vm2, v16, v27;
	vm2 =	vge.f32 v21, $0.0e+00  }
0x75: {  	(erf) = vpow2.f32 v18;
	v18 =	vadd.f32 v22, v30;
	v22 =	vmul.f32 $2.000000030e-01, v13  }
0x76: {  	v19 =	vmul.f32 $1.442695020e+00, v19;
	v21 =	vsel vm2, v21, v24;
	v24 =	vmul.f32 $2.000000030e-01, v12  }
0x77: {  	v20 =	vld.idx.msk [tilespmem:v20+s19+$0x0], $0xffff;
	vm3 =	vge.f32 v12, $0.0e+00;
	v27 =	vmul.f32 $2.000000030e-01, v15;
	v16 =	vmul.f32 $1.442695020e+00, v16  }
0x78: {  	v11 =	vld.idx.msk [tilespmem:v11+s19+$0x0], $0xffff;
	v12 =	vsel vm3, v12, v24;
	vm3 =	vge.f32 v13, $0.0e+00;
	v24 =	vmul.f32 $2.000000030e-01, v18;
	v29 =	vpop (erf)  }
0x79: {  	v17 =	vld.idx.msk [tilespmem:v17+s19+$0x0], $0xffff;
	vm2 =	vge.f32 v15, $0.0e+00;
	v13 =	vsel vm3, v13, v22;
	vm3 =	vge.f32 v18, $0.0e+00;
	v22 =	vpop (erf)  }
0x7a: {  	(erf) = vpow2.f32 v26;
	v18 =	vsel vm3, v18, v24;
	v24 =	vadd.f32 v22, v29  }
0x7b: {  	v21 =	vmul.f32 $1.442695020e+00, v21;
	v15 =	vsel vm2, v15, v27;
	v13 =	vmul.f32 $1.442695020e+00, v13  }
0x7c: {  	v10 =	vld.idx.msk [tilespmem:v10+s19+$0x0], $0xffff;
	v20 =	vadd.f32 v20, v30;
	v15 =	vmul.f32 $1.442695020e+00, v15;
	(erf) = vrcp.f32 v24  }
0x7d: {  	v11 =	vadd.f32 v11, v30;
	v12 =	vmul.f32 $1.442695020e+00, v12;
	(erf) = vpow2.f32 v13  }
0x7e: {  	v13 =	vadd.f32 v17, v30;
	v17 =	vmul.f32 $2.000000030e-01, v20;
	(erf) = vpow2.f32 v19  }
0x7f: {  	vm2 =	vge.f32 v20, $0.0e+00;
	v18 =	vmul.f32 $1.442695020e+00, v18;
	(erf) = vpow2.f32 v25  }
0x80: {  	v19 =	vmul.f32 $2.000000030e-01, v11;
	v17 =	vsel vm2, v20, v17;
	(erf) = vpow2.f32 v14  }
0x81: {  	v10 =	vadd.f32 v10, v30;
	v14 =	vmul.f32 $1.442695020e+00, v17;
	(erf) = vpow2.f32 v23  }
0x82: {  	vm2 =	vge.f32 v11, $0.0e+00;
	v17 =	vmul.f32 $2.000000030e-01, v13;
	(erf) = vpow2.f32 v16  }
0x83: {  	v11 =	vsel vm2, v11, v19;
	v19 =	vmul.f32 $2.000000030e-01, v10;
	v16 =	vpop (erf);
	(erf) = vpow2.f32 v21  }
0x84: {  	vm2 =	vge.f32 v13, $0.0e+00;
	v11 =	vmul.f32 $1.442695020e+00, v11;
	v20 =	vpop (erf);
	(erf) = vpow2.f32 v15  }
0x85: {  	v13 =	vsel vm2, v13, v17;
	vm2 =	vge.f32 v10, $0.0e+00;
	(erf) = vpow2.f32 v12;
	v12 =	vpop (erf)  }
0x86: {  	v13 =	vmul.f32 $1.442695020e+00, v13;
	v10 =	vsel vm2, v10, v19;
	v15 =	vmul.f32 v12, v29;
	v17 =	vpop (erf)  }
0x87: {  	v10 =	vmul.f32 $1.442695020e+00, v10;
	(erf) = vpow2.f32 v18;
	v18 =	vpop (erf)  }
0x88: {  	v19 =	vmul.f32 v15, v20;
	v16 =	vmul.f32 v15, v16;
	v20 =	vpop (erf)  }
0x89: {  	(erf) = vpow2.f32 v14;
	v20 =	vmul.f32 v15, v20;
	v21 =	vpop (erf)  }
0x8a: {  	(erf) = vpow2.f32 v11;
	v14 =	vmul.f32 v15, v21;
	v21 =	vmax.f32 v19, v16;
	v23 =	vpop (erf)  }
0x8b: {  	(erf) = vpow2.f32 v13;
	v11 =	vmul.f32 v15, v23;
	v21 =	vmax.f32 v21, v20;
	v23 =	vpop (erf)  }
0x8c: {  	v13 =	vmul.f32 v15, v23;
	v21 =	vmax.f32 v21, v14;
	v23 =	vpop (erf);
	(erf) = vpow2.f32 v10  }
0x8d: {  	v10 =	vmul.f32 v12, v22;
	v12 =	vmul.f32 v15, v23;
	v21 =	vmax.f32 v21, v11;
	v22 =	vpop (erf)  }
0x8e: {  	v15 =	vmul.f32 v15, v22;
	v21 =	vmax.f32 v21, v13;
	v22 =	vpop (erf)  }
0x8f: {  	v22 =	vmul.f32 v10, v22;
	v21 =	vmax.f32 v21, v12  }
0x90: {  	v17 =	vmul.f32 v10, v17;
	v23 =	vpop (erf);
	v21 =	vmax.f32 v21, v15  }
0x91: {  	v23 =	vmul.f32 v10, v23;
	v21 =	vmax.f32 v21, v22  }
0x92: {  	v18 =	vmul.f32 v10, v18;
	v24 =	vpop (erf);
	v21 =	vmax.f32 v21, v17  }
0x93: {  	v24 =	vmul.f32 v10, v24;
	v25 =	vpop (erf);
	v21 =	vmax.f32 v21, v23  }
0x94: {  	v25 =	vmul.f32 v10, v25;
	v26 =	vpop (erf);
	v21 =	vmax.f32 v21, v18  }
0x95: {  	v26 =	vmul.f32 v10, v26;
	v21 =	vmax.f32 v21, v24;
	v27 =	vpop (erf)  }
0x96: {  	v27 =	vmul.f32 v10, v27;
	v10 =	vmax.f32 v21, v25  }
0x97: {  	v10 =	vmax.f32 v10, v26  }
0x98: {  	v21 =	vmax.f32 v10, v27  }
0x99: {  	v10 =	vsub.f32 v19, v21  }
0x9a: {  	v16 =	vsub.f32 v16, v21  }
0x9b: {  	v10 =	vmul.f32 $1.442695020e+00, v10  }
0x9c: {  	v19 =	vsub.f32 v20, v21;
	v16 =	vmul.f32 $1.442695020e+00, v16  }
0x9d: {  	(erf) = vpow2.f32 v10  }
0x9e: {  	v10 =	vsub.f32 v14, v21;
	v14 =	vmul.f32 $1.442695020e+00, v19;
	(erf) = vpow2.f32 v16;
	_ =	sdelay $0x1  }
0x9f: {  	v11 =	vsub.f32 v11, v21;
	v10 =	vmul.f32 $1.442695020e+00, v10;
	(erf) = vpow2.f32 v14;
	_ =	sdelay $0x1  }
0xa0: {  	v13 =	vsub.f32 v13, v21;
	v11 =	vmul.f32 $1.442695020e+00, v11;
	(erf) = vpow2.f32 v10  }
0xa1: {  	v10 =	vsub.f32 v12, v21  }
0xa2: {  	v12 =	vmul.f32 $1.442695020e+00, v13;
	(erf) = vpow2.f32 v11  }
0xa3: {  	v10 =	vmul.f32 $1.442695020e+00, v10  }
0xa4: {  	v11 =	vsub.f32 v15, v21;
	v29 =	vpop (erf);
	(erf) = vpow2.f32 v12  }
0xa5: {  	v12 =	vsub.f32 v22, v21;
	v31 =	vpop (erf)  }
0xa6: {  	v11 =	vmul.f32 $1.442695020e+00, v11;
	(erf) = vpow2.f32 v10;
	v13 =	vadd.f32 v31, v29  }
0xa7: {  	v14 =	vsub.f32 v17, v21;
	v10 =	vpop (erf)  }
0xa8: {  	v15 =	vmul.f32 $1.442695020e+00, v12;
	(erf) = vpow2.f32 v11;
	v13 =	vadd.f32 v13, v10  }
0xa9: {  	v12 =	vpop (erf)  }
0xaa: {  	v16 =	vmul.f32 $1.442695020e+00, v14;
	(erf) = vpow2.f32 v15;
	v13 =	vadd.f32 v13, v12  }
0xab: {  	v11 =	vsub.f32 v23, v21;
	v14 =	vpop (erf)  }
0xac: {  	(erf) = vpow2.f32 v16;
	v13 =	vadd.f32 v13, v14  }
0xad: {  	v17 =	vsub.f32 v18, v21;
	v11 =	vmul.f32 $1.442695020e+00, v11;
	v15 =	vpop (erf)  }
0xae: {  	v13 =	vadd.f32 v13, v15  }
0xaf: {  	v17 =	vmul.f32 $1.442695020e+00, v17;
	v16 =	vsub.f32 v24, v21;
	(erf) = vpow2.f32 v11;
	v18 =	vpop (erf)  }
0xb0: {  	v13 =	vadd.f32 v13, v18  }
0xb1: {  	v16 =	vmul.f32 $1.442695020e+00, v16;
	(erf) = vpow2.f32 v17;
	v20 =	vpop (erf)  }
0xb2: {  	v11 =	vsub.f32 v25, v21;
	v13 =	vadd.f32 v13, v20  }
0xb3: {  	v17 =	vsub.f32 v26, v21;
	(erf) = vpow2.f32 v16;
	v16 =	vsub.f32 v27, v21;
	v21 =	vpop (erf)  }
0xb4: {  	v11 =	vmul.f32 $1.442695020e+00, v11;
	v13 =	vadd.f32 v13, v21  }
0xb5: {  	v19 =	vpop (erf)  }
0xb6: {  	v17 =	vmul.f32 $1.442695020e+00, v17;
	(erf) = vpow2.f32 v11;
	v13 =	vadd.f32 v13, v19;
	_ =	sdelay $0x1  }
0xb7: {  	v11 =	vmul.f32 $1.442695020e+00, v16;
	(erf) = vpow2.f32 v17;
	v16 =	vpop (erf)  }
0xb8: {  	v17 =	vadd.f32 v13, v16  }
0xb9: {  	(erf) = vpow2.f32 v11;
	v13 =	vpop (erf)  }
0xba: {  	v17 =	vadd.f32 v17, v13;
	_ =	sdelay $0x1  }
0xbb: {  	v11 =	vpop (erf)  }
0xbc: {  	v22 =	vadd.f32 v17, v11  }
0xbd: {  	v17 =	vpop (erf)  }
0xbe: {  	v22 =	vadd.f32 v22, v17  }
0xbf: {  	v23 =	vpop (erf)  }
0xc0: {  	v22 =	vadd.f32 v22, v23  }
0xc1: {  	v24 =	vpop (erf)  }
0xc2: {  	v22 =	vadd.f32 v22, v24;
	_ =	sdelay $0x1  }
0xc3: {  	(erf) = vrcp.f32 v22;
	_ =	sdelay $0x6  }
0xc4: {  	s30 =	simm.s32 $0x0  }
0xc5: {  	s6 =	simm.s32 $0x1;
	s7 =	simm.s32 $0x2;
	v28 =	vor.u32 s30, v9  }
0xc6: {  	s1 =	simm.s32 $0xF;
	s31 =	simm.s32 $0x3;
	v25 =	vor.u32 s7, v9;
	v27 =	vor.u32 s6, v9;
	v22 =	vpop (erf)  }
0xc7: {  	s26 =	simm.s32 $0x0;
	s5 =	simm.s32 $0x10F;
	v26 =	vor.u32 s31, v9;
	s6 =	simm.s32 $0x4;
	v30 =	vmul.f32 v22, v29;
	v29 =	vmul.f32 v22, v31  }
.LBB2_2:
0xc8: {  	v31 =	vor.u32 s6, v9;
	s6 =	sadd.s32 $0xFFFFFFF6, s1  }
0xc9: {  	v23 =	vmul.f32 v22, v23;
	v24 =	vmul.f32 v22, v24;
	s26 =	sadd.s32 $0x80, s26;
	s0 =	sadd.s32 $0x10, s0;
	s7 =	smov.u32 s5  }
0xca: {  	p0 =	sne.s32 s5, $0x130F;
	s5 =	sadd.s32 $0x100, s5;
	v10 =	vmul.f32 v22, v10;
	[tilespmem:v28+s25+$0x0] =	vst.idx.msk $0xffff, v30;
	v28 =	vor.u32 s6, v9;
	s6 =	sadd.s32 $0xFFFFFFF7, s1  }
0xcb: {  	v12 =	vmul.f32 v22, v12;
	[tilespmem:v27+s25+$0x0] =	vst.idx.msk $0xffff, v29;
	v27 =	vor.u32 s6, v9;
	s6 =	sadd.s32 $0xFFFFFFF8, s1  }
0xcc: {  	[tilespmem:v25+s25+$0x0] =	vst.idx.msk $0xffff, v10;
	v10 =	vmul.f32 v22, v14;
	v14 =	vor.u32 s6, v9;
	s6 =	sadd.s32 $0xFFFFFFF9, s1  }
0xcd: {  	[tilespmem:v26+s25+$0x0] =	vst.idx.msk $0xffff, v12;
	v12 =	vmul.f32 v22, v15;
	v15 =	vor.u32 s6, v9;
	s6 =	sadd.s32 $0xFFFFFFFA, s1  }
0xce: {  	[tilespmem:v31+s25+$0x0] =	vst.idx.msk $0xffff, v10;
	v10 =	vmul.f32 v22, v18;
	v18 =	vor.u32 s6, v9;
	s6 =	sadd.s32 $0xFFFFFFFB, s1  }
0xcf: {  	[tilespmem:v28+s25+$0x0] =	vst.idx.msk $0xffff, v12;
	v12 =	vmul.f32 v22, v20;
	v20 =	vor.u32 s6, v9;
	s6 =	sadd.s32 $0xFFFFFFFC, s1  }
0xd0: {  	v25 =	vmov s26;
	[tilespmem:v27+s25+$0x0] =	vst.idx.msk $0xffff, v10;
	v10 =	vmul.f32 v22, v21;
	v21 =	vor.u32 s6, v9;
	s6 =	sadd.s32 $0xFFFFFFFD, s1  }
0xd1: {  	v25 =	vshrl.u32 v25, $0x7;
	[tilespmem:v14+s25+$0x0] =	vst.idx.msk $0xffff, v12;
	v12 =	vmul.f32 v22, v19;
	v14 =	vor.u32 s6, v9;
	s6 =	sadd.s32 $0xFFFFFFFE, s1  }
0xd2: {  	v19 =	vshll.u32 v25, $0x7;
	[tilespmem:v15+s25+$0x0] =	vst.idx.msk $0xffff, v10;
	v10 =	vmul.f32 v22, v16;
	v15 =	vor.u32 s6, v9;
	s6 =	sadd.s32 $0xFFFFFFFF, s1  }
0xd3: {  	v16 =	vbroadcast v19, $0x0;
	[tilespmem:v18+s25+$0x0] =	vst.idx.msk $0xffff, v12;
	v12 =	vmul.f32 v22, v13;
	v13 =	vor.u32 s6, v9  }
0xd4: {  	[tilespmem:v20+s25+$0x0] =	vst.idx.msk $0xffff, v10;
	v10 =	vmul.f32 v22, v11;
	v11 =	vmul.f32 v22, v17;
	v17 =	vor.u32 s1, v9;
	s1 =	smov.u32 s7  }
0xd5: {  	v18 =	vor.u32 v1, v16;
	v19 =	vor.u32 v2, v16;
	[tilespmem:v21+s25+$0x0] =	vst.idx.msk $0xffff, v12  }
0xd6: {  	v20 =	vor.u32 v4, v16;
	v21 =	vor.u32 v5, v16;
	[tilespmem:v14+s25+$0x0] =	vst.idx.msk $0xffff, v10  }
0xd7: {  	v12 =	vor.u32 v7, v16;
	v14 =	vor.u32 v8, v16;
	[tilespmem:v15+s25+$0x0] =	vst.idx.msk $0xffff, v11  }
0xd8: {  	v15 =	vor.u32 v6, v16;
	[tilespmem:v13+s25+$0x0] =	vst.idx.msk $0xffff, v23  }
0xd9: {  	[tilespmem:v17+s25+$0x0] =	vst.idx.msk $0xffff, v24  }
0xda: {  	v17 =	vld.idx.msk [tilespmem:v19+s23+$0x0], $0xffff  }
0xdb: {  	v13 =	vld.idx.msk [tilespmem:v20+s24+$0x0], $0xffff  }
0xdc: {  	v10 =	vld.idx.msk [tilespmem:v14+s24+$0x0], $0xffff  }
0xdd: {  	v16 =	vor.u32 v3, v16;
	v11 =	vld.idx.msk [tilespmem:v15+s24+$0x0], $0xffff  }
0xde: {  	v22 =	vld.idx.msk [tilespmem:v12+s23+$0x0], $0xffff  }
0xdf: {  	v23 =	vld.idx.msk [tilespmem:v14+s23+$0x0], $0xffff  }
0xe0: {  	v24 =	vld.idx.msk [tilespmem:v15+s23+$0x0], $0xffff  }
0xe1: {  	v14 =	vld.idx.msk [tilespmem:v21+s23+$0x0], $0xffff  }
0xe2: {  	v12 =	vld.idx.msk [tilespmem:v12+s24+$0x0], $0xffff  }
0xe3: {  	v25 =	vld.idx.msk [tilespmem:v13+s20+$0x0], $0xffff  }
0xe4: {  	v20 =	vld.idx.msk [tilespmem:v20+s23+$0x0], $0xffff  }
0xe5: {  	v26 =	vld.idx.msk [tilespmem:v16+s23+$0x0], $0xffff  }
0xe6: {  	v15 =	vld.idx.msk [tilespmem:v19+s24+$0x0], $0xffff  }
0xe7: {  	v19 =	vld.idx.msk [tilespmem:v18+s23+$0x0], $0xffff  }
0xe8: {  	v18 =	vld.idx.msk [tilespmem:v18+s24+$0x0], $0xffff  }
0xe9: {  	v27 =	vld.idx.msk [tilespmem:v17+s18+$0x0], $0xffff  }
0xea: {  	v21 =	vld.idx.msk [tilespmem:v21+s24+$0x0], $0xffff  }
0xeb: {  	v16 =	vld.idx.msk [tilespmem:v16+s24+$0x0], $0xffff  }
0xec: {  	v28 =	vld.idx.msk [tilespmem:v20+s18+$0x0], $0xffff  }
0xed: {  	v29 =	vld.idx.msk [tilespmem:v26+s18+$0x0], $0xffff  }
0xee: {  	v30 =	vld.idx.msk [tilespmem:v15+s20+$0x0], $0xffff  }
0xef: {  	v31 =	vld.idx.msk [tilespmem:v19+s18+$0x0], $0xffff  }
0xf0: {  	v32 =	vld.idx.msk [tilespmem:v18+s20+$0x0], $0xffff  }
0xf1: {  	v33 =	vld.idx.msk [tilespmem:v14+s18+$0x0], $0xffff  }
0xf2: {  	v34 =	vld.idx.msk [tilespmem:v24+s18+$0x0], $0xffff  }
0xf3: {  	v35 =	vld.idx.msk [tilespmem:v16+s20+$0x0], $0xffff  }
0xf4: {  	v36 =	vld.idx.msk [tilespmem:v11+s20+$0x0], $0xffff  }
0xf5: {  	v31 =	vadd.f32 $0.0e+00, v31;
	v37 =	vld.idx.msk [tilespmem:v22+s18+$0x0], $0xffff  }
0xf6: {  	v32 =	vadd.f32 $0.0e+00, v32;
	v38 =	vld [tilespmem:s0+$0x0]  }
0xf7: {  	v27 =	vadd.f32 v27, v31;
	v31 =	vld.idx.msk [tilespmem:v12+s20+$0x0], $0xffff  }
0xf8: {  	v30 =	vadd.f32 v30, v32;
	v32 =	vld.idx.msk [tilespmem:v21+s20+$0x0], $0xffff  }
0xf9: {  	v27 =	vadd.f32 v29, v27;
	v29 =	vld.idx.msk [tilespmem:v23+s18+$0x0], $0xffff  }
0xfa: {  	v39 =	vld.idx.msk [tilespmem:v14+s2+$0x0], $0xffff;
	v14 =	vadd.f32 v35, v30  }
0xfb: {  	v27 =	vadd.f32 v28, v27;
	v17 =	vld.idx.msk [tilespmem:v17+s2+$0x0], $0xffff  }
0xfc: {  	v25 =	vadd.f32 v25, v14;
	v28 =	vld.idx.msk [tilespmem:v10+s20+$0x0], $0xffff  }
0xfd: {  	v27 =	vadd.f32 v33, v27;
	v19 =	vld.idx.msk [tilespmem:v19+s2+$0x0], $0xffff  }
0xfe: {  	v14 =	vld.idx.msk [tilespmem:v38+s21+$0x0], $0xffff;
	v25 =	vadd.f32 v32, v25  }
0xff: {  	v27 =	vadd.f32 v34, v27;
	v26 =	vld.idx.msk [tilespmem:v26+s2+$0x0], $0xffff  }
0x100: {  	v20 =	vld.idx.msk [tilespmem:v20+s2+$0x0], $0xffff;
	v25 =	vadd.f32 v36, v25  }
0x101: {  	v27 =	vadd.f32 v37, v27;
	v30 =	vld.idx.msk [tilespmem:v38+s22+$0x0], $0xffff  }
0x102: {  	v25 =	vadd.f32 v31, v25  }
0x103: {  	v27 =	vadd.f32 v29, v27  }
0x104: {  	v17 =	vadd.f32 v17, v14;
	v25 =	vadd.f32 v28, v25  }
0x105: {  	v19 =	vadd.f32 v19, v14;
	v26 =	vadd.f32 v26, v14;
	v27 =	vmul.f32 $1.250000000e-01, v27  }
0x106: {  	v28 =	vadd.f32 v39, v14;
	v20 =	vadd.f32 v20, v14;
	v25 =	vmul.f32 $1.250000000e-01, v25  }
0x107: {  	v29 =	vmul.f32 $2.000000030e-01, v19;
	v31 =	vmul.f32 $2.000000030e-01, v26;
	v27 =	vadd.f32 v27, v30  }
0x108: {  	vm2 =	vge.f32 v19, $0.0e+00;
	vm3 =	vge.f32 v26, $0.0e+00;
	v25 =	vadd.f32 v25, v30  }
0x109: {  	v19 =	vsel vm2, v19, v29;
	v26 =	vsel vm3, v26, v31;
	v29 =	vmul.f32 $2.000000030e-01, v27  }
0x10a: {  	vm2 =	vge.f32 v20, $0.0e+00;
	v26 =	vmul.f32 $1.442695020e+00, v26;
	v30 =	vmul.f32 $2.000000030e-01, v25  }
0x10b: {  	v31 =	vmul.f32 $2.000000030e-01, v20;
	vm3 =	vge.f32 v27, $0.0e+00;
	vm4 =	vge.f32 v25, $0.0e+00;
	v24 =	vld.idx.msk [tilespmem:v24+s2+$0x0], $0xffff  }
0x10c: {  	v32 =	vmul.f32 $2.000000030e-01, v17;
	v27 =	vsel vm3, v27, v29;
	v22 =	vld.idx.msk [tilespmem:v22+s2+$0x0], $0xffff;
	v25 =	vsel vm4, v25, v30  }
0x10d: {  	vm3 =	vge.f32 v17, $0.0e+00;
	v20 =	vsel vm2, v20, v31;
	v23 =	vld.idx.msk [tilespmem:v23+s2+$0x0], $0xffff;
	v29 =	vmax.f32 v27, v25  }
0x10e: {  	v20 =	vmul.f32 $1.442695020e+00, v20;
	v18 =	vld.idx.msk [tilespmem:v18+s19+$0x0], $0xffff;
	v27 =	vsub.f32 v27, v29;
	v25 =	vsub.f32 v25, v29  }
0x10f: {  	v19 =	vmul.f32 $1.442695020e+00, v19;
	v17 =	vsel vm3, v17, v32;
	v29 =	vmul.f32 $2.000000030e-01, v28  }
0x110: {  	vm2 =	vge.f32 v28, $0.0e+00;
	v13 =	vld.idx.msk [tilespmem:v13+s19+$0x0], $0xffff;
	v27 =	vmul.f32 $1.442695020e+00, v27;
	v25 =	vmul.f32 $1.442695020e+00, v25  }
0x111: {  	v17 =	vmul.f32 $1.442695020e+00, v17;
	v28 =	vsel vm2, v28, v29;
	v24 =	vadd.f32 v24, v14;
	v21 =	vld.idx.msk [tilespmem:v21+s19+$0x0], $0xffff  }
0x112: {  	v28 =	vmul.f32 $1.442695020e+00, v28;
	v22 =	vadd.f32 v22, v14;
	v15 =	vld.idx.msk [tilespmem:v15+s19+$0x0], $0xffff;
	(erf) = vpow2.f32 v27  }
0x113: {  	v27 =	vmul.f32 $2.000000030e-01, v24;
	v23 =	vadd.f32 v23, v14;
	v16 =	vld.idx.msk [tilespmem:v16+s19+$0x0], $0xffff;
	(erf) = vpow2.f32 v25  }
0x114: {  	vm2 =	vge.f32 v24, $0.0e+00;
	v25 =	vmul.f32 $2.000000030e-01, v22;
	v18 =	vadd.f32 v18, v14  }
0x115: {  	v24 =	vsel vm2, v24, v27;
	vm2 =	vge.f32 v22, $0.0e+00;
	vm3 =	vge.f32 v23, $0.0e+00  }
0x116: {  	v24 =	vmul.f32 $1.442695020e+00, v24;
	v22 =	vsel vm2, v22, v25;
	v25 =	vmul.f32 $2.000000030e-01, v18  }
0x117: {  	v27 =	vmul.f32 $2.000000030e-01, v23;
	v22 =	vmul.f32 $1.442695020e+00, v22;
	v21 =	vadd.f32 v21, v14  }
0x118: {  	vm2 =	vge.f32 v18, $0.0e+00;
	v15 =	vadd.f32 v15, v14;
	(erf) = vpow2.f32 v17  }
0x119: {  	v13 =	vadd.f32 v13, v14;
	v17 =	vsel vm2, v18, v25;
	v16 =	vadd.f32 v16, v14;
	v11 =	vld.idx.msk [tilespmem:v11+s19+$0x0], $0xffff  }
0x11a: {  	v18 =	vsel vm3, v23, v27;
	v17 =	vmul.f32 $1.442695020e+00, v17;
	v0 =	vmul.f32 $2.000000030e-01, v15;
	v12 =	vld.idx.msk [tilespmem:v12+s19+$0x0], $0xffff  }
0x11b: {  	v27 =	vmul.f32 $2.000000030e-01, v13;
	vm2 =	vge.f32 v15, $0.0e+00;
	v25 =	vmul.f32 $2.000000030e-01, v16;
	v10 =	vld.idx.msk [tilespmem:v10+s19+$0x0], $0xffff;
	v29 =	vpop (erf)  }
0x11c: {  	vm3 =	vge.f32 v13, $0.0e+00;
	v15 =	vsel vm2, v15, v0;
	vm2 =	vge.f32 v16, $0.0e+00;
	v23 =	vpop (erf)  }
0x11d: {  	v15 =	vmul.f32 $1.442695020e+00, v15;
	v16 =	vsel vm2, v16, v25;
	v25 =	vadd.f32 v23, v29  }
0x11e: {  	v13 =	vsel vm3, v13, v27;
	v16 =	vmul.f32 $1.442695020e+00, v16;
	(erf) = vpow2.f32 v19  }
0x11f: {  	v13 =	vmul.f32 $1.442695020e+00, v13;
	v11 =	vadd.f32 v11, v14;
	(erf) = vrcp.f32 v25  }
0x120: {  	v18 =	vmul.f32 $1.442695020e+00, v18;
	v12 =	vadd.f32 v12, v14;
	(erf) = vpow2.f32 v15  }
0x121: {  	v15 =	vmul.f32 $2.000000030e-01, v21;
	v10 =	vadd.f32 v10, v14;
	v14 =	vpop (erf);
	(erf) = vpow2.f32 v13  }
0x122: {  	vm2 =	vge.f32 v21, $0.0e+00;
	v13 =	vmul.f32 $2.000000030e-01, v11;
	(erf) = vpow2.f32 v26  }
0x123: {  	v15 =	vsel vm2, v21, v15;
	vm2 =	vge.f32 v11, $0.0e+00;
	(erf) = vpow2.f32 v20  }
0x124: {  	v15 =	vmul.f32 $1.442695020e+00, v15;
	v11 =	vsel vm2, v11, v13;
	(erf) = vpow2.f32 v28  }
0x125: {  	v11 =	vmul.f32 $1.442695020e+00, v11;
	(erf) = vpow2.f32 v24  }
0x126: {  	v0 =	vmul.f32 $2.000000030e-01, v12;
	(erf) = vpow2.f32 v22  }
0x127: {  	v19 =	vmul.f32 $2.000000030e-01, v10;
	vm2 =	vge.f32 v12, $0.0e+00;
	v20 =	vpop (erf);
	(erf) = vpow2.f32 v18  }
0x128: {  	v12 =	vsel vm2, v12, v0;
	vm2 =	vge.f32 v10, $0.0e+00;
	(erf) = vpow2.f32 v17;
	v13 =	vpop (erf)  }
0x129: {  	v12 =	vmul.f32 $1.442695020e+00, v12;
	v10 =	vsel vm2, v10, v19;
	v17 =	vmul.f32 v13, v29;
	v18 =	vpop (erf)  }
0x12a: {  	v10 =	vmul.f32 $1.442695020e+00, v10;
	(erf) = vpow2.f32 v16;
	v16 =	vpop (erf)  }
0x12b: {  	v19 =	vmul.f32 v17, v20;
	v14 =	vmul.f32 v17, v14;
	v20 =	vpop (erf)  }
0x12c: {  	v20 =	vmul.f32 v17, v20;
	v21 =	vpop (erf);
	(erf) = vpow2.f32 v15  }
0x12d: {  	v15 =	vmul.f32 v17, v21;
	v21 =	vmax.f32 v19, v14;
	v22 =	vpop (erf);
	(erf) = vpow2.f32 v11  }
0x12e: {  	v11 =	vmul.f32 v17, v22;
	v21 =	vmax.f32 v21, v20;
	v22 =	vpop (erf);
	(erf) = vpow2.f32 v12  }
0x12f: {  	v12 =	vmul.f32 v17, v22;
	v21 =	vmax.f32 v21, v15;
	v22 =	vpop (erf);
	(erf) = vpow2.f32 v10  }
0x130: {  	v10 =	vmul.f32 v13, v23;
	v13 =	vmul.f32 v17, v22;
	v21 =	vmax.f32 v21, v11;
	v22 =	vpop (erf)  }
0x131: {  	v17 =	vmul.f32 v17, v22;
	v21 =	vmax.f32 v21, v12;
	v22 =	vpop (erf)  }
0x132: {  	v22 =	vmul.f32 v10, v22;
	v21 =	vmax.f32 v21, v13  }
0x133: {  	v18 =	vmul.f32 v10, v18;
	v21 =	vmax.f32 v21, v17;
	v23 =	vpop (erf)  }
0x134: {  	v23 =	vmul.f32 v10, v23;
	v21 =	vmax.f32 v21, v22  }
0x135: {  	v16 =	vmul.f32 v10, v16;
	v21 =	vmax.f32 v21, v18;
	v24 =	vpop (erf)  }
0x136: {  	v24 =	vmul.f32 v10, v24;
	v21 =	vmax.f32 v21, v23;
	v25 =	vpop (erf)  }
0x137: {  	v25 =	vmul.f32 v10, v25;
	v21 =	vmax.f32 v21, v16;
	v26 =	vpop (erf)  }
0x138: {  	v26 =	vmul.f32 v10, v26;
	v21 =	vmax.f32 v21, v24;
	v27 =	vpop (erf)  }
0x139: {  	v10 =	vmul.f32 v10, v27;
	v21 =	vmax.f32 v21, v25  }
0x13a: {  	v21 =	vmax.f32 v21, v26  }
0x13b: {  	v21 =	vmax.f32 v21, v10  }
0x13c: {  	v19 =	vsub.f32 v19, v21;
	v14 =	vsub.f32 v14, v21  }
0x13d: {  	v20 =	vsub.f32 v20, v21;
	v15 =	vsub.f32 v15, v21  }
0x13e: {  	v11 =	vsub.f32 v11, v21;
	v19 =	vmul.f32 $1.442695020e+00, v19;
	v14 =	vmul.f32 $1.442695020e+00, v14  }
0x13f: {  	v12 =	vsub.f32 v12, v21;
	v20 =	vmul.f32 $1.442695020e+00, v20;
	v15 =	vmul.f32 $1.442695020e+00, v15  }
0x140: {  	v13 =	vsub.f32 v13, v21;
	v11 =	vmul.f32 $1.442695020e+00, v11;
	(erf) = vpow2.f32 v19  }
0x141: {  	v17 =	vsub.f32 v17, v21;
	v12 =	vmul.f32 $1.442695020e+00, v12;
	(erf) = vpow2.f32 v14  }
0x142: {  	v18 =	vsub.f32 v18, v21;
	v13 =	vmul.f32 $1.442695020e+00, v13;
	v14 =	vsub.f32 v22, v21  }
0x143: {  	v17 =	vmul.f32 $1.442695020e+00, v17;
	v19 =	vsub.f32 v23, v21;
	(erf) = vpow2.f32 v20  }
0x144: {  	v16 =	vsub.f32 v16, v21;
	v18 =	vmul.f32 $1.442695020e+00, v18;
	v14 =	vmul.f32 $1.442695020e+00, v14  }
0x145: {  	v19 =	vmul.f32 $1.442695020e+00, v19;
	v20 =	vsub.f32 v24, v21;
	(erf) = vpow2.f32 v15  }
0x146: {  	v16 =	vmul.f32 $1.442695020e+00, v16;
	v22 =	vsub.f32 v26, v21;
	v15 =	vsub.f32 v25, v21  }
0x147: {  	v10 =	vsub.f32 v10, v21;
	v23 =	vmul.f32 $1.442695020e+00, v20;
	(erf) = vpow2.f32 v11  }
0x148: {  	v22 =	vmul.f32 $1.442695020e+00, v22;
	v11 =	vmul.f32 $1.442695020e+00, v15  }
0x149: {  	v24 =	vmul.f32 $1.442695020e+00, v10;
	v26 =	vpop (erf);
	(erf) = vpow2.f32 v12  }
0x14a: {  	v29 =	vpop (erf)  }
0x14b: {  	v0 =	vadd.f32 v29, v26;
	(erf) = vpow2.f32 v13  }
0x14c: {  	v10 =	vpop (erf)  }
0x14d: {  	v13 =	vadd.f32 v0, v10;
	(erf) = vpow2.f32 v17  }
0x14e: {  	v12 =	vpop (erf)  }
0x14f: {  	v13 =	vadd.f32 v13, v12;
	(erf) = vpow2.f32 v14  }
0x150: {  	v14 =	vpop (erf)  }
0x151: {  	v13 =	vadd.f32 v13, v14;
	(erf) = vpow2.f32 v18  }
0x152: {  	v15 =	vpop (erf)  }
0x153: {  	v13 =	vadd.f32 v13, v15;
	(erf) = vpow2.f32 v19  }
0x154: {  	v18 =	vpop (erf)  }
0x155: {  	v13 =	vadd.f32 v13, v18;
	(erf) = vpow2.f32 v16  }
0x156: {  	v20 =	vpop (erf)  }
0x157: {  	v13 =	vadd.f32 v13, v20;
	(erf) = vpow2.f32 v23  }
0x158: {  	v21 =	vpop (erf)  }
0x159: {  	v13 =	vadd.f32 v13, v21;
	(erf) = vpow2.f32 v11  }
0x15a: {  	v19 =	vpop (erf)  }
0x15b: {  	v11 =	vadd.f32 v13, v19;
	(erf) = vpow2.f32 v22  }
0x15c: {  	v16 =	vpop (erf)  }
0x15d: {  	v0 =	vadd.f32 v11, v16;
	(erf) = vpow2.f32 v24  }
0x15e: {  	v13 =	vpop (erf)  }
0x15f: {  	v0 =	vadd.f32 v0, v13  }
0x160: {  	v11 =	vpop (erf)  }
0x161: {  	v22 =	vadd.f32 v0, v11  }
0x162: {  	v17 =	vpop (erf)  }
0x163: {  	v22 =	vadd.f32 v22, v17  }
0x164: {  	v23 =	vpop (erf)  }
0x165: {  	v22 =	vadd.f32 v22, v23  }
0x166: {  	v24 =	vpop (erf)  }
0x167: {  	v22 =	vadd.f32 v22, v24;
	_ =	sdelay $0x1  }
0x168: {  	(erf) = vrcp.f32 v22;
	_ =	sdelay $0x5  }
.Ltmp0:
0x169: {  	s6 =	sadd.s32 $0xFFFFFFF1, s1;
	(pc) =	sbr.rel @p0 .LBB2_2-.Ltmp0, $4  }
0x16a: {  	v28 =	vor.u32 s6, v9;
	s6 =	sadd.s32 $0xFFFFFFF2, s1  }
0x16b: {  	v27 =	vor.u32 s6, v9;
	s6 =	sadd.s32 $0xFFFFFFF3, s1  }
0x16c: {  	v25 =	vor.u32 s6, v9;
	s6 =	sadd.s32 $0xFFFFFFF4, s1;
	v22 =	vpop (erf)  }
0x16d: {  	v30 =	vmul.f32 v22, v26;
	v29 =	vmul.f32 v22, v29;
	v26 =	vor.u32 s6, v9;
	s6 =	sadd.s32 $0xFFFFFFF5, s1  }
0x16e: {  	_ =	sdelay $0x2  }
0x16f: {  	v31 =	vor.u32 s6, v9;
	s0 =	sadd.s32 $0xFFFFFFF6, s1  }
0x170: {  	v10 =	vmul.f32 v22, v10;
	s13 =	sadd.s32 $0xFFFFFFF7, s1;
	[tilespmem:v28+s25+$0x0] =	vst.idx.msk $0xffff, v30;
	v41 =	vor.u32 s0, v9  }
0x171: {  	v12 =	vmul.f32 v22, v12;
	s14 =	sadd.s32 $0xFFFFFFF8, s1;
	v42 =	vor.u32 s13, v9;
	[tilespmem:v27+s25+$0x0] =	vst.idx.msk $0xffff, v29  }
0x172: {  	s16 =	sadd.s32 $0xFFFFFFF9, s1;
	v43 =	vor.u32 s14, v9;
	[tilespmem:v25+s25+$0x0] =	vst.idx.msk $0xffff, v10;
	v10 =	vmul.f32 v22, v14  }
0x173: {  	v44 =	vmul.f32 v22, v15;
	s17 =	sadd.s32 $0xFFFFFFFA, s1;
	v45 =	vor.u32 s16, v9;
	[tilespmem:v26+s25+$0x0] =	vst.idx.msk $0xffff, v12  }
0x174: {  	s26 =	sadd.s32 $0xFFFFFFFB, s1;
	v46 =	vor.u32 s17, v9;
	[tilespmem:v31+s25+$0x0] =	vst.idx.msk $0xffff, v10;
	v10 =	vmul.f32 v22, v18  }
0x175: {  	v47 =	vmul.f32 v22, v20;
	s30 =	sadd.s32 $0xFFFFFFFC, s1;
	v48 =	vor.u32 s26, v9;
	[tilespmem:v41+s25+$0x0] =	vst.idx.msk $0xffff, v44  }
0x176: {  	s31 =	sadd.s32 $0xFFFFFFFD, s1;
	v49 =	vor.u32 s30, v9;
	[tilespmem:v42+s25+$0x0] =	vst.idx.msk $0xffff, v10;
	v10 =	vmul.f32 v22, v21  }
0x177: {  	v50 =	vmul.f32 v22, v19;
	s5 =	sadd.s32 $0xFFFFFFFE, s1;
	v51 =	vor.u32 s31, v9;
	[tilespmem:v43+s25+$0x0] =	vst.idx.msk $0xffff, v47  }
0x178: {  	s6 =	sadd.s32 $0xFFFFFFFF, s1;
	v52 =	vor.u32 s5, v9;
	[tilespmem:v45+s25+$0x0] =	vst.idx.msk $0xffff, v10;
	v10 =	vmul.f32 v22, v16  }
0x179: {  	v53 =	vmul.f32 v22, v13;
	v54 =	vor.u32 s6, v9;
	[tilespmem:v46+s25+$0x0] =	vst.idx.msk $0xffff, v50  }
0x17a: {  	[tilespmem:v48+s25+$0x0] =	vst.idx.msk $0xffff, v10;
	v10 =	vmul.f32 v22, v11;
	v11 =	vor.u32 s1, v9  }
0x17b: {  	v55 =	vmul.f32 v22, v17;
	[tilespmem:v49+s25+$0x0] =	vst.idx.msk $0xffff, v53  }
0x17c: {  	v56 =	vmul.f32 v22, v23;
	[tilespmem:v51+s25+$0x0] =	vst.idx.msk $0xffff, v10  }
0x17d: {  	v10 =	vmul.f32 v22, v24;
	[tilespmem:v52+s25+$0x0] =	vst.idx.msk $0xffff, v55  }
0x17e: {  	[tilespmem:v54+s25+$0x0] =	vst.idx.msk $0xffff, v56  }
0x17f: {  	[tilespmem:v11+s25+$0x0] =	vst.idx.msk $0xffff, v10  }
0x180: {  	v10 =	vld [tilespmem:$0x10100];
	_ =	sdelay $0x4  }
0x181: {  	v11 =	vshll.u32 v10, $0x2  }
0x182: {  	v0 =	vlaneseq.u32;
	v10 =	vand.u32 $0x7, v10;
	v11 =	vand.u32 $0xFFFFFFE0, v11  }
0x183: {  	v1 =	vand.u32 $0x7, v0;
	v57 =	vor.u32 v10, v11;
	v11 =	vshrl.u32 v0, $0x3  }
0x184: {  	v58 =	vperm.xlane v57, v1;
	v2 =	vmul.u32 $0x8, v11;
	_ =	sdelay $0x1  }
0x185: {  	v59 =	vadd.s32 v2, v58  }
0x186: {  	v0 =	vor.u32 $0x8, v0  }
0x187: {  	v13 =	vperm.xlane v57, v0;
	_ =	sdelay $0x1  }
0x188: {  	s7 =	simm.s32 $0x19680;
	s1 =	simm.s32 $0x0;
	v13 =	vadd.s32 v2, v13  }
0x189: {  	[tilespmem:s7], [sflag:$0x3] =	stream.indirect_vreg.gather [hbm4b:s3+s1], $0x80, v59, vm0, $0xb8;
	[tilespmem:$0x1E680] =	vst v63  }
0x18a: {  	s8 =	simm.s32 $0x19E80  }
0x18b: {  	[tilespmem:s8], [sflag:$0x3] =	stream.indirect_vreg.gather [hbm4b:s15+s1], $0x80, v59, vm0, $0xb8;
	[tilespmem:$0x1E680] =	vst v63  }
0x18c: {  	s9 =	simm.s32 $0x1A680  }
0x18d: {  	[tilespmem:s9], [sflag:$0x3] =	stream.indirect_vreg.gather [hbm4b:s3+s1], $0x80, v13, vm0, $0xb8;
	[tilespmem:$0x1E680] =	vst v63  }
0x18e: {  	s10 =	simm.s32 $0x1AE80;
	s12 =	simm.s32 $0x3  }
0x18f: {  	[tilespmem:s10], [sflag:$0x3] =	stream.indirect_vreg.gather [hbm4b:s15+s1], $0x80, v13, vm0, $0xb8;
	[tilespmem:$0x1E680] =	vst v63  }
0x190: {  	_ =	swait.ge [sflag:s12], $0x2000  }
0x191: {  	[sflag:s12] =	ssyncset.done $0x0  }
0x192: {  	[sflag:s12] =	ssyncadd.s32 $0xFFFFE000  }
0x193: {  	v60 =	vld.idx.msk [tilespmem:v1+s24+$0x0], $0xffff  }
0x194: {  	v61 =	vld.idx.msk [tilespmem:v1+s23+$0x0], $0xffff;
	_ =	sdelay $0x3  }
0x195: {  	v13 =	vadd.s32 $0x2710, v60  }
0x196: {  	v13 =	vsel vm1, v61, v13  }
0x197: {  	v14 =	vshll.u32 v13, $0x2  }
0x198: {  	v13 =	vand.u32 $0x7, v13;
	v14 =	vand.u32 $0xFFFFFFE0, v14  }
0x199: {  	v13 =	vor.u32 v13, v14  }
0x19a: {  	v14 =	vperm.xlane v13, v1;
	_ =	sdelay $0x1  }
0x19b: {  	v14 =	vadd.s32 v2, v14;
	_ =	sdelay $0x1  }
0x19c: {  	v13 =	vperm.xlane v13, v0;
	_ =	sdelay $0x1  }
0x19d: {  	s5 =	simm.s32 $0x11680;
	v13 =	vadd.s32 v2, v13  }
0x19e: {  	[tilespmem:s5], [sflag:$0x1] =	stream.indirect_vreg.gather [hbm4b:s3+s1], $0x80, v14, vm0, $0xb8;
	[tilespmem:$0x1E680] =	vst v63  }
0x19f: {  	s13 =	simm.s32 $0x11E80  }
0x1a0: {  	[tilespmem:s13], [sflag:$0x1] =	stream.indirect_vreg.gather [hbm4b:s15+s1], $0x80, v14, vm0, $0xb8;
	[tilespmem:$0x1E680] =	vst v63  }
0x1a1: {  	s14 =	simm.s32 $0x12680  }
0x1a2: {  	[tilespmem:s14], [sflag:$0x1] =	stream.indirect_vreg.gather [hbm4b:s3+s1], $0x80, v13, vm0, $0xb8;
	[tilespmem:$0x1E680] =	vst v63  }
0x1a3: {  	s16 =	simm.s32 $0x12E80  }
0x1a4: {  	[tilespmem:s16], [sflag:$0x1] =	stream.indirect_vreg.gather [hbm4b:s15+s1], $0x80, v13, vm0, $0xb8;
	[tilespmem:$0x1E680] =	vst v63  }
0x1a5: {  	_ =	swait.ge [sflag:s29], $0x2000  }
0x1a6: {  	[sflag:s29] =	ssyncset.done $0x0  }
0x1a7: {  	[sflag:s29] =	ssyncadd.s32 $0xFFFFE000  }
0x1a8: {  	v62 =	vld.idx.msk [tilespmem:v0+s24+$0x0], $0xffff  }
0x1a9: {  	v63 =	vld.idx.msk [tilespmem:v0+s23+$0x0], $0xffff;
	_ =	sdelay $0x3  }
0x1aa: {  	v13 =	vadd.s32 $0x2710, v62  }
0x1ab: {  	v13 =	vsel vm1, v63, v13  }
0x1ac: {  	v14 =	vshll.u32 v13, $0x2  }
0x1ad: {  	v13 =	vand.u32 $0x7, v13;
	v14 =	vand.u32 $0xFFFFFFE0, v14  }
0x1ae: {  	v13 =	vor.u32 v13, v14  }
0x1af: {  	v14 =	vperm.xlane v13, v1;
	_ =	sdelay $0x1  }
0x1b0: {  	v14 =	vadd.s32 v2, v14;
	_ =	sdelay $0x1  }
0x1b1: {  	v13 =	vperm.xlane v13, v0;
	_ =	sdelay $0x1  }
0x1b2: {  	s17 =	simm.s32 $0x13680;
	v13 =	vadd.s32 v2, v13  }
0x1b3: {  	[tilespmem:s17], [sflag:$0x3] =	stream.indirect_vreg.gather [hbm4b:s3+s1], $0x80, v14, vm0, $0xb8;
	[tilespmem:$0x1E680] =	vst v63  }
0x1b4: {  	s26 =	simm.s32 $0x13E80;
	[tilespmem:$0x1FF50] =	vst v1  }
0x1b5: {  	[tilespmem:s26], [sflag:$0x3] =	stream.indirect_vreg.gather [hbm4b:s15+s1], $0x80, v14, vm0, $0xb8;
	[tilespmem:$0x1E680] =	vst v63  }
0x1b6: {  	s30 =	simm.s32 $0x14680;
	[tilespmem:$0x1FF60] =	vst v0  }
0x1b7: {  	[tilespmem:s30], [sflag:$0x3] =	stream.indirect_vreg.gather [hbm4b:s3+s1], $0x80, v13, vm0, $0xb8;
	[tilespmem:$0x1E680] =	vst v63  }
0x1b8: {  	s31 =	simm.s32 $0x14E80;
	[tilespmem:$0x1FF70] =	vst v2  }
0x1b9: {  	[tilespmem:s31], [sflag:$0x3] =	stream.indirect_vreg.gather [hbm4b:s15+s1], $0x80, v13, vm0, $0xb8;
	[tilespmem:$0x1E680] =	vst v63  }
0x1ba: {  	_ =	swait.ge [sflag:s12], $0x2000  }
0x1bb: {  	s0 =	simm.s32 $0x0;
	[sflag:s12] =	ssyncset.done $0x0  }
0x1bc: {  	s5 =	simm.s32 $0x0;
	s26 =	simm.s32 $0x0;
	[sflag:s12] =	ssyncadd.s32 $0xFFFFE000  }
.LBB2_4:
0x1bd: {  	v0 =	vld [tilespmem:$0x1FF50]  }
0x1be: {  	s6 =	sshll.u32 s5, $0x1  }
0x1bf: {  	s7 =	smin.u32 s6, $0x13D  }
0x1c0: {  	s7 =	sadd.s32 $0x2, s7  }
0x1c1: {  	s8 =	sshll.u32 s7, $0x3  }
0x1c2: {  	v13 =	vor.u32 s8, v0;
	_ =	sdelay $0x4  }
0x1c3: {  	v14 =	vld.idx.msk [tilespmem:v13+s24+$0x0], $0xffff  }
0x1c4: {  	v13 =	vld.idx.msk [tilespmem:v13+s23+$0x0], $0xffff;
	_ =	sdelay $0x3  }
0x1c5: {  	v14 =	vadd.s32 $0x2710, v14  }
0x1c6: {  	v13 =	vsel vm1, v13, v14  }
0x1c7: {  	v1 =	vld [tilespmem:$0x1FF70];
	v14 =	vshll.u32 v13, $0x2  }
0x1c8: {  	v13 =	vand.u32 $0x7, v13;
	v14 =	vand.u32 $0xFFFFFFE0, v14  }
0x1c9: {  	v2 =	vld [tilespmem:$0x1FF60];
	v13 =	vor.u32 v13, v14  }
0x1ca: {  	v14 =	vperm.xlane v13, v0;
	_ =	sdelay $0x1  }
0x1cb: {  	v14 =	vadd.s32 v1, v14;
	_ =	sdelay $0x1  }
0x1cc: {  	s7 =	sshll.u32 s7, $0xD;
	v13 =	vperm.xlane v13, v2  }
0x1cd: {  	s16 =	smin.u32 s6, $0x13C;
	s7 =	sand.u32 $0x6000, s7  }
0x1ce: {  	s14 =	sor.u32 $0x11680, s7;
	s8 =	sadd.s32 $0x3, s16;
	v13 =	vadd.s32 v1, v13  }
0x1cf: {  	[tilespmem:s14], [sflag:$0x1] =	stream.indirect_vreg.gather [hbm4b:s3+s2], $0x80, v14, vm0, $0xb8;
	[tilespmem:$0x1E680] =	vst v63  }
0x1d0: {  	s9 =	sor.u32 $0x11E80, s7;
	s10 =	sshll.u32 s8, $0x3  }
0x1d1: {  	[tilespmem:s9], [sflag:$0x1] =	stream.indirect_vreg.gather [hbm4b:s15+s2], $0x80, v14, vm0, $0xb8;
	v14 =	vor.u32 s10, v0;
	[tilespmem:$0x1E680] =	vst v63  }
0x1d2: {  	s17 =	sadd.s32 $0x12680, s7  }
0x1d3: {  	[tilespmem:s17], [sflag:$0x1] =	stream.indirect_vreg.gather [hbm4b:s3+s2], $0x80, v13, vm0, $0xb8;
	[tilespmem:$0x1E680] =	vst v63  }
0x1d4: {  	s7 =	sadd.s32 $0x12E80, s7  }
0x1d5: {  	[tilespmem:s7], [sflag:$0x1] =	stream.indirect_vreg.gather [hbm4b:s15+s2], $0x80, v13, vm0, $0xb8;
	[tilespmem:$0x1E680] =	vst v63  }
0x1d6: {  	v13 =	vld.idx.msk [tilespmem:v14+s24+$0x0], $0xffff  }
0x1d7: {  	v14 =	vld.idx.msk [tilespmem:v14+s23+$0x0], $0xffff;
	_ =	sdelay $0x3  }
0x1d8: {  	v13 =	vadd.s32 $0x2710, v13  }
0x1d9: {  	v13 =	vsel vm1, v14, v13  }
0x1da: {  	v14 =	vshll.u32 v13, $0x2  }
0x1db: {  	v13 =	vand.u32 $0x7, v13;
	v14 =	vand.u32 $0xFFFFFFE0, v14  }
0x1dc: {  	v13 =	vor.u32 v13, v14  }
0x1dd: {  	v14 =	vperm.xlane v13, v0;
	_ =	sdelay $0x1  }
0x1de: {  	v14 =	vadd.s32 v1, v14;
	_ =	sdelay $0x1  }
0x1df: {  	s8 =	sshll.u32 s8, $0xD;
	v13 =	vperm.xlane v13, v2  }
0x1e0: {  	s7 =	sand.u32 $0x6000, s8  }
0x1e1: {  	s9 =	sor.u32 $0x11680, s7;
	v13 =	vadd.s32 v1, v13  }
0x1e2: {  	[tilespmem:s9], [sflag:$0x2] =	stream.indirect_vreg.gather [hbm4b:s3+s2], $0x80, v14, vm0, $0xb8;
	[tilespmem:$0x1E680] =	vst v63  }
0x1e3: {  	s10 =	sor.u32 $0x11E80, s7  }
0x1e4: {  	[tilespmem:s10], [sflag:$0x2] =	stream.indirect_vreg.gather [hbm4b:s15+s2], $0x80, v14, vm0, $0xb8;
	[tilespmem:$0x1E680] =	vst v63  }
0x1e5: {  	s13 =	sand.u32 $0x7, s5;
	s12 =	sadd.s32 $0x12680, s7  }
0x1e6: {  	[tilespmem:s12], [sflag:$0x2] =	stream.indirect_vreg.gather [hbm4b:s3+s2], $0x80, v13, vm0, $0xb8;
	[tilespmem:$0x1E680] =	vst v63  }
0x1e7: {  	p0 =	sne.s32 s13, $0x0;
	s8 =	sshrl.u32 s5, $0x3;
	s7 =	sadd.s32 $0x12E80, s7  }
0x1e8: {  	[tilespmem:s7], [sflag:$0x2] =	stream.indirect_vreg.gather [hbm4b:s15+s2], $0x80, v13, vm0, $0xb8;
	[tilespmem:$0x1E680] =	vst v63  }
0x1e9: {  	s7 =	smin.u32 @!p0 s8, $0x12  }
0x1ea: {  	s7 =	sadd.s32 @!p0 $0x1, s7  }
0x1eb: {  	s9 =	sshll.u32 @!p0 s7, $0x4  }
0x1ec: {  	v13 =	vld @!p0 [tilespmem:s9+$0x10100];
	_ =	sdelay $0x4  }
0x1ed: {  	v14 =	vshll.u32 @!p0 v13, $0x2  }
0x1ee: {  	v15 =	vlaneseq.u32 @!p0;
	v13 =	vand.u32 @!p0 $0x7, v13;
	v14 =	vand.u32 @!p0 $0xFFFFFFE0, v14  }
0x1ef: {  	v16 =	vshrl.u32 @!p0 v15, $0x3;
	v13 =	vor.u32 @!p0 v13, v14;
	v14 =	vand.u32 @!p0 $0x7, v15  }
0x1f0: {  	v16 =	vmul.u32 @!p0 $0x8, v16;
	v14 =	vperm.xlane @!p0 v13, v14;
	_ =	sdelay $0x1  }
0x1f1: {  	v14 =	vadd.s32 @!p0 v16, v14  }
0x1f2: {  	v15 =	vor.u32 @!p0 $0x8, v15  }
0x1f3: {  	s7 =	sshll.u32 @!p0 s7, $0xD;
	v13 =	vperm.xlane @!p0 v13, v15  }
0x1f4: {  	s7 =	sand.u32 @!p0 $0x2000, s7  }
0x1f5: {  	vm2 =	vmmov @!p0 $0xffff;
	s10 =	simm.s32 @!p0 $0x0;
	s9 =	sor.u32 @!p0 $0x19680, s7;
	v13 =	vadd.s32 @!p0 v16, v13  }
0x1f6: {  	[tilespmem:s9], [sflag:$0x3] =	stream.indirect_vreg.gather @!p0 [hbm4b:s3+s10], $0x80, v14, vm2, $0xb8;
	[tilespmem:$0x1E680] =	vst v63  }
0x1f7: {  	s9 =	sor.u32 @!p0 $0x19E80, s7  }
0x1f8: {  	[tilespmem:s9], [sflag:$0x3] =	stream.indirect_vreg.gather @!p0 [hbm4b:s15+s10], $0x80, v14, vm2, $0xb8;
	[tilespmem:$0x1E680] =	vst v63  }
0x1f9: {  	s9 =	sadd.s32 @!p0 $0x1A680, s7  }
0x1fa: {  	[tilespmem:s9], [sflag:$0x3] =	stream.indirect_vreg.gather @!p0 [hbm4b:s3+s10], $0x80, v13, vm2, $0xb8;
	[tilespmem:$0x1E680] =	vst v63  }
0x1fb: {  	s7 =	sadd.s32 @!p0 $0x1AE80, s7  }
0x1fc: {  	[tilespmem:s7], [sflag:$0x3] =	stream.indirect_vreg.gather @!p0 [hbm4b:s15+s10], $0x80, v13, vm2, $0xb8;
	[tilespmem:$0x1E680] =	vst v63  }
0x1fd: {  	s16 =	sshll.u32 s5, $0x5;
	s8 =	sshll.u32 s8, $0x4;
	s7 =	simm.s32 @!p0 $0x3  }
0x1fe: {  	s14 =	ssub.s32 s6, s8;
	s8 =	sand.u32 $0x10, s8;
	_ =	swait.ge @!p0 [sflag:s7], $0x2000  }
0x1ff: {  	s12 =	sshll.u32 s5, $0x8;
	s8 =	sadd.s32 s8, s14;
	[sflag:s7] =	ssyncset.done @!p0 $0x0  }
0x200: {  	s10 =	sand.u32 $0x300, s12;
	[sflag:s7] =	ssyncadd.s32 @!p0 $0xFFFFE000;
	s7 =	sshll.u32 s8, $0x9  }
0x201: {  	s8 =	sand.u32 $0x3FFFFFE0, s16;
	s12 =	sor.u32 s10, s7  }
0x202: {  	v23 =	vld [tilespmem:s8+$0x10280];
	s14 =	sor.u32 $0xC00, s12  }
0x203: {  	s17 =	sand.u32 $0xFFFFF000, s7;
	s16 =	sor.u32 $0xC10, s12;
	v21 =	vld [tilespmem:s14+$0x19680]  }
0x204: {  	s9 =	sadd.s32 $0x19680, s17;
	s17 =	sor.u32 $0xC20, s12;
	v19 =	vld [tilespmem:s16+$0x19680]  }
0x205: {  	s13 =	sadd.s32 s10, s9;
	v17 =	vld [tilespmem:s17+$0x19680]  }
0x206: {  	v18 =	vld [tilespmem:s13+$0x0]  }
0x207: {  	v24 =	vld [tilespmem:s13+$0x10]  }
0x208: {  	v25 =	vld [tilespmem:s13+$0x20]  }
0x209: {  	v26 =	vld [tilespmem:s13+$0x30]  }
0x20a: {  	v27 =	vld [tilespmem:s13+$0x40]  }
0x20b: {  	v28 =	vld [tilespmem:s13+$0x50]  }
0x20c: {  	v29 =	vld [tilespmem:s13+$0x60]  }
0x20d: {  	v30 =	vld [tilespmem:s13+$0x70]  }
0x20e: {  	v31 =	vld [tilespmem:s13+$0x400]  }
0x20f: {  	v32 =	vld [tilespmem:s13+$0x410]  }
0x210: {  	v33 =	vld [tilespmem:s13+$0x420]  }
0x211: {  	v34 =	vld [tilespmem:s13+$0x430]  }
0x212: {  	v35 =	vld [tilespmem:s13+$0x440]  }
0x213: {  	v47 =	vld [tilespmem:s13+$0x450]  }
0x214: {  	v48 =	vld [tilespmem:s13+$0x460]  }
0x215: {  	v49 =	vld [tilespmem:s13+$0x470]  }
0x216: {  	v50 =	vld [tilespmem:s13+$0x800]  }
0x217: {  	v52 =	vld [tilespmem:s13+$0x810]  }
0x218: {  	v53 =	vld [tilespmem:s13+$0x820]  }
0x219: {  	v54 =	vld [tilespmem:s13+$0x830]  }
0x21a: {  	v55 =	vld [tilespmem:s13+$0x840]  }
0x21b: {  	v56 =	vld [tilespmem:s13+$0x850]  }
0x21c: {  	v57 =	vld [tilespmem:s13+$0x860]  }
0x21d: {  	s14 =	sor.u32 $0xC40, s12;
	v22 =	vld [tilespmem:s13+$0x870]  }
0x21e: {  	s16 =	sor.u32 $0xC50, s12;
	v15 =	vld [tilespmem:s14+$0x19680]  }
0x21f: {  	s17 =	sor.u32 $0xC60, s12;
	v14 =	vld [tilespmem:s16+$0x19680]  }
0x220: {  	s13 =	sor.u32 $0xC30, s12;
	v13 =	vld [tilespmem:s17+$0x19680]  }
0x221: {  	s12 =	sor.u32 $0xC70, s12;
	s14 =	sand.u32 $0x5000, s26;
	v16 =	vld [tilespmem:s13+$0x19680];
	s13 =	sand.u32 $0x380, s1  }
0x222: {  	v36 =	vld [tilespmem:s12+$0x19680];
	s16 =	sor.u32 s13, s14  }
0x223: {  	s12 =	sadd.s32 $0x11680, s16;
	v37 =	vld [tilespmem:s16+$0x11680]  }
0x224: {  	v38 =	vld [tilespmem:s12+$0xC70]  }
0x225: {  	v39 =	vld [tilespmem:s12+$0x10]  }
0x226: {  	v40 =	vld [tilespmem:s12+$0x20]  }
0x227: {  	v41 =	vld [tilespmem:s12+$0x30]  }
0x228: {  	v42 =	vld [tilespmem:s12+$0x40]  }
0x229: {  	v43 =	vld [tilespmem:s12+$0x50]  }
0x22a: {  	v46 =	vld [tilespmem:s12+$0x60]  }
0x22b: {  	v51 =	vld [tilespmem:s12+$0x70]  }
0x22c: {  	v58 =	vld [tilespmem:s12+$0x400]  }
0x22d: {  	v20 =	vmov s1;
	v59 =	vld [tilespmem:s12+$0x410]  }
0x22e: {  	v20 =	vperm.xlane v23, v20;
	v60 =	vld [tilespmem:s12+$0x420]  }
0x22f: {  	v61 =	vld [tilespmem:s12+$0x430]  }
0x230: {  	v62 =	vld [tilespmem:s12+$0x440];
	v37 =	vmul.f32 v37, v20  }
0x231: {  	v63 =	vld [tilespmem:s12+$0x450];
	v38 =	vmul.f32 v38, v20;
	v39 =	vmul.f32 v39, v20  }
0x232: {  	v5 =	vld [tilespmem:s12+$0x460];
	v40 =	vmul.f32 v40, v20;
	v41 =	vmul.f32 v41, v20  }
0x233: {  	v6 =	vld [tilespmem:s12+$0x470];
	v37 =	vadd.f32 v37, v18;
	v44 =	vadd.f32 v39, v24;
	v24 =	vmul.f32 v42, v20  }
0x234: {  	v7 =	vld [tilespmem:s12+$0x810];
	v18 =	vadd.f32 v38, v36;
	v45 =	vadd.f32 v40, v25;
	v25 =	vmul.f32 v43, v20  }
0x235: {  	v4 =	vld [tilespmem:s12+$0x860];
	v38 =	vadd.f32 v41, v26;
	v39 =	vadd.f32 v24, v27;
	v24 =	vmul.f32 v46, v20  }
0x236: {  	v26 =	vld [tilespmem:s12+$0x800];
	v27 =	vmul.f32 v51, v20;
	v43 =	vadd.f32 v25, v28;
	v25 =	vmul.f32 v58, v20  }
0x237: {  	v0 =	vmul.f32 v5, v20;
	v28 =	vmul.f32 v59, v20;
	v58 =	vld [tilespmem:s12+$0x820];
	v46 =	vadd.f32 v24, v29  }
0x238: {  	v40 =	vadd.f32 v27, v30;
	v24 =	vmul.f32 v60, v20;
	v29 =	vld [tilespmem:s12+$0x830];
	v41 =	vadd.f32 v25, v31  }
0x239: {  	v32 =	vadd.f32 v28, v32;
	v25 =	vmul.f32 v61, v20;
	v31 =	vld [tilespmem:s12+$0x840];
	v27 =	vmul.f32 v63, v20  }
0x23a: {  	v59 =	vld [tilespmem:s12+$0x850];
	v63 =	vmul.f32 v4, v20;
	v33 =	vadd.f32 v24, v33;
	v24 =	vmul.f32 v62, v20  }
0x23b: {  	v5 =	vld [tilespmem:s12+$0x870];
	v36 =	vadd.f32 v25, v34;
	v25 =	vmul.f32 v6, v20;
	v34 =	vadd.f32 v27, v47  }
0x23c: {  	v6 =	vmul.f32 v7, v20;
	v7 =	vld [tilespmem:s12+$0xC00];
	v42 =	vadd.f32 v24, v35;
	v24 =	vmul.f32 v26, v20  }
0x23d: {  	v51 =	vld [tilespmem:s12+$0xC10];
	v35 =	vadd.f32 v0, v48;
	v27 =	vadd.f32 v25, v49;
	v25 =	vmul.f32 v29, v20  }
0x23e: {  	s17 =	sand.u32 $0x3, s0;
	v62 =	vmul.f32 v31, v20;
	v28 =	vadd.f32 v24, v50;
	v24 =	vmul.f32 v58, v20;
	v50 =	vld [tilespmem:s12+$0xC20]  }
0x23f: {  	s31 =	simm.s32 $0x2;
	s8 =	sshll.u32 s17, $0xD;
	v30 =	vadd.f32 v6, v52;
	v48 =	vld [tilespmem:s12+$0xC30];
	v29 =	vmul.f32 v59, v20;
	v25 =	vadd.f32 v25, v54  }
0x240: {  	s8 =	sadd.s32 $0x2000, s8;
	s14 =	simm.s32 $0x80;
	s16 =	sadd.s32 $0x200, s26;
	v47 =	vld [tilespmem:s12+$0xC40];
	v26 =	vadd.f32 v62, v55;
	v31 =	vadd.f32 v24, v53;
	v53 =	vmul.f32 v5, v20  }
0x241: {  	s13 =	simm.s32 $0x1;
	s17 =	sand.u32 $0x380, s14;
	s30 =	sand.u32 $0x5000, s16;
	v49 =	vld [tilespmem:s12+$0xC50];
	v54 =	vmul.f32 v7, v20;
	v24 =	vadd.f32 v29, v56;
	v29 =	vadd.f32 v63, v57  }
.LBB2_5:
0x242: {  	p0 =	sne.s32 s31, $0xF;
	s17 =	sor.u32 s17, s30;
	v22 =	vadd.f32 v53, v22;
	v0 =	vmul.f32 v51, v20;
	v51 =	vld [tilespmem:s12+$0xC60]  }
0x243: {  	s12 =	sadd.s32 $0x11680, s17;
	v52 =	vld [tilespmem:s17+$0x11680];
	v21 =	vadd.f32 v54, v21;
	v50 =	vmul.f32 v50, v20  }
0x244: {  	v53 =	vld [tilespmem:s12+$0xC70];
	v19 =	vadd.f32 v0, v19;
	v0 =	vmul.f32 v48, v20  }
0x245: {  	v48 =	vld [tilespmem:s12+$0x10];
	v17 =	vadd.f32 v50, v17;
	v47 =	vmul.f32 v47, v20  }
0x246: {  	v50 =	vmov s13;
	s13 =	smov.u32 s31;
	v54 =	vld [tilespmem:s12+$0x20];
	v16 =	vadd.f32 v0, v16;
	v0 =	vmul.f32 v49, v20  }
0x247: {  	v49 =	vld [tilespmem:s12+$0x30];
	v15 =	vadd.f32 v47, v15;
	v47 =	vmul.f32 v51, v20;
	v20 =	vperm.xlane v23, v50  }
0x248: {  	v50 =	vld [tilespmem:s12+$0x40];
	v14 =	vadd.f32 v0, v14  }
0x249: {  	v0 =	vmul.f32 v52, v20;
	v51 =	vld [tilespmem:s12+$0x50];
	v52 =	vmul.f32 v53, v20;
	v13 =	vadd.f32 v47, v13  }
0x24a: {  	v47 =	vmul.f32 v48, v20;
	v48 =	vld [tilespmem:s12+$0x60]  }
0x24b: {  	v37 =	vadd.f32 v0, v37;
	v0 =	vmul.f32 v54, v20;
	v53 =	vld [tilespmem:s12+$0x70];
	v18 =	vadd.f32 v52, v18  }
0x24c: {  	v44 =	vadd.f32 v47, v44;
	v47 =	vmul.f32 v49, v20;
	v49 =	vld [tilespmem:s12+$0x400]  }
0x24d: {  	v45 =	vadd.f32 v0, v45;
	v0 =	vmul.f32 v50, v20;
	v50 =	vld [tilespmem:s12+$0x410]  }
0x24e: {  	v38 =	vadd.f32 v47, v38;
	v47 =	vmul.f32 v51, v20;
	v51 =	vld [tilespmem:s12+$0x420]  }
0x24f: {  	v39 =	vadd.f32 v0, v39;
	v0 =	vmul.f32 v48, v20;
	v48 =	vld [tilespmem:s12+$0x430]  }
0x250: {  	v43 =	vadd.f32 v47, v43;
	v47 =	vmul.f32 v53, v20;
	v52 =	vld [tilespmem:s12+$0x440]  }
0x251: {  	v46 =	vadd.f32 v0, v46;
	v0 =	vmul.f32 v49, v20;
	v49 =	vld [tilespmem:s12+$0x450]  }
0x252: {  	v40 =	vadd.f32 v47, v40;
	v47 =	vmul.f32 v50, v20;
	v50 =	vld [tilespmem:s12+$0x460]  }
0x253: {  	v41 =	vadd.f32 v0, v41;
	v0 =	vmul.f32 v51, v20;
	v51 =	vld [tilespmem:s12+$0x470]  }
0x254: {  	v32 =	vadd.f32 v47, v32;
	v47 =	vmul.f32 v48, v20;
	v48 =	vld [tilespmem:s12+$0x800]  }
0x255: {  	v33 =	vadd.f32 v0, v33;
	v0 =	vmul.f32 v52, v20;
	v52 =	vld [tilespmem:s12+$0x810]  }
0x256: {  	v36 =	vadd.f32 v47, v36;
	v47 =	vmul.f32 v49, v20;
	v49 =	vld [tilespmem:s12+$0x820]  }
0x257: {  	v42 =	vadd.f32 v0, v42;
	v0 =	vmul.f32 v50, v20;
	v50 =	vld [tilespmem:s12+$0x830]  }
0x258: {  	v34 =	vadd.f32 v47, v34;
	v47 =	vmul.f32 v51, v20;
	v51 =	vld [tilespmem:s12+$0x840]  }
0x259: {  	v35 =	vadd.f32 v0, v35;
	v0 =	vmul.f32 v48, v20;
	v48 =	vld [tilespmem:s12+$0x850]  }
0x25a: {  	v27 =	vadd.f32 v47, v27;
	v47 =	vmul.f32 v52, v20;
	v52 =	vld [tilespmem:s12+$0x860]  }
0x25b: {  	v28 =	vadd.f32 v0, v28;
	v0 =	vmul.f32 v49, v20;
	v49 =	vld [tilespmem:s12+$0x870]  }
0x25c: {  	v30 =	vadd.f32 v47, v30;
	v47 =	vmul.f32 v50, v20;
	v54 =	vld [tilespmem:s12+$0xC00]  }
.Ltmp1:
0x25d: {  	v31 =	vadd.f32 v0, v31;
	v0 =	vmul.f32 v51, v20;
	v51 =	vld [tilespmem:s12+$0xC10];
	(pc) =	sbr.rel @p0 .LBB2_5-.Ltmp1, $4  }
0x25e: {  	v25 =	vadd.f32 v47, v25;
	v47 =	vmul.f32 v48, v20;
	v50 =	vld [tilespmem:s12+$0xC20]  }
0x25f: {  	v26 =	vadd.f32 v0, v26;
	v0 =	vmul.f32 v52, v20;
	v48 =	vld [tilespmem:s12+$0xC30]  }
0x260: {  	s14 =	sadd.s32 $0x80, s14;
	s16 =	sadd.s32 $0x200, s16;
	v24 =	vadd.f32 v47, v24;
	v53 =	vmul.f32 v49, v20;
	v47 =	vld [tilespmem:s12+$0xC40]  }
0x261: {  	s30 =	sand.u32 $0x5000, s16;
	s17 =	sand.u32 $0x380, s14;
	s31 =	sadd.s32 $0x1, s31;
	v29 =	vadd.f32 v0, v29;
	v54 =	vmul.f32 v54, v20;
	v49 =	vld [tilespmem:s12+$0xC50]  }
0x262: {  	s14 =	sor.u32 s17, s30;
	v0 =	vld [tilespmem:s12+$0xC60]  }
0x263: {  	s31 =	sadd.s32 $0x11680, s14;
	v55 =	vld [tilespmem:s14+$0x11680]  }
0x264: {  	v7 =	vld [tilespmem:s31+$0xC70]  }
0x265: {  	v56 =	vld [tilespmem:s31+$0x10]  }
0x266: {  	v57 =	vld [tilespmem:s31+$0x20]  }
0x267: {  	v58 =	vld [tilespmem:s31+$0x30]  }
0x268: {  	v52 =	vld [tilespmem:s31+$0x840]  }
0x269: {  	v59 =	vld [tilespmem:s31+$0x40]  }
0x26a: {  	v60 =	vld [tilespmem:s31+$0x50]  }
0x26b: {  	v61 =	vld [tilespmem:s31+$0x60]  }
0x26c: {  	v62 =	vld [tilespmem:s31+$0x70]  }
0x26d: {  	[tilespmem:$0x1FEA0] =	vst v52;
	v52 =	vld [tilespmem:s31+$0x850]  }
0x26e: {  	v63 =	vld [tilespmem:s31+$0x400];
	[tilespmem:$0x1FF20] =	vst v0;
	v0 =	vmov s13  }
0x26f: {  	v0 =	vperm.xlane v23, v0;
	v23 =	vld [tilespmem:s31+$0xC10]  }
0x270: {  	v12 =	vld [tilespmem:s31+$0x410]  }
0x271: {  	v10 =	vld [tilespmem:s31+$0x420]  }
0x272: {  	[tilespmem:$0x1FEB0] =	vst v52;
	v52 =	vld [tilespmem:s31+$0x860]  }
0x273: {  	v11 =	vld [tilespmem:s31+$0x430]  }
0x274: {  	[tilespmem:$0x1FEF0] =	vst v23;
	v23 =	vld [tilespmem:s31+$0xC20]  }
0x275: {  	v1 =	vld [tilespmem:s31+$0x440]  }
0x276: {  	v2 =	vld [tilespmem:s31+$0x450]  }
0x277: {  	[tilespmem:$0x1FEC0] =	vst v52;
	v52 =	vld [tilespmem:s31+$0x870]  }
0x278: {  	v3 =	vld [tilespmem:s31+$0x460]  }
0x279: {  	[tilespmem:$0x1FF00] =	vst v23;
	v23 =	vld [tilespmem:s31+$0xC30]  }
0x27a: {  	v4 =	vld [tilespmem:s31+$0x470]  }
0x27b: {  	v8 =	vld [tilespmem:s31+$0x830]  }
0x27c: {  	[tilespmem:$0x1FED0] =	vst v52;
	v52 =	vld [tilespmem:s31+$0xC00]  }
0x27d: {  	v5 =	vld [tilespmem:s31+$0x800]  }
0x27e: {  	v55 =	vmul.f32 v55, v0;
	v56 =	vmul.f32 v56, v0;
	[tilespmem:$0x1FF10] =	vst v23;
	v23 =	vld [tilespmem:s31+$0xC40]  }
0x27f: {  	v6 =	vld [tilespmem:s31+$0x810];
	v59 =	vmul.f32 v59, v0;
	v60 =	vmul.f32 v60, v0  }
0x280: {  	[tilespmem:$0x1FF40] =	vst v7;
	v7 =	vld [tilespmem:s31+$0x820];
	v61 =	vmul.f32 v61, v0;
	v37 =	vadd.f32 v55, v37;
	v55 =	vmul.f32 v57, v0  }
0x281: {  	v10 =	vmul.f32 v10, v0;
	v8 =	vmul.f32 v8, v0;
	v57 =	vld [tilespmem:s31+$0xC50];
	v44 =	vadd.f32 v56, v44;
	[tilespmem:$0x1FEE0] =	vst v52  }
0x282: {  	v45 =	vadd.f32 v55, v45;
	v52 =	vmul.f32 v58, v0;
	v58 =	vld [tilespmem:s31+$0xC60];
	[tilespmem:s10+$0x1D680] =	vst v37;
	v37 =	vadd.f32 v59, v39  }
0x283: {  	[tilespmem:$0x1FF30] =	vst v23;
	v39 =	vadd.f32 v61, v46;
	v46 =	vmul.f32 v50, v20;
	v50 =	vadd.f32 v8, v25;
	v8 =	vld [tilespmem:$0x1FEB0]  }
0x284: {  	v12 =	vmul.f32 v12, v0;
	v43 =	vadd.f32 v60, v43;
	[tilespmem:s10+$0x1D690] =	vst v44  }
0x285: {  	v11 =	vmul.f32 v11, v0;
	v10 =	vadd.f32 v10, v33;
	[tilespmem:s10+$0x1D6A0] =	vst v45  }
0x286: {  	v1 =	vmul.f32 v1, v0;
	v12 =	vadd.f32 v12, v32;
	[tilespmem:s10+$0x1D6D0] =	vst v43  }
0x287: {  	v2 =	vmul.f32 v2, v0;
	v3 =	vmul.f32 v3, v0;
	v11 =	vadd.f32 v11, v36;
	[tilespmem:s10+$0x1DAA0] =	vst v10;
	v10 =	vld [tilespmem:$0x1FEA0]  }
0x288: {  	v1 =	vadd.f32 v1, v42;
	[tilespmem:s10+$0x1DA90] =	vst v12;
	v8 =	vmul.f32 v8, v0  }
0x289: {  	v4 =	vmul.f32 v4, v0;
	v2 =	vadd.f32 v2, v34;
	v3 =	vadd.f32 v3, v35;
	[tilespmem:s10+$0x1DAB0] =	vst v11  }
0x28a: {  	v5 =	vmul.f32 v5, v0;
	[tilespmem:s10+$0x1DAC0] =	vst v1;
	v38 =	vadd.f32 v52, v38;
	v52 =	vadd.f32 v8, v24;
	v8 =	vld [tilespmem:$0x1FED0]  }
0x28b: {  	v6 =	vmul.f32 v6, v0;
	v4 =	vadd.f32 v4, v27;
	[tilespmem:s10+$0x1DAD0] =	vst v2  }
0x28c: {  	v5 =	vadd.f32 v5, v28;
	[tilespmem:s10+$0x1DAE0] =	vst v3;
	v10 =	vmul.f32 v10, v0  }
0x28d: {  	v6 =	vadd.f32 v6, v30;
	v7 =	vmul.f32 v7, v0;
	[tilespmem:s10+$0x1DAF0] =	vst v4  }
0x28e: {  	[tilespmem:s10+$0x1DE80] =	vst v5;
	v10 =	vadd.f32 v10, v26  }
0x28f: {  	v7 =	vadd.f32 v7, v31;
	v43 =	vadd.f32 v53, v22;
	[tilespmem:s10+$0x1DE90] =	vst v6;
	v12 =	vld [tilespmem:$0x1FEE0];
	v8 =	vmul.f32 v8, v0  }
0x290: {  	[tilespmem:s10+$0x1DEC0] =	vst v10;
	v10 =	vld [tilespmem:$0x1FF00]  }
0x291: {  	[tilespmem:s10+$0x1DEA0] =	vst v7;
	v1 =	vadd.f32 v8, v43;
	v8 =	vld [tilespmem:$0x1FEF0]  }
0x292: {  	v62 =	vmul.f32 v62, v0;
	v63 =	vmul.f32 v63, v0;
	v11 =	vld [tilespmem:$0x1FEC0];
	[tilespmem:s10+$0x1D6C0] =	vst v37  }
0x293: {  	v55 =	vld [tilespmem:$0x1FF20];
	v57 =	vmul.f32 v57, v0;
	v44 =	vmul.f32 v51, v20;
	[tilespmem:s10+$0x1D6E0] =	vst v39  }
0x294: {  	v45 =	vadd.f32 v54, v21;
	v54 =	vmul.f32 v49, v20;
	v37 =	vadd.f32 v63, v41;
	[tilespmem:s10+$0x1DEB0] =	vst v50  }
0x295: {  	v4 =	vadd.f32 v46, v17;
	[tilespmem:s10+$0x1D6B0] =	vst v38;
	v38 =	vadd.f32 v62, v40;
	v10 =	vmul.f32 v10, v0  }
0x296: {  	v2 =	vadd.f32 v44, v19;
	[tilespmem:s10+$0x1DA80] =	vst v37;
	v12 =	vmul.f32 v12, v0;
	v8 =	vmul.f32 v8, v0  }
0x297: {  	v56 =	vadd.f32 v54, v14;
	v11 =	vmul.f32 v11, v0;
	[tilespmem:s10+$0x1D6F0] =	vst v38;
	v4 =	vadd.f32 v10, v4;
	v10 =	vld [tilespmem:$0x1FF30]  }
0x298: {  	v3 =	vadd.f32 v12, v45;
	[tilespmem:s10+$0x1DEF0] =	vst v1;
	v1 =	vmul.f32 v55, v20;
	v2 =	vadd.f32 v8, v2;
	v8 =	vld [tilespmem:$0x1FF10]  }
0x299: {  	v53 =	vmul.f32 v47, v20;
	v61 =	vld [tilespmem:$0x1FF40];
	v11 =	vadd.f32 v11, v29;
	[tilespmem:s10+$0x1DED0] =	vst v52  }
0x29a: {  	v60 =	vmul.f32 v58, v0;
	[tilespmem:s10+$0x1E280] =	vst v3;
	v3 =	vadd.f32 v57, v56;
	v1 =	vadd.f32 v1, v13  }
0x29b: {  	v51 =	vmul.f32 v48, v20;
	[tilespmem:s10+$0x1DEE0] =	vst v11  }
0x29c: {  	v5 =	vadd.f32 v53, v15;
	[tilespmem:s10+$0x1E2D0] =	vst v3;
	v1 =	vadd.f32 v60, v1;
	v10 =	vmul.f32 v10, v0  }
0x29d: {  	v6 =	vadd.f32 v51, v16;
	[tilespmem:s10+$0x1E2A0] =	vst v4;
	v8 =	vmul.f32 v8, v0  }
0x29e: {  	[tilespmem:s10+$0x1E2E0] =	vst v1;
	v59 =	vadd.f32 v10, v5;
	v0 =	vmul.f32 v61, v0  }
0x29f: {  	[tilespmem:s10+$0x1E290] =	vst v2;
	v6 =	vadd.f32 v8, v6  }
0x2a0: {  	s6 =	sor.u32 $0x1, s6;
	[tilespmem:s10+$0x1E2C0] =	vst v59;
	v0 =	vadd.f32 v0, v18  }
0x2a1: {  	s16 =	sshll.u32 s6, $0x4;
	[tilespmem:s10+$0x1E2B0] =	vst v6  }
0x2a2: {  	s17 =	sor.u32 $0x80, s10;
	s12 =	sand.u32 $0x3FFFFFF0, s16;
	[tilespmem:s10+$0x1E2F0] =	vst v0  }
0x2a3: {  	s9 =	sadd.s32 s17, s9;
	v23 =	vld [tilespmem:s12+$0x10280]  }
0x2a4: {  	v0 =	vld [tilespmem:s9+$0x0]  }
0x2a5: {  	v1 =	vld [tilespmem:s9+$0x10]  }
0x2a6: {  	v2 =	vld [tilespmem:s9+$0x20]  }
0x2a7: {  	v3 =	vld [tilespmem:s9+$0x30]  }
0x2a8: {  	v4 =	vld [tilespmem:s9+$0x40]  }
0x2a9: {  	v5 =	vld [tilespmem:s9+$0x50]  }
0x2aa: {  	v6 =	vld [tilespmem:s9+$0x60]  }
0x2ab: {  	v7 =	vld [tilespmem:s9+$0x70]  }
0x2ac: {  	v8 =	vld [tilespmem:s9+$0x400]  }
0x2ad: {  	v10 =	vld [tilespmem:s9+$0x410]  }
0x2ae: {  	v11 =	vld [tilespmem:s9+$0x420]  }
0x2af: {  	v12 =	vld [tilespmem:s9+$0x430]  }
0x2b0: {  	v24 =	vld [tilespmem:s9+$0x440]  }
0x2b1: {  	v25 =	vld [tilespmem:s9+$0x450]  }
0x2b2: {  	v26 =	vld [tilespmem:s9+$0x460]  }
0x2b3: {  	v27 =	vld [tilespmem:s9+$0x470]  }
0x2b4: {  	v28 =	vld [tilespmem:s9+$0x800]  }
0x2b5: {  	v29 =	vld [tilespmem:s9+$0x810]  }
0x2b6: {  	v30 =	vld [tilespmem:s9+$0x820]  }
0x2b7: {  	v47 =	vld [tilespmem:s9+$0x830]  }
0x2b8: {  	v49 =	vld [tilespmem:s9+$0x840]  }
0x2b9: {  	v51 =	vld [tilespmem:s9+$0x850]  }
0x2ba: {  	s7 =	sor.u32 s17, s7;
	v54 =	vld [tilespmem:s9+$0x860]  }
0x2bb: {  	s30 =	sor.u32 $0xC00, s7;
	v22 =	vld [tilespmem:s9+$0x870]  }
0x2bc: {  	s31 =	sor.u32 $0xC10, s7;
	v21 =	vld [tilespmem:s30+$0x19680]  }
0x2bd: {  	s10 =	sor.u32 $0xC20, s7;
	v19 =	vld [tilespmem:s31+$0x19680]  }
0x2be: {  	s13 =	sor.u32 $0xC40, s7;
	v18 =	vld [tilespmem:s10+$0x19680]  }
0x2bf: {  	s14 =	sor.u32 $0xC50, s7;
	v15 =	vld [tilespmem:s13+$0x19680]  }
0x2c0: {  	s16 =	sor.u32 $0xC60, s7;
	v14 =	vld [tilespmem:s14+$0x19680]  }
0x2c1: {  	s17 =	simm.s32 $0x0;
	s12 =	sor.u32 $0xC30, s7;
	v13 =	vld [tilespmem:s16+$0x19680]  }
0x2c2: {  	s7 =	sor.u32 $0xC70, s7;
	s30 =	sand.u32 $0x7000, s8;
	s31 =	sand.u32 $0x380, s17;
	v16 =	vld [tilespmem:s12+$0x19680]  }
0x2c3: {  	v17 =	vld [tilespmem:s7+$0x19680];
	s9 =	sor.u32 s31, s30  }
0x2c4: {  	s7 =	sadd.s32 $0x11680, s9;
	v31 =	vld [tilespmem:s9+$0x11680]  }
0x2c5: {  	v62 =	vld [tilespmem:s7+$0xC70]  }
0x2c6: {  	v63 =	vld [tilespmem:s7+$0x10]  }
0x2c7: {  	v56 =	vld [tilespmem:s7+$0x20]  }
0x2c8: {  	v57 =	vld [tilespmem:s7+$0x30]  }
0x2c9: {  	v58 =	vld [tilespmem:s7+$0x40]  }
0x2ca: {  	v38 =	vld [tilespmem:s7+$0x50]  }
0x2cb: {  	v39 =	vld [tilespmem:s7+$0x60]  }
0x2cc: {  	v60 =	vld [tilespmem:s7+$0x400]  }
0x2cd: {  	v20 =	vmov s17;
	v61 =	vld [tilespmem:s7+$0x420]  }
0x2ce: {  	v52 =	vld [tilespmem:s7+$0x440];
	v20 =	vperm.xlane v23, v20  }
0x2cf: {  	v53 =	vld [tilespmem:s7+$0x450]  }
0x2d0: {  	v34 =	vld [tilespmem:s7+$0x460];
	v31 =	vmul.f32 v31, v20;
	v32 =	vmul.f32 v62, v20  }
0x2d1: {  	v59 =	vld [tilespmem:s7+$0x70];
	v33 =	vmul.f32 v63, v20;
	v62 =	vmul.f32 v56, v20  }
0x2d2: {  	v45 =	vld [tilespmem:s7+$0x410];
	v63 =	vmul.f32 v58, v20;
	v39 =	vmul.f32 v39, v20  }
0x2d3: {  	v50 =	vld [tilespmem:s7+$0x430];
	v58 =	vmul.f32 v60, v20;
	v60 =	vmul.f32 v61, v20  }
0x2d4: {  	v35 =	vld [tilespmem:s7+$0x470];
	v41 =	vmul.f32 v52, v20;
	v48 =	vmul.f32 v53, v20  }
0x2d5: {  	v55 =	vld [tilespmem:s7+$0x820];
	v53 =	vmul.f32 v34, v20;
	v43 =	vadd.f32 v31, v0;
	v31 =	vmul.f32 v57, v20  }
0x2d6: {  	v61 =	vld [tilespmem:s7+$0x830];
	v57 =	vmul.f32 v59, v20;
	v17 =	vadd.f32 v32, v17;
	v46 =	vadd.f32 v33, v1  }
0x2d7: {  	v44 =	vadd.f32 v62, v2;
	v33 =	vmul.f32 v38, v20;
	v2 =	vld [tilespmem:s7+$0x800];
	v38 =	vadd.f32 v63, v4  }
0x2d8: {  	v59 =	vmul.f32 v45, v20;
	v4 =	vld [tilespmem:s7+$0x810];
	v45 =	vadd.f32 v39, v6;
	v40 =	vadd.f32 v58, v8  }
0x2d9: {  	v62 =	vmul.f32 v50, v20;
	v63 =	vld [tilespmem:s7+$0x840];
	v41 =	vadd.f32 v41, v24;
	v34 =	vadd.f32 v48, v25  }
0x2da: {  	v50 =	vld [tilespmem:s7+$0x850];
	v8 =	vmul.f32 v35, v20;
	v35 =	vadd.f32 v53, v26;
	v37 =	vadd.f32 v31, v3  }
0x2db: {  	v39 =	vadd.f32 v57, v7;
	v32 =	vadd.f32 v59, v10;
	v10 =	vld [tilespmem:s7+$0x860]  }
0x2dc: {  	v57 =	vld [tilespmem:s7+$0x870];
	v42 =	vadd.f32 v33, v5;
	v33 =	vadd.f32 v60, v11  }
0x2dd: {  	v59 =	vld [tilespmem:s7+$0xC00];
	v36 =	vadd.f32 v62, v12;
	v60 =	vmul.f32 v55, v20;
	v3 =	vmul.f32 v61, v20  }
0x2de: {  	v52 =	vld [tilespmem:s7+$0xC10];
	v31 =	vadd.f32 v8, v27;
	v56 =	vmul.f32 v2, v20;
	v58 =	vmul.f32 v4, v20  }
0x2df: {  	v30 =	vadd.f32 v60, v30;
	v61 =	vmul.f32 v63, v20;
	v62 =	vmul.f32 v50, v20;
	v50 =	vld [tilespmem:s7+$0xC20]  }
0x2e0: {  	s8 =	sadd.s32 $0x200, s8;
	v48 =	vld [tilespmem:s7+$0xC30];
	v25 =	vadd.f32 v3, v47;
	v63 =	vmul.f32 v10, v20;
	v28 =	vadd.f32 v56, v28  }
0x2e1: {  	s10 =	simm.s32 $0x80;
	s13 =	sand.u32 $0x7000, s8;
	v47 =	vld [tilespmem:s7+$0xC40];
	v53 =	vmul.f32 v57, v20;
	v29 =	vadd.f32 v58, v29;
	v26 =	vadd.f32 v61, v49  }
0x2e2: {  	s14 =	sand.u32 $0x380, s10;
	s12 =	simm.s32 $0x2;
	s9 =	simm.s32 $0x1;
	v24 =	vadd.f32 v62, v51;
	v49 =	vld [tilespmem:s7+$0xC50];
	v27 =	vadd.f32 v63, v54;
	v54 =	vmul.f32 v59, v20  }
.LBB2_7:
0x2e3: {  	p0 =	sne.s32 s12, $0xF;
	s13 =	sor.u32 s14, s13;
	v22 =	vadd.f32 v53, v22;
	v0 =	vmul.f32 v52, v20;
	v1 =	vld [tilespmem:s7+$0xC60]  }
0x2e4: {  	s7 =	sadd.s32 $0x11680, s13;
	v2 =	vld [tilespmem:s13+$0x11680];
	v21 =	vadd.f32 v54, v21;
	v3 =	vmul.f32 v50, v20  }
0x2e5: {  	v4 =	vld [tilespmem:s7+$0xC70];
	v19 =	vadd.f32 v0, v19;
	v0 =	vmul.f32 v48, v20  }
0x2e6: {  	v5 =	vld [tilespmem:s7+$0x10];
	v18 =	vadd.f32 v3, v18;
	v3 =	vmul.f32 v47, v20  }
0x2e7: {  	v6 =	vmov s9;
	s9 =	smov.u32 s12;
	v7 =	vld [tilespmem:s7+$0x20];
	v16 =	vadd.f32 v0, v16;
	v0 =	vmul.f32 v49, v20  }
0x2e8: {  	v8 =	vld [tilespmem:s7+$0x30];
	v15 =	vadd.f32 v3, v15;
	v1 =	vmul.f32 v1, v20;
	v20 =	vperm.xlane v23, v6  }
0x2e9: {  	v3 =	vld [tilespmem:s7+$0x40];
	v14 =	vadd.f32 v0, v14  }
0x2ea: {  	v0 =	vmul.f32 v2, v20;
	v2 =	vld [tilespmem:s7+$0x50];
	v4 =	vmul.f32 v4, v20;
	v13 =	vadd.f32 v1, v13  }
0x2eb: {  	v1 =	vmul.f32 v5, v20;
	v5 =	vld [tilespmem:s7+$0x60]  }
0x2ec: {  	v43 =	vadd.f32 v0, v43;
	v0 =	vmul.f32 v7, v20;
	v6 =	vld [tilespmem:s7+$0x70];
	v17 =	vadd.f32 v4, v17  }
0x2ed: {  	v46 =	vadd.f32 v1, v46;
	v1 =	vmul.f32 v8, v20;
	v4 =	vld [tilespmem:s7+$0x400]  }
0x2ee: {  	v44 =	vadd.f32 v0, v44;
	v0 =	vmul.f32 v3, v20;
	v3 =	vld [tilespmem:s7+$0x410]  }
0x2ef: {  	v37 =	vadd.f32 v1, v37;
	v1 =	vmul.f32 v2, v20;
	v2 =	vld [tilespmem:s7+$0x420]  }
0x2f0: {  	v38 =	vadd.f32 v0, v38;
	v0 =	vmul.f32 v5, v20;
	v5 =	vld [tilespmem:s7+$0x430]  }
0x2f1: {  	v42 =	vadd.f32 v1, v42;
	v1 =	vmul.f32 v6, v20;
	v6 =	vld [tilespmem:s7+$0x440]  }
0x2f2: {  	v45 =	vadd.f32 v0, v45;
	v0 =	vmul.f32 v4, v20;
	v4 =	vld [tilespmem:s7+$0x450]  }
0x2f3: {  	v39 =	vadd.f32 v1, v39;
	v1 =	vmul.f32 v3, v20;
	v3 =	vld [tilespmem:s7+$0x460]  }
0x2f4: {  	v40 =	vadd.f32 v0, v40;
	v0 =	vmul.f32 v2, v20;
	v2 =	vld [tilespmem:s7+$0x470]  }
0x2f5: {  	v32 =	vadd.f32 v1, v32;
	v1 =	vmul.f32 v5, v20;
	v5 =	vld [tilespmem:s7+$0x800]  }
0x2f6: {  	v33 =	vadd.f32 v0, v33;
	v0 =	vmul.f32 v6, v20;
	v6 =	vld [tilespmem:s7+$0x810]  }
0x2f7: {  	v36 =	vadd.f32 v1, v36;
	v1 =	vmul.f32 v4, v20;
	v4 =	vld [tilespmem:s7+$0x820]  }
0x2f8: {  	v41 =	vadd.f32 v0, v41;
	v0 =	vmul.f32 v3, v20;
	v3 =	vld [tilespmem:s7+$0x830]  }
0x2f9: {  	v34 =	vadd.f32 v1, v34;
	v1 =	vmul.f32 v2, v20;
	v2 =	vld [tilespmem:s7+$0x840]  }
0x2fa: {  	v35 =	vadd.f32 v0, v35;
	v0 =	vmul.f32 v5, v20;
	v5 =	vld [tilespmem:s7+$0x850]  }
0x2fb: {  	v31 =	vadd.f32 v1, v31;
	v1 =	vmul.f32 v6, v20;
	v6 =	vld [tilespmem:s7+$0x860]  }
0x2fc: {  	v28 =	vadd.f32 v0, v28;
	v0 =	vmul.f32 v4, v20;
	v4 =	vld [tilespmem:s7+$0x870]  }
0x2fd: {  	v29 =	vadd.f32 v1, v29;
	v1 =	vmul.f32 v3, v20;
	v3 =	vld [tilespmem:s7+$0xC00]  }
.Ltmp2:
0x2fe: {  	v30 =	vadd.f32 v0, v30;
	v0 =	vmul.f32 v2, v20;
	v52 =	vld [tilespmem:s7+$0xC10];
	(pc) =	sbr.rel @p0 .LBB2_7-.Ltmp2, $4  }
0x2ff: {  	v25 =	vadd.f32 v1, v25;
	v1 =	vmul.f32 v5, v20;
	v50 =	vld [tilespmem:s7+$0xC20]  }
0x300: {  	v26 =	vadd.f32 v0, v26;
	v0 =	vmul.f32 v6, v20;
	v48 =	vld [tilespmem:s7+$0xC30]  }
0x301: {  	s10 =	sadd.s32 $0x80, s10;
	s8 =	sadd.s32 $0x200, s8;
	v24 =	vadd.f32 v1, v24;
	v53 =	vmul.f32 v4, v20;
	v47 =	vld [tilespmem:s7+$0xC40]  }
0x302: {  	s12 =	sadd.s32 $0x1, s12;
	s13 =	sand.u32 $0x7000, s8;
	s14 =	sand.u32 $0x380, s10;
	v27 =	vadd.f32 v0, v27;
	v54 =	vmul.f32 v3, v20;
	v49 =	vld [tilespmem:s7+$0xC50]  }
0x303: {  	s8 =	sor.u32 s14, s13  }
0x304: {  	s30 =	sadd.s32 $0x11680, s8  }
0x305: {  	v51 =	vld [tilespmem:s30+$0x840];
	_ =	sdelay $0x4  }
0x306: {  	[tilespmem:$0x1FDF0] =	vst v51;
	v51 =	vld [tilespmem:s30+$0x850];
	_ =	sdelay $0x4  }
0x307: {  	[tilespmem:$0x1FE00] =	vst v51;
	v51 =	vld [tilespmem:s30+$0x860];
	_ =	sdelay $0x4  }
0x308: {  	[tilespmem:$0x1FE10] =	vst v51;
	v51 =	vld [tilespmem:s30+$0x870]  }
0x309: {  	v0 =	vld [tilespmem:s7+$0xC60]  }
0x30a: {  	v1 =	vld [tilespmem:s8+$0x11680]  }
0x30b: {  	v12 =	vld [tilespmem:s30+$0xC70]  }
0x30c: {  	v2 =	vld [tilespmem:s30+$0x10]  }
0x30d: {  	[tilespmem:$0x1FE20] =	vst v51;
	v51 =	vld [tilespmem:s30+$0xC00]  }
0x30e: {  	v3 =	vld [tilespmem:s30+$0x20]  }
0x30f: {  	v4 =	vld [tilespmem:s30+$0x30]  }
0x310: {  	v5 =	vld [tilespmem:s30+$0x40]  }
0x311: {  	v6 =	vld [tilespmem:s30+$0x50]  }
0x312: {  	[tilespmem:$0x1FE30] =	vst v51;
	v51 =	vld [tilespmem:s30+$0xC10]  }
0x313: {  	v7 =	vld [tilespmem:s30+$0x60]  }
0x314: {  	v8 =	vld [tilespmem:s30+$0x70]  }
0x315: {  	v10 =	vld [tilespmem:s30+$0x400]  }
0x316: {  	v11 =	vld [tilespmem:s30+$0x410]  }
0x317: {  	[tilespmem:$0x1FE40] =	vst v51;
	v51 =	vld [tilespmem:s30+$0xC20]  }
0x318: {  	v55 =	vld [tilespmem:s30+$0x430]  }
0x319: {  	v56 =	vld [tilespmem:s30+$0x440]  }
0x31a: {  	v57 =	vld [tilespmem:s30+$0x450]  }
0x31b: {  	v58 =	vld [tilespmem:s30+$0x460]  }
0x31c: {  	[tilespmem:$0x1FE50] =	vst v51;
	v51 =	vld [tilespmem:s30+$0xC30]  }
0x31d: {  	v59 =	vld [tilespmem:s30+$0x470]  }
0x31e: {  	v60 =	vld [tilespmem:s30+$0x800];
	[tilespmem:$0x1FE70] =	vst v0;
	v0 =	vmov s9  }
0x31f: {  	v61 =	vld [tilespmem:s30+$0x810];
	v0 =	vperm.xlane v23, v0  }
0x320: {  	v63 =	vld [tilespmem:s30+$0x830]  }
0x321: {  	v1 =	vmul.f32 v1, v0;
	[tilespmem:$0x1FE60] =	vst v51;
	v51 =	vld [tilespmem:s30+$0xC40]  }
0x322: {  	v62 =	vld [tilespmem:s30+$0x820]  }
0x323: {  	s6 =	sshll.u32 s6, $0x7;
	[tilespmem:$0x1FE90] =	vst v12;
	v12 =	vld [tilespmem:s30+$0x420];
	v2 =	vmul.f32 v2, v0;
	v3 =	vmul.f32 v3, v0;
	v1 =	vadd.f32 v1, v43  }
0x324: {  	s6 =	sand.u32 $0x380, s6;
	v23 =	vmul.f32 v5, v0;
	v43 =	vld [tilespmem:s30+$0xC50]  }
0x325: {  	v2 =	vadd.f32 v2, v46;
	v46 =	vld [tilespmem:s30+$0xC60];
	v3 =	vadd.f32 v3, v44;
	v44 =	vmul.f32 v8, v0;
	[tilespmem:s6+$0x1D680] =	vst v1  }
0x326: {  	v8 =	vmul.f32 v63, v0;
	v1 =	vadd.f32 v23, v38;
	[tilespmem:$0x1FE80] =	vst v51;
	v51 =	vmul.f32 v10, v0  }
0x327: {  	v4 =	vmul.f32 v4, v0  }
0x328: {  	[tilespmem:s6+$0x1D6C0] =	vst v1;
	v1 =	vadd.f32 v51, v40;
	v51 =	vadd.f32 v8, v25;
	v8 =	vld [tilespmem:$0x1FE00]  }
0x329: {  	v4 =	vadd.f32 v4, v37;
	v37 =	vmul.f32 v6, v0  }
0x32a: {  	[tilespmem:s6+$0x1D690] =	vst v2  }
0x32b: {  	[tilespmem:s6+$0x1D6A0] =	vst v3;
	v38 =	vmul.f32 v7, v0;
	v2 =	vadd.f32 v37, v42;
	v10 =	vld [tilespmem:$0x1FDF0]  }
0x32c: {  	[tilespmem:s6+$0x1D6B0] =	vst v4;
	v4 =	vadd.f32 v44, v39;
	v7 =	vmul.f32 v11, v0  }
0x32d: {  	v23 =	vmul.f32 v55, v0;
	v3 =	vadd.f32 v38, v45;
	[tilespmem:s6+$0x1D6D0] =	vst v2;
	v8 =	vmul.f32 v8, v0  }
0x32e: {  	v39 =	vadd.f32 v53, v22;
	v42 =	vmul.f32 v62, v0;
	v2 =	vadd.f32 v7, v32;
	[tilespmem:s6+$0x1D6F0] =	vst v4  }
0x32f: {  	v12 =	vmul.f32 v12, v0;
	v4 =	vadd.f32 v23, v36;
	[tilespmem:s6+$0x1D6E0] =	vst v3;
	v53 =	vadd.f32 v8, v24;
	v8 =	vld [tilespmem:$0x1FE20]  }
0x330: {  	v7 =	vadd.f32 v42, v30;
	[tilespmem:s6+$0x1DA90] =	vst v2;
	v10 =	vmul.f32 v10, v0  }
0x331: {  	v37 =	vmul.f32 v59, v0;
	v3 =	vadd.f32 v12, v33;
	[tilespmem:s6+$0x1DAB0] =	vst v4  }
0x332: {  	v11 =	vld [tilespmem:$0x1FE10];
	v33 =	vmul.f32 v57, v0;
	[tilespmem:s6+$0x1DEA0] =	vst v7;
	v10 =	vadd.f32 v10, v26  }
0x333: {  	v55 =	vld [tilespmem:$0x1FE30];
	v36 =	vmul.f32 v58, v0;
	v4 =	vadd.f32 v37, v31;
	[tilespmem:s6+$0x1DAA0] =	vst v3  }
0x334: {  	v2 =	vadd.f32 v33, v34;
	[tilespmem:s6+$0x1DEC0] =	vst v10;
	v10 =	vld [tilespmem:$0x1FE50];
	v8 =	vmul.f32 v8, v0  }
0x335: {  	v32 =	vmul.f32 v56, v0;
	v3 =	vadd.f32 v36, v35;
	[tilespmem:s6+$0x1DAF0] =	vst v4  }
0x336: {  	v38 =	vmul.f32 v60, v0;
	v45 =	vmul.f32 v50, v20;
	[tilespmem:s6+$0x1DAD0] =	vst v2;
	v5 =	vadd.f32 v8, v39;
	v8 =	vld [tilespmem:$0x1FE40]  }
0x337: {  	v44 =	vadd.f32 v54, v21;
	v56 =	vmul.f32 v49, v20;
	v11 =	vmul.f32 v11, v0;
	[tilespmem:s6+$0x1DAE0] =	vst v3  }
0x338: {  	v12 =	vmul.f32 v55, v0;
	v4 =	vadd.f32 v45, v18;
	[tilespmem:s6+$0x1DA80] =	vst v1;
	v1 =	vadd.f32 v32, v41  }
0x339: {  	v11 =	vadd.f32 v11, v27;
	v41 =	vmul.f32 v52, v20;
	[tilespmem:s6+$0x1DEB0] =	vst v51;
	v10 =	vmul.f32 v10, v0  }
0x33a: {  	v57 =	vld [tilespmem:$0x1FE70];
	v40 =	vmul.f32 v61, v0;
	v3 =	vadd.f32 v12, v44;
	[tilespmem:s6+$0x1DAC0] =	vst v1;
	v1 =	vadd.f32 v38, v28  }
0x33b: {  	[tilespmem:s6+$0x1DEE0] =	vst v11;
	v50 =	vadd.f32 v41, v19;
	v4 =	vadd.f32 v10, v4;
	v10 =	vld [tilespmem:$0x1FE80];
	v8 =	vmul.f32 v8, v0  }
0x33c: {  	v59 =	vmul.f32 v43, v0;
	v58 =	vadd.f32 v56, v14;
	v2 =	vadd.f32 v40, v29;
	[tilespmem:s6+$0x1E280] =	vst v3  }
0x33d: {  	[tilespmem:s6+$0x1DE80] =	vst v1;
	v1 =	vadd.f32 v8, v50;
	v8 =	vld [tilespmem:$0x1FE60]  }
0x33e: {  	v63 =	vld [tilespmem:$0x1FE90];
	v54 =	vmul.f32 v47, v20;
	v3 =	vadd.f32 v59, v58;
	[tilespmem:s6+$0x1DE90] =	vst v2  }
0x33f: {  	s31 =	sand.u32 $0x3, s5;
	[tilespmem:s6+$0x1DEF0] =	vst v5;
	v5 =	vmul.f32 v57, v20  }
0x340: {  	p0 =	sne.s32 s31, $0x3;
	v6 =	vadd.f32 v54, v15;
	v52 =	vmul.f32 v48, v20;
	[tilespmem:s6+$0x1E2D0] =	vst v3;
	v10 =	vmul.f32 v10, v0  }
0x341: {  	p1 =	seq.s32 @!p0 s5, $0x0;
	v62 =	vmul.f32 v46, v0;
	[tilespmem:s6+$0x1DED0] =	vst v53;
	v60 =	vadd.f32 v5, v13  }
0x342: {  	s7 =	sshrl.u32 @!p0 s5, $0x2;
	s8 =	simm.s32 @!p0 $0x1;
	p1 =	por !p1, p0;
	v2 =	vadd.f32 v52, v16;
	[tilespmem:s6+$0x1E2A0] =	vst v4;
	v61 =	vadd.f32 v10, v6;
	v8 =	vmul.f32 v8, v0  }
0x343: {  	s7 =	sadd.s32 @!p0 s4, s7;
	s8 =	simm.s32 @p1 $0x0;
	[tilespmem:s6+$0x1E290] =	vst v1;
	v1 =	vadd.f32 v62, v60;
	v0 =	vmul.f32 v63, v0  }
0x344: {  	s7 =	ssub.s32 @!p0 s7, s8;
	[tilespmem:s6+$0x1E2C0] =	vst v61;
	v2 =	vadd.f32 v8, v2  }
0x345: {  	s7 =	sshll.u32 @!p0 s7, $0x9;
	[tilespmem:s6+$0x1E2E0] =	vst v1;
	v0 =	vadd.f32 v0, v17  }
0x346: {  	s7 =	sand.u32 @!p0 $0x1FFFFE00, s7;
	[tilespmem:s6+$0x1E2B0] =	vst v2  }
0x347: {  	s8 =	simm.s32 @!p0 $0x1D680;
	[tilespmem:s6+$0x1E2F0] =	vst v0;
	s6 =	sadd.s32 @!p0 s11, s7;
	s7 =	simm.s32 @!p0 $0x0  }
0x348: {  	[hbm4b:s6+s7] =	stream.linear.scatter @!p0 [tilespmem:s8], [sflag:$0x4], $0x1000, $0x38;
	[tilespmem:$0x1E680] =	vst v63  }
0x349: {  	s6 =	simm.s32 @!p0 $0x4  }
0x34a: {  	_ =	swait.ge @!p0 [sflag:s6], $0x1000  }
0x34b: {  	[sflag:s6] =	ssyncset.done @!p0 $0x0  }
0x34c: {  	s5 =	sadd.s32 $0x1, s5;
	[sflag:s6] =	ssyncadd.s32 @!p0 $0xFFFFF000  }
0x34d: {  	p0 =	sne.s32 s5, $0xA0;
	_ =	swait.ge [sflag:s29], $0x2000  }
.Ltmp3:
0x34e: {  	[sflag:s29] =	ssyncset.done $0x0;
	(pc) =	sbr.rel @p0 .LBB2_4-.Ltmp3, $4  }
0x34f: {  	[sflag:s29] =	ssyncadd.s32 $0xFFFFE000  }
0x350: {  	_ =	swait.ge [sflag:s28], $0x2000  }
0x351: {  	[sflag:s28] =	ssyncset.done $0x0  }
0x352: {  	s26 =	sadd.s32 $0x4000, s26;
	s0 =	sadd.s32 $0x2, s0;
	[sflag:s28] =	ssyncadd.s32 $0xFFFFE000  }
0x353: {  	s1 =	rddreg [dreg:$0xd];
	v1 =	vld [tilespmem:$0x1FF80]  }
0x354: {  	s0 =	rddreg [dreg:$0xc];
	v2 =	vld [tilespmem:$0x1FF90];
	s1 =	sadd.s32 $0x1, s1  }
0x355: {  	v3 =	vld [tilespmem:$0x1FFA0];
	p0 =	sne.s32 s1, s0  }
.Ltmp4:
0x356: {  	v4 =	vld [tilespmem:$0x1FFB0];
	(pc) =	sbr.rel @p0 .LBB2_1-.Ltmp4, $4  }
0x357: {  	v5 =	vld [tilespmem:$0x1FFC0]  }
0x358: {  	v6 =	vld [tilespmem:$0x1FFD0]  }
0x359: {  	v7 =	vld [tilespmem:$0x1FFE0]  }
0x35a: {  	v8 =	vld [tilespmem:$0x1FFF0]  }
0x35b: {  	_ =	sfence.sel $0x180000  }
0x35c: {  	[bflag:$0x0] =	sbarrier.arrive $0xFFFF  }
0x35d: {  	_ =	strace $0x90000047  }
0x35e: {  	s0 =	stileid.u32;
	[bflag:$0x2] =	sbarrier.arrive $0xFFFF  }
0x35f: {  	p0 =	sne.s32 s0, $0x0;
	s0 =	rddreg [dreg:$0x2]  }
0x360: {  	s0 =	sadd.s32 @!p0 $0x100000, s0  }
0x361: {  	[sflag:s0] =	ssyncadd.tile.s32 @!p0 $0x1;
	_ =	shalt  }
.Lfunc_end2:
_tile_overlayer_lowered:
.L_overlay_start_2:
0x362: {  	(tag) =	ssettag $0x2  }
0x363: {  	s0 =	rddreg [dreg:$0x0];
	s2 =	stileid.u32  }
0x364: {  	s1 =	rddreg [dreg:$0x1];
	p0 =	sne.s32 s2, $0x0  }
0x365: {  	s3 =	rddreg [dreg:$0x2];
	[bflag:$0x3] =	sbarrier.arrive $0xFFFF;
	s2 =	simm.s32 @!p0 $0x1C04  }
0x366: {  	[timem:s3], [sflag:s2] =	dma.local @!p0 [hbm:s0], s1  }
0x367: {  	s0 =	simm.s32 @!p0 $0x4  }
0x368: {  	_ =	swait.ge @!p0 [sflag:s0], s1  }
0x369: {  	s1 =	ssub.s32 @!p0 $0x0, s1;
	[sflag:s0] =	ssyncset.done @!p0 $0x0  }
0x36a: {  	[sflag:s0] =	ssyncadd.s32 @!p0 s1  }
0x36b: {  	[bflag:$0x3] =	sbarrier.arrive $0xFFFF  }
0x36c: {  	_ =	shalt  }

</sc_bundles>
